<compile_context>
chip_gen: v7x
topology: tpu7x:2x2x1
jax: 0.10.2.dev20260603
libtpu: 0.0.44.dev20260713+nightly
codegen_flags: <defaults>
</compile_context>

<pallas_src>
import functools

import jax
import jax.numpy as jnp
from jax import lax
from jax.experimental import pallas as pl
from jax.experimental.pallas import tpu as pltpu
from jax.experimental.pallas import tpu_sc as plsc

B, T, C = 16, 2048, 512
NC, NS, L = 2, 16, 16
CW = C // NC
K = 64
NCHUNK = T // K
NBUF = 2
NV = CW // L
G = 8
NG = NV // G


@functools.partial(
    pl.kernel,
    out_type=jax.ShapeDtypeStruct((B, T, 2, C), jnp.float32),
    mesh=plsc.VectorSubcoreMesh(core_axis_name="c", subcore_axis_name="s"),
    compiler_params=pltpu.CompilerParams(needs_layout_passes=False),
    scratch_types=[
        pltpu.VMEM((NBUF, K, CW), jnp.float32),
        pltpu.VMEM((NBUF, 2, K, CW), jnp.float32),
        pltpu.VMEM((CW,), jnp.float32),
        pltpu.VMEM((CW,), jnp.float32),
        pltpu.VMEM((2, CW), jnp.float32),
        pltpu.SemaphoreType.DMA,
        pltpu.SemaphoreType.DMA,
        pltpu.SemaphoreType.DMA,
        pltpu.SemaphoreType.DMA,
    ],
)
def _recurrent_sc(x_hbm, ar_hbm, ai_hbm, out_hbm, in_v, out_v, ar_v, ai_v,
                  st_v, sem_in0, sem_in1, sem_out0, sem_out1):
    cid = lax.axis_index("c")
    sid = lax.axis_index("s")
    b = sid
    c0 = cid * CW
    sems_in = (sem_in0, sem_in1)
    sems_out = (sem_out0, sem_out1)

    pltpu.sync_copy(ar_hbm.at[pl.ds(c0, CW)], ar_v)
    pltpu.sync_copy(ai_hbm.at[pl.ds(c0, CW)], ai_v)

    zf = jnp.zeros((L,), jnp.float32)
    for j in range(NV):
        st_v[0, pl.ds(j * L, L)] = zf
        st_v[1, pl.ds(j * L, L)] = zf

    def in_copy(chunk, buf):
        return pltpu.make_async_copy(
            x_hbm.at[b, pl.ds(chunk * K, K), pl.ds(c0, CW)],
            in_v.at[buf], sems_in[buf])

    def out_copies(chunk, buf):
        return [
            pltpu.make_async_copy(
                out_v.at[buf, p],
                out_hbm.at[b, pl.ds(chunk * K, K), p, pl.ds(c0, CW)],
                sems_out[buf])
            for p in range(2)
        ]

    def compute(buf):
        for g in range(NG):
            base = g * G * L
            sr0 = tuple(st_v[0, pl.ds(base + j * L, L)] for j in range(G))
            si0 = tuple(st_v[1, pl.ds(base + j * L, L)] for j in range(G))
            ar = [ar_v[pl.ds(base + j * L, L)] for j in range(G)]
            ai = [ai_v[pl.ds(base + j * L, L)] for j in range(G)]

            def tbody(t, carry, ar=ar, ai=ai, base=base):
                sr, si = carry
                nsr, nsi = [], []
                for j in range(G):
                    x = in_v[buf, t, pl.ds(base + j * L, L)]
                    nr = sr[j] * ar[j] - si[j] * ai[j] + x
                    ni = sr[j] * ai[j] + si[j] * ar[j]
                    out_v[buf, 0, t, pl.ds(base + j * L, L)] = nr
                    out_v[buf, 1, t, pl.ds(base + j * L, L)] = ni
                    nsr.append(nr)
                    nsi.append(ni)
                return (tuple(nsr), tuple(nsi))

            srf, sif = lax.fori_loop(0, K, tbody, (sr0, si0), unroll=1)
            for j in range(G):
                st_v[0, pl.ds(base + j * L, L)] = srf[j]
                st_v[1, pl.ds(base + j * L, L)] = sif[j]

    in_copy(0, 0).start()
    in_copy(1, 1).start()

    def outer(g2, _):
        for buf in range(NBUF):
            chunk = g2 * NBUF + buf
            in_copy(chunk, buf).wait()

            @pl.when(g2 >= 1)
            def _():
                for c_ in out_copies(chunk - NBUF, buf):
                    c_.wait()

            compute(buf)
            for c_ in out_copies(chunk, buf):
                c_.start()

            @pl.when(g2 < NCHUNK // NBUF - 1)
            def _():
                in_copy(chunk + NBUF, buf).start()
        return 0

    lax.fori_loop(0, NCHUNK // NBUF, outer, 0)
    for c_ in out_copies(NCHUNK - NBUF, 0):
        c_.wait()
    for c_ in out_copies(NCHUNK - 1, 1):
        c_.wait()


def kernel(inputs, A_real, A_imag):
    out = _recurrent_sc(inputs, A_real, A_imag)
    return jnp.transpose(out, (0, 1, 3, 2))

# --- scband reference (transcript-rebuilt; emitter-appended) ---
"""Pipeline reference for scband-quantized-stateful-recurrent-33698313404693 (READ-ONLY COPY).

The authoritative reference and input builder live on the scoring server;
editing this copy changes nothing except your own understanding.
"""

import jax, jax.numpy as jnp
import numpy as np

B, T, C = 16, 2048, 512

def setup_inputs(seed: int = 0) -> dict:
    key = jax.random.key(seed)
    k1, k2, k3 = jax.random.split(key, 3)
    inputs = jax.random.normal(k1, (B, T, C), dtype=jnp.float32)
    # learned diagonal complex transition parameters (built with shape = input channels)
    A_real = jax.random.normal(k2, (C,), dtype=jnp.float32) * 0.1
    A_imag = jax.random.normal(k3, (C,), dtype=jnp.float32) * 0.1
    return {"inputs": inputs, "A_real": A_real, "A_imag": A_imag}

def reference(inputs, A_real, A_imag):
    # Faithful translation of StatefulRecurrent.call:
    # internal state starts at zeros (fresh layer / after reset_layer_states).
    # For each timestep i:
    #   updated_real = state_real * A_real - state_imag * A_imag + inputs[:, i]
    #   updated_imag = A_imag * state_real + A_real * state_imag
    # The per-step states are scattered into the time dimension
    # (tensor_scatter_nd_update in TF), and the output is
    # stack([state_real_seq, state_imag_seq], -1) of shape [B, T, C, 2].
    b, t, c = inputs.shape
    init = (jnp.zeros((b, c), dtype=inputs.dtype), jnp.zeros((b, c), dtype=inputs.dtype))

    def step(carry, x_t):
        state_real, state_imag = carry
        updated_real = state_real * A_real - state_imag * A_imag + x_t
        updated_imag = A_imag * state_real + A_real * state_imag
        return (updated_real, updated_imag), (updated_real, updated_imag)

    xs = jnp.swapaxes(inputs, 0, 1)  # [T, B, C]
    (_, _), (real_seq, imag_seq) = jax.lax.scan(step, init, xs)
    real_seq = jnp.swapaxes(real_seq, 0, 1)  # [B, T, C]
    imag_seq = jnp.swapaxes(imag_seq, 0, 1)  # [B, T, C]
    return jnp.stack([real_seq, imag_seq], axis=-1)  # [B, T, C, 2]

if __name__ == "__main__":
    import jax
    _d = setup_inputs()
    print(jax.jit(kernel)(*tuple(_d.values())))

</pallas_src>

<mosaic_0001>
#map = affine_map<(d0, d1) -> (0, 0, 0)>
#map1 = affine_map<(d0, d1) -> (0)>
#map2 = affine_map<(d0, d1) -> (0, 0, 0, 0)>
module attributes {stable_mosaic.version = 14 : i64} {
  func.func @_recurrent_sc(%arg0: i32, %arg1: i32, %arg2: memref<16x2048x512xf32, #tpu.memory_space<hbm>>, %arg3: memref<512xf32, #tpu.memory_space<hbm>>, %arg4: memref<512xf32, #tpu.memory_space<hbm>>, %arg5: memref<16x2048x2x512xf32, #tpu.memory_space<hbm>>, %arg6: memref<2x64x256xf32, #tpu.memory_space<vmem>>, %arg7: memref<2x2x64x256xf32, #tpu.memory_space<vmem>>, %arg8: memref<256xf32, #tpu.memory_space<vmem>>, %arg9: memref<256xf32, #tpu.memory_space<vmem>>, %arg10: memref<2x256xf32, #tpu.memory_space<vmem>>, %arg11: memref<!tpu.dma_semaphore, #tpu.memory_space<semaphore_mem>>, %arg12: memref<!tpu.dma_semaphore, #tpu.memory_space<semaphore_mem>>, %arg13: memref<!tpu.dma_semaphore, #tpu.memory_space<semaphore_mem>>, %arg14: memref<!tpu.dma_semaphore, #tpu.memory_space<semaphore_mem>>) attributes {dimension_semantics = [#tpu.dimension_semantics<core_parallel>, #tpu.dimension_semantics<subcore_parallel>], iteration_bounds = array<i64: 2, 16>, scalar_prefetch = 0 : i64, scratch_operands = 9 : i64, tpu.core_type = #tpu.core_type<sc_vector_subcore>, window_params = [{transform_indices = #map}, {transform_indices = #map1}, {transform_indices = #map1}, {transform_indices = #map2}]} {
    %mul3A = arith.constant 256 : i32
    %mul3A_0 = arith.muli %arg0, %mul3A : i32
    "tpu.region"() ({
      %run_scoped3A = tpu.sem_alloc : memref<!tpu.dma_semaphore, #tpu.memory_space<semaphore_mem>>
      %dma_start3A_231 = tpu.memref_slice %arg3[%mul3A_0] : memref<512xf32, #tpu.memory_space<hbm>> -> memref<256xf32, #tpu.memory_space<hbm>>
      %dma_start3A_232 = tpu.memref_slice %arg3[%mul3A_0] : memref<512xf32, #tpu.memory_space<hbm>> -> memref<256xf32, #tpu.memory_space<hbm>>
      tpu.enqueue_dma source(%dma_start3A_232 : memref<256xf32, #tpu.memory_space<hbm>>) target(%arg8 : memref<256xf32, #tpu.memory_space<vmem>>) target_semaphore(%run_scoped3A : memref<!tpu.dma_semaphore, #tpu.memory_space<semaphore_mem>>)
      %dma_wait3A_233 = tpu.memref_slice %arg3[%mul3A_0] : memref<512xf32, #tpu.memory_space<hbm>> -> memref<256xf32, #tpu.memory_space<hbm>>
      %dma_wait3A_234 = tpu.memref_slice %arg3[%mul3A_0] : memref<512xf32, #tpu.memory_space<hbm>> -> memref<256xf32, #tpu.memory_space<hbm>>
      tpu.wait_dma2 semaphore(%run_scoped3A : memref<!tpu.dma_semaphore, #tpu.memory_space<semaphore_mem>>) src(%dma_wait3A_234 : memref<256xf32, #tpu.memory_space<hbm>>) dst(%arg8 : memref<256xf32, #tpu.memory_space<vmem>>)
      tpu.yield
    }) : () -> ()
    "tpu.region"() ({
      %run_scoped3A = tpu.sem_alloc : memref<!tpu.dma_semaphore, #tpu.memory_space<semaphore_mem>>
      %dma_start3A_231 = tpu.memref_slice %arg4[%mul3A_0] : memref<512xf32, #tpu.memory_space<hbm>> -> memref<256xf32, #tpu.memory_space<hbm>>
      %dma_start3A_232 = tpu.memref_slice %arg4[%mul3A_0] : memref<512xf32, #tpu.memory_space<hbm>> -> memref<256xf32, #tpu.memory_space<hbm>>
      tpu.enqueue_dma source(%dma_start3A_232 : memref<256xf32, #tpu.memory_space<hbm>>) target(%arg9 : memref<256xf32, #tpu.memory_space<vmem>>) target_semaphore(%run_scoped3A : memref<!tpu.dma_semaphore, #tpu.memory_space<semaphore_mem>>)
      %dma_wait3A_233 = tpu.memref_slice %arg4[%mul3A_0] : memref<512xf32, #tpu.memory_space<hbm>> -> memref<256xf32, #tpu.memory_space<hbm>>
      %dma_wait3A_234 = tpu.memref_slice %arg4[%mul3A_0] : memref<512xf32, #tpu.memory_space<hbm>> -> memref<256xf32, #tpu.memory_space<hbm>>
      tpu.wait_dma2 semaphore(%run_scoped3A : memref<!tpu.dma_semaphore, #tpu.memory_space<semaphore_mem>>) src(%dma_wait3A_234 : memref<256xf32, #tpu.memory_space<hbm>>) dst(%arg9 : memref<256xf32, #tpu.memory_space<vmem>>)
      tpu.yield
    }) : () -> ()
    %broadcast_in_dim3A = arith.constant 0.000000e+00 : f32
    %broadcast_in_dim3A_1 = vector.broadcast %broadcast_in_dim3A : f32 to vector<16xf32>
    %swap3A = arith.constant 0 : i32
    %swap3A_2 = arith.index_cast %swap3A : i32 to index
    %swap3A_3 = arith.constant 0 : index
    %swap3A_4 = tpu.vector_load %arg10[%swap3A_2, %swap3A_3] {strides = array<i32>} : memref<2x256xf32, #tpu.memory_space<vmem>>, vector<16xf32>,
    tpu.vector_store %arg10[%swap3A_2, %swap3A_3], %broadcast_in_dim3A_1 {strides = array<i32>} : memref<2x256xf32, #tpu.memory_space<vmem>>, vector<16xf32>,
    %swap3A_5 = arith.constant 1 : i32
    %swap3A_6 = arith.index_cast %swap3A_5 : i32 to index
    %swap3A_7 = arith.constant 0 : index
    %swap3A_8 = tpu.vector_load %arg10[%swap3A_6, %swap3A_7] {strides = array<i32>} : memref<2x256xf32, #tpu.memory_space<vmem>>, vector<16xf32>,
    tpu.vector_store %arg10[%swap3A_6, %swap3A_7], %broadcast_in_dim3A_1 {strides = array<i32>} : memref<2x256xf32, #tpu.memory_space<vmem>>, vector<16xf32>,
    %swap3A_9 = arith.constant 0 : i32
    %swap3A_10 = arith.index_cast %swap3A_9 : i32 to index
    %swap3A_11 = arith.constant 16 : index
    %swap3A_12 = tpu.vector_load %arg10[%swap3A_10, %swap3A_11] {strides = array<i32>} : memref<2x256xf32, #tpu.memory_space<vmem>>, vector<16xf32>,
    tpu.vector_store %arg10[%swap3A_10, %swap3A_11], %broadcast_in_dim3A_1 {strides = array<i32>} : memref<2x256xf32, #tpu.memory_space<vmem>>, vector<16xf32>,
    %swap3A_13 = arith.constant 1 : i32
    %swap3A_14 = arith.index_cast %swap3A_13 : i32 to index
    %swap3A_15 = arith.constant 16 : index
    %swap3A_16 = tpu.vector_load %arg10[%swap3A_14, %swap3A_15] {strides = array<i32>} : memref<2x256xf32, #tpu.memory_space<vmem>>, vector<16xf32>,
    tpu.vector_store %arg10[%swap3A_14, %swap3A_15], %broadcast_in_dim3A_1 {strides = array<i32>} : memref<2x256xf32, #tpu.memory_space<vmem>>, vector<16xf32>,
    %swap3A_17 = arith.constant 0 : i32
    %swap3A_18 = arith.index_cast %swap3A_17 : i32 to index
    %swap3A_19 = arith.constant 32 : index
    %swap3A_20 = tpu.vector_load %arg10[%swap3A_18, %swap3A_19] {strides = array<i32>} : memref<2x256xf32, #tpu.memory_space<vmem>>, vector<16xf32>,
    tpu.vector_store %arg10[%swap3A_18, %swap3A_19], %broadcast_in_dim3A_1 {strides = array<i32>} : memref<2x256xf32, #tpu.memory_space<vmem>>, vector<16xf32>,
    %swap3A_21 = arith.constant 1 : i32
    %swap3A_22 = arith.index_cast %swap3A_21 : i32 to index
    %swap3A_23 = arith.constant 32 : index
    %swap3A_24 = tpu.vector_load %arg10[%swap3A_22, %swap3A_23] {strides = array<i32>} : memref<2x256xf32, #tpu.memory_space<vmem>>, vector<16xf32>,
    tpu.vector_store %arg10[%swap3A_22, %swap3A_23], %broadcast_in_dim3A_1 {strides = array<i32>} : memref<2x256xf32, #tpu.memory_space<vmem>>, vector<16xf32>,
    %swap3A_25 = arith.constant 0 : i32
    %swap3A_26 = arith.index_cast %swap3A_25 : i32 to index
    %swap3A_27 = arith.constant 48 : index
    %swap3A_28 = tpu.vector_load %arg10[%swap3A_26, %swap3A_27] {strides = array<i32>} : memref<2x256xf32, #tpu.memory_space<vmem>>, vector<16xf32>,
    tpu.vector_store %arg10[%swap3A_26, %swap3A_27], %broadcast_in_dim3A_1 {strides = array<i32>} : memref<2x256xf32, #tpu.memory_space<vmem>>, vector<16xf32>,
    %swap3A_29 = arith.constant 1 : i32
    %swap3A_30 = arith.index_cast %swap3A_29 : i32 to index
    %swap3A_31 = arith.constant 48 : index
    %swap3A_32 = tpu.vector_load %arg10[%swap3A_30, %swap3A_31] {strides = array<i32>} : memref<2x256xf32, #tpu.memory_space<vmem>>, vector<16xf32>,
    tpu.vector_store %arg10[%swap3A_30, %swap3A_31], %broadcast_in_dim3A_1 {strides = array<i32>} : memref<2x256xf32, #tpu.memory_space<vmem>>, vector<16xf32>,
    %swap3A_33 = arith.constant 0 : i32
    %swap3A_34 = arith.index_cast %swap3A_33 : i32 to index
    %swap3A_35 = arith.constant 64 : index
    %swap3A_36 = tpu.vector_load %arg10[%swap3A_34, %swap3A_35] {strides = array<i32>} : memref<2x256xf32, #tpu.memory_space<vmem>>, vector<16xf32>,
    tpu.vector_store %arg10[%swap3A_34, %swap3A_35], %broadcast_in_dim3A_1 {strides = array<i32>} : memref<2x256xf32, #tpu.memory_space<vmem>>, vector<16xf32>,
    %swap3A_37 = arith.constant 1 : i32
    %swap3A_38 = arith.index_cast %swap3A_37 : i32 to index
    %swap3A_39 = arith.constant 64 : index
    %swap3A_40 = tpu.vector_load %arg10[%swap3A_38, %swap3A_39] {strides = array<i32>} : memref<2x256xf32, #tpu.memory_space<vmem>>, vector<16xf32>,
    tpu.vector_store %arg10[%swap3A_38, %swap3A_39], %broadcast_in_dim3A_1 {strides = array<i32>} : memref<2x256xf32, #tpu.memory_space<vmem>>, vector<16xf32>,
    %swap3A_41 = arith.constant 0 : i32
    %swap3A_42 = arith.index_cast %swap3A_41 : i32 to index
    %swap3A_43 = arith.constant 80 : index
    %swap3A_44 = tpu.vector_load %arg10[%swap3A_42, %swap3A_43] {strides = array<i32>} : memref<2x256xf32, #tpu.memory_space<vmem>>, vector<16xf32>,
    tpu.vector_store %arg10[%swap3A_42, %swap3A_43], %broadcast_in_dim3A_1 {strides = array<i32>} : memref<2x256xf32, #tpu.memory_space<vmem>>, vector<16xf32>,
    %swap3A_45 = arith.constant 1 : i32
    %swap3A_46 = arith.index_cast %swap3A_45 : i32 to index
    %swap3A_47 = arith.constant 80 : index
    %swap3A_48 = tpu.vector_load %arg10[%swap3A_46, %swap3A_47] {strides = array<i32>} : memref<2x256xf32, #tpu.memory_space<vmem>>, vector<16xf32>,
    tpu.vector_store %arg10[%swap3A_46, %swap3A_47], %broadcast_in_dim3A_1 {strides = array<i32>} : memref<2x256xf32, #tpu.memory_space<vmem>>, vector<16xf32>,
    %swap3A_49 = arith.constant 0 : i32
    %swap3A_50 = arith.index_cast %swap3A_49 : i32 to index
    %swap3A_51 = arith.constant 96 : index
    %swap3A_52 = tpu.vector_load %arg10[%swap3A_50, %swap3A_51] {strides = array<i32>} : memref<2x256xf32, #tpu.memory_space<vmem>>, vector<16xf32>,
    tpu.vector_store %arg10[%swap3A_50, %swap3A_51], %broadcast_in_dim3A_1 {strides = array<i32>} : memref<2x256xf32, #tpu.memory_space<vmem>>, vector<16xf32>,
    %swap3A_53 = arith.constant 1 : i32
    %swap3A_54 = arith.index_cast %swap3A_53 : i32 to index
    %swap3A_55 = arith.constant 96 : index
    %swap3A_56 = tpu.vector_load %arg10[%swap3A_54, %swap3A_55] {strides = array<i32>} : memref<2x256xf32, #tpu.memory_space<vmem>>, vector<16xf32>,
    tpu.vector_store %arg10[%swap3A_54, %swap3A_55], %broadcast_in_dim3A_1 {strides = array<i32>} : memref<2x256xf32, #tpu.memory_space<vmem>>, vector<16xf32>,
    %swap3A_57 = arith.constant 0 : i32
    %swap3A_58 = arith.index_cast %swap3A_57 : i32 to index
    %swap3A_59 = arith.constant 112 : index
    %swap3A_60 = tpu.vector_load %arg10[%swap3A_58, %swap3A_59] {strides = array<i32>} : memref<2x256xf32, #tpu.memory_space<vmem>>, vector<16xf32>,
    tpu.vector_store %arg10[%swap3A_58, %swap3A_59], %broadcast_in_dim3A_1 {strides = array<i32>} : memref<2x256xf32, #tpu.memory_space<vmem>>, vector<16xf32>,
    %swap3A_61 = arith.constant 1 : i32
    %swap3A_62 = arith.index_cast %swap3A_61 : i32 to index
    %swap3A_63 = arith.constant 112 : index
    %swap3A_64 = tpu.vector_load %arg10[%swap3A_62, %swap3A_63] {strides = array<i32>} : memref<2x256xf32, #tpu.memory_space<vmem>>, vector<16xf32>,
    tpu.vector_store %arg10[%swap3A_62, %swap3A_63], %broadcast_in_dim3A_1 {strides = array<i32>} : memref<2x256xf32, #tpu.memory_space<vmem>>, vector<16xf32>,
    %swap3A_65 = arith.constant 0 : i32
    %swap3A_66 = arith.index_cast %swap3A_65 : i32 to index
    %swap3A_67 = arith.constant 128 : index
    %swap3A_68 = tpu.vector_load %arg10[%swap3A_66, %swap3A_67] {strides = array<i32>} : memref<2x256xf32, #tpu.memory_space<vmem>>, vector<16xf32>,
    tpu.vector_store %arg10[%swap3A_66, %swap3A_67], %broadcast_in_dim3A_1 {strides = array<i32>} : memref<2x256xf32, #tpu.memory_space<vmem>>, vector<16xf32>,
    %swap3A_69 = arith.constant 1 : i32
    %swap3A_70 = arith.index_cast %swap3A_69 : i32 to index
    %swap3A_71 = arith.constant 128 : index
    %swap3A_72 = tpu.vector_load %arg10[%swap3A_70, %swap3A_71] {strides = array<i32>} : memref<2x256xf32, #tpu.memory_space<vmem>>, vector<16xf32>,
    tpu.vector_store %arg10[%swap3A_70, %swap3A_71], %broadcast_in_dim3A_1 {strides = array<i32>} : memref<2x256xf32, #tpu.memory_space<vmem>>, vector<16xf32>,
    %swap3A_73 = arith.constant 0 : i32
    %swap3A_74 = arith.index_cast %swap3A_73 : i32 to index
    %swap3A_75 = arith.constant 144 : index
    %swap3A_76 = tpu.vector_load %arg10[%swap3A_74, %swap3A_75] {strides = array<i32>} : memref<2x256xf32, #tpu.memory_space<vmem>>, vector<16xf32>,
    tpu.vector_store %arg10[%swap3A_74, %swap3A_75], %broadcast_in_dim3A_1 {strides = array<i32>} : memref<2x256xf32, #tpu.memory_space<vmem>>, vector<16xf32>,
    %swap3A_77 = arith.constant 1 : i32
    %swap3A_78 = arith.index_cast %swap3A_77 : i32 to index
    %swap3A_79 = arith.constant 144 : index
    %swap3A_80 = tpu.vector_load %arg10[%swap3A_78, %swap3A_79] {strides = array<i32>} : memref<2x256xf32, #tpu.memory_space<vmem>>, vector<16xf32>,
    tpu.vector_store %arg10[%swap3A_78, %swap3A_79], %broadcast_in_dim3A_1 {strides = array<i32>} : memref<2x256xf32, #tpu.memory_space<vmem>>, vector<16xf32>,
    %swap3A_81 = arith.constant 0 : i32
    %swap3A_82 = arith.index_cast %swap3A_81 : i32 to index
    %swap3A_83 = arith.constant 160 : index
    %swap3A_84 = tpu.vector_load %arg10[%swap3A_82, %swap3A_83] {strides = array<i32>} : memref<2x256xf32, #tpu.memory_space<vmem>>, vector<16xf32>,
    tpu.vector_store %arg10[%swap3A_82, %swap3A_83], %broadcast_in_dim3A_1 {strides = array<i32>} : memref<2x256xf32, #tpu.memory_space<vmem>>, vector<16xf32>,
    %swap3A_85 = arith.constant 1 : i32
    %swap3A_86 = arith.index_cast %swap3A_85 : i32 to index
    %swap3A_87 = arith.constant 160 : index
    %swap3A_88 = tpu.vector_load %arg10[%swap3A_86, %swap3A_87] {strides = array<i32>} : memref<2x256xf32, #tpu.memory_space<vmem>>, vector<16xf32>,
    tpu.vector_store %arg10[%swap3A_86, %swap3A_87], %broadcast_in_dim3A_1 {strides = array<i32>} : memref<2x256xf32, #tpu.memory_space<vmem>>, vector<16xf32>,
    %swap3A_89 = arith.constant 0 : i32
    %swap3A_90 = arith.index_cast %swap3A_89 : i32 to index
    %swap3A_91 = arith.constant 176 : index
    %swap3A_92 = tpu.vector_load %arg10[%swap3A_90, %swap3A_91] {strides = array<i32>} : memref<2x256xf32, #tpu.memory_space<vmem>>, vector<16xf32>,
    tpu.vector_store %arg10[%swap3A_90, %swap3A_91], %broadcast_in_dim3A_1 {strides = array<i32>} : memref<2x256xf32, #tpu.memory_space<vmem>>, vector<16xf32>,
    %swap3A_93 = arith.constant 1 : i32
    %swap3A_94 = arith.index_cast %swap3A_93 : i32 to index
    %swap3A_95 = arith.constant 176 : index
    %swap3A_96 = tpu.vector_load %arg10[%swap3A_94, %swap3A_95] {strides = array<i32>} : memref<2x256xf32, #tpu.memory_space<vmem>>, vector<16xf32>,
    tpu.vector_store %arg10[%swap3A_94, %swap3A_95], %broadcast_in_dim3A_1 {strides = array<i32>} : memref<2x256xf32, #tpu.memory_space<vmem>>, vector<16xf32>,
    %swap3A_97 = arith.constant 0 : i32
    %swap3A_98 = arith.index_cast %swap3A_97 : i32 to index
    %swap3A_99 = arith.constant 192 : index
    %swap3A_100 = tpu.vector_load %arg10[%swap3A_98, %swap3A_99] {strides = array<i32>} : memref<2x256xf32, #tpu.memory_space<vmem>>, vector<16xf32>,
    tpu.vector_store %arg10[%swap3A_98, %swap3A_99], %broadcast_in_dim3A_1 {strides = array<i32>} : memref<2x256xf32, #tpu.memory_space<vmem>>, vector<16xf32>,
    %swap3A_101 = arith.constant 1 : i32
    %swap3A_102 = arith.index_cast %swap3A_101 : i32 to index
    %swap3A_103 = arith.constant 192 : index
    %swap3A_104 = tpu.vector_load %arg10[%swap3A_102, %swap3A_103] {strides = array<i32>} : memref<2x256xf32, #tpu.memory_space<vmem>>, vector<16xf32>,
    tpu.vector_store %arg10[%swap3A_102, %swap3A_103], %broadcast_in_dim3A_1 {strides = array<i32>} : memref<2x256xf32, #tpu.memory_space<vmem>>, vector<16xf32>,
    %swap3A_105 = arith.constant 0 : i32
    %swap3A_106 = arith.index_cast %swap3A_105 : i32 to index
    %swap3A_107 = arith.constant 208 : index
    %swap3A_108 = tpu.vector_load %arg10[%swap3A_106, %swap3A_107] {strides = array<i32>} : memref<2x256xf32, #tpu.memory_space<vmem>>, vector<16xf32>,
    tpu.vector_store %arg10[%swap3A_106, %swap3A_107], %broadcast_in_dim3A_1 {strides = array<i32>} : memref<2x256xf32, #tpu.memory_space<vmem>>, vector<16xf32>,
    %swap3A_109 = arith.constant 1 : i32
    %swap3A_110 = arith.index_cast %swap3A_109 : i32 to index
    %swap3A_111 = arith.constant 208 : index
    %swap3A_112 = tpu.vector_load %arg10[%swap3A_110, %swap3A_111] {strides = array<i32>} : memref<2x256xf32, #tpu.memory_space<vmem>>, vector<16xf32>,
    tpu.vector_store %arg10[%swap3A_110, %swap3A_111], %broadcast_in_dim3A_1 {strides = array<i32>} : memref<2x256xf32, #tpu.memory_space<vmem>>, vector<16xf32>,
    %swap3A_113 = arith.constant 0 : i32
    %swap3A_114 = arith.index_cast %swap3A_113 : i32 to index
    %swap3A_115 = arith.constant 224 : index
    %swap3A_116 = tpu.vector_load %arg10[%swap3A_114, %swap3A_115] {strides = array<i32>} : memref<2x256xf32, #tpu.memory_space<vmem>>, vector<16xf32>,
    tpu.vector_store %arg10[%swap3A_114, %swap3A_115], %broadcast_in_dim3A_1 {strides = array<i32>} : memref<2x256xf32, #tpu.memory_space<vmem>>, vector<16xf32>,
    %swap3A_117 = arith.constant 1 : i32
    %swap3A_118 = arith.index_cast %swap3A_117 : i32 to index
    %swap3A_119 = arith.constant 224 : index
    %swap3A_120 = tpu.vector_load %arg10[%swap3A_118, %swap3A_119] {strides = array<i32>} : memref<2x256xf32, #tpu.memory_space<vmem>>, vector<16xf32>,
    tpu.vector_store %arg10[%swap3A_118, %swap3A_119], %broadcast_in_dim3A_1 {strides = array<i32>} : memref<2x256xf32, #tpu.memory_space<vmem>>, vector<16xf32>,
    %swap3A_121 = arith.constant 0 : i32
    %swap3A_122 = arith.index_cast %swap3A_121 : i32 to index
    %swap3A_123 = arith.constant 240 : index
    %swap3A_124 = tpu.vector_load %arg10[%swap3A_122, %swap3A_123] {strides = array<i32>} : memref<2x256xf32, #tpu.memory_space<vmem>>, vector<16xf32>,
    tpu.vector_store %arg10[%swap3A_122, %swap3A_123], %broadcast_in_dim3A_1 {strides = array<i32>} : memref<2x256xf32, #tpu.memory_space<vmem>>, vector<16xf32>,
    %swap3A_125 = arith.constant 1 : i32
    %swap3A_126 = arith.index_cast %swap3A_125 : i32 to index
    %swap3A_127 = arith.constant 240 : index
    %swap3A_128 = tpu.vector_load %arg10[%swap3A_126, %swap3A_127] {strides = array<i32>} : memref<2x256xf32, #tpu.memory_space<vmem>>, vector<16xf32>,
    tpu.vector_store %arg10[%swap3A_126, %swap3A_127], %broadcast_in_dim3A_1 {strides = array<i32>} : memref<2x256xf32, #tpu.memory_space<vmem>>, vector<16xf32>,
    %dma_start3A = arith.constant 0 : i32
    %dma_start3A_129 = arith.constant 0 : i32
    %dma_start3A_130 = arith.constant 0 : i32
    %dma_start3A_131 = tpu.memref_slice %arg6[%dma_start3A, %dma_start3A_129, %dma_start3A_130] : memref<2x64x256xf32, #tpu.memory_space<vmem>> -> memref<1x64x256xf32, #tpu.memory_space<vmem>>
    %dma_start3A_132 = tpu.memref_squeeze %dma_start3A_131 : memref<1x64x256xf32, #tpu.memory_space<vmem>> -> memref<64x256xf32, #tpu.memory_space<vmem>>
    %dma_start3A_133 = arith.constant 0 : i32
    %dma_start3A_134 = tpu.memref_slice %arg2[%arg1, %dma_start3A_133, %mul3A_0] : memref<16x2048x512xf32, #tpu.memory_space<hbm>> -> memref<1x64x256xf32, #tpu.memory_space<hbm>>
    %dma_start3A_135 = tpu.memref_squeeze %dma_start3A_134 : memref<1x64x256xf32, #tpu.memory_space<hbm>> -> memref<64x256xf32, #tpu.memory_space<hbm>>
    %dma_start3A_136 = arith.constant 0 : i32
    %dma_start3A_137 = arith.constant 0 : i32
    %dma_start3A_138 = tpu.memref_slice %arg6[%dma_start3A, %dma_start3A_136, %dma_start3A_137] : memref<2x64x256xf32, #tpu.memory_space<vmem>> -> memref<1x64x256xf32, #tpu.memory_space<vmem>>
    %dma_start3A_139 = tpu.memref_squeeze %dma_start3A_138 : memref<1x64x256xf32, #tpu.memory_space<vmem>> -> memref<64x256xf32, #tpu.memory_space<vmem>>
    %dma_start3A_140 = arith.constant 0 : i32
    %dma_start3A_141 = tpu.memref_slice %arg2[%arg1, %dma_start3A_140, %mul3A_0] : memref<16x2048x512xf32, #tpu.memory_space<hbm>> -> memref<1x64x256xf32, #tpu.memory_space<hbm>>
    %dma_start3A_142 = tpu.memref_squeeze %dma_start3A_141 : memref<1x64x256xf32, #tpu.memory_space<hbm>> -> memref<64x256xf32, #tpu.memory_space<hbm>>
    tpu.enqueue_dma source(%dma_start3A_142 : memref<64x256xf32, #tpu.memory_space<hbm>>) target(%dma_start3A_139 : memref<64x256xf32, #tpu.memory_space<vmem>>) target_semaphore(%arg11 : memref<!tpu.dma_semaphore, #tpu.memory_space<semaphore_mem>>)
    %dma_start3A_143 = arith.constant 1 : i32
    %dma_start3A_144 = arith.constant 0 : i32
    %dma_start3A_145 = arith.constant 0 : i32
    %dma_start3A_146 = tpu.memref_slice %arg6[%dma_start3A_143, %dma_start3A_144, %dma_start3A_145] : memref<2x64x256xf32, #tpu.memory_space<vmem>> -> memref<1x64x256xf32, #tpu.memory_space<vmem>>
    %dma_start3A_147 = tpu.memref_squeeze %dma_start3A_146 : memref<1x64x256xf32, #tpu.memory_space<vmem>> -> memref<64x256xf32, #tpu.memory_space<vmem>>
    %dma_start3A_148 = arith.constant 64 : i32
    %dma_start3A_149 = tpu.memref_slice %arg2[%arg1, %dma_start3A_148, %mul3A_0] : memref<16x2048x512xf32, #tpu.memory_space<hbm>> -> memref<1x64x256xf32, #tpu.memory_space<hbm>>
    %dma_start3A_150 = tpu.memref_squeeze %dma_start3A_149 : memref<1x64x256xf32, #tpu.memory_space<hbm>> -> memref<64x256xf32, #tpu.memory_space<hbm>>
    %dma_start3A_151 = arith.constant 0 : i32
    %dma_start3A_152 = arith.constant 0 : i32
    %dma_start3A_153 = tpu.memref_slice %arg6[%dma_start3A_143, %dma_start3A_151, %dma_start3A_152] : memref<2x64x256xf32, #tpu.memory_space<vmem>> -> memref<1x64x256xf32, #tpu.memory_space<vmem>>
    %dma_start3A_154 = tpu.memref_squeeze %dma_start3A_153 : memref<1x64x256xf32, #tpu.memory_space<vmem>> -> memref<64x256xf32, #tpu.memory_space<vmem>>
    %dma_start3A_155 = arith.constant 64 : i32
    %dma_start3A_156 = tpu.memref_slice %arg2[%arg1, %dma_start3A_155, %mul3A_0] : memref<16x2048x512xf32, #tpu.memory_space<hbm>> -> memref<1x64x256xf32, #tpu.memory_space<hbm>>
    %dma_start3A_157 = tpu.memref_squeeze %dma_start3A_156 : memref<1x64x256xf32, #tpu.memory_space<hbm>> -> memref<64x256xf32, #tpu.memory_space<hbm>>
    tpu.enqueue_dma source(%dma_start3A_157 : memref<64x256xf32, #tpu.memory_space<hbm>>) target(%dma_start3A_154 : memref<64x256xf32, #tpu.memory_space<vmem>>) target_semaphore(%arg12 : memref<!tpu.dma_semaphore, #tpu.memory_space<semaphore_mem>>)
    %scan3A = arith.constant 0 : i32
    %scan3A_158 = arith.constant 0 : i32
    %scan3A_159 = arith.constant 16 : i32
    %scan3A_160 = arith.addi %scan3A_158, %scan3A_159 : i32
    %scan3A_161 = arith.constant 1 : i32
    %scan3A_162 = scf.for %scan3A_231 = %scan3A_158 to %scan3A_160 step %scan3A_161 iter_args(%scan3A_232 = %scan3A) -> (i32)  : i32 {
      %mul3A_233 = arith.constant 2 : i32
      %mul3A_234 = arith.muli %scan3A_231, %mul3A_233 : i32
      %add3A = arith.constant 0 : i32
      %add3A_235 = arith.addi %mul3A_234, %add3A : i32
      %mul3A_236 = arith.constant 64 : i32
      %mul3A_237 = arith.muli %add3A_235, %mul3A_236 : i32
      %dma_wait3A_238 = arith.constant 0 : i32
      %dma_wait3A_239 = arith.constant 0 : i32
      %dma_wait3A_240 = arith.constant 0 : i32
      %dma_wait3A_241 = tpu.memref_slice %arg6[%dma_wait3A_238, %dma_wait3A_239, %dma_wait3A_240] : memref<2x64x256xf32, #tpu.memory_space<vmem>> -> memref<1x64x256xf32, #tpu.memory_space<vmem>>
      %dma_wait3A_242 = tpu.memref_squeeze %dma_wait3A_241 : memref<1x64x256xf32, #tpu.memory_space<vmem>> -> memref<64x256xf32, #tpu.memory_space<vmem>>
      %dma_wait3A_243 = tpu.memref_slice %arg2[%arg1, %mul3A_237, %mul3A_0] : memref<16x2048x512xf32, #tpu.memory_space<hbm>> -> memref<1x64x256xf32, #tpu.memory_space<hbm>>
      %dma_wait3A_244 = tpu.memref_squeeze %dma_wait3A_243 : memref<1x64x256xf32, #tpu.memory_space<hbm>> -> memref<64x256xf32, #tpu.memory_space<hbm>>
      %dma_wait3A_245 = arith.constant 0 : i32
      %dma_wait3A_246 = arith.constant 0 : i32
      %dma_wait3A_247 = tpu.memref_slice %arg6[%dma_wait3A_238, %dma_wait3A_245, %dma_wait3A_246] : memref<2x64x256xf32, #tpu.memory_space<vmem>> -> memref<1x64x256xf32, #tpu.memory_space<vmem>>
      %dma_wait3A_248 = tpu.memref_squeeze %dma_wait3A_247 : memref<1x64x256xf32, #tpu.memory_space<vmem>> -> memref<64x256xf32, #tpu.memory_space<vmem>>
      %dma_wait3A_249 = tpu.memref_slice %arg2[%arg1, %mul3A_237, %mul3A_0] : memref<16x2048x512xf32, #tpu.memory_space<hbm>> -> memref<1x64x256xf32, #tpu.memory_space<hbm>>
      %dma_wait3A_250 = tpu.memref_squeeze %dma_wait3A_249 : memref<1x64x256xf32, #tpu.memory_space<hbm>> -> memref<64x256xf32, #tpu.memory_space<hbm>>
      tpu.wait_dma2 semaphore(%arg11 : memref<!tpu.dma_semaphore, #tpu.memory_space<semaphore_mem>>) src(%dma_wait3A_250 : memref<64x256xf32, #tpu.memory_space<hbm>>) dst(%dma_wait3A_248 : memref<64x256xf32, #tpu.memory_space<vmem>>)
      %ge3A = arith.constant 1 : i32
      %ge3A_251 = arith.cmpi sge, %scan3A_231, %ge3A : i32
      %convert_element_type3A = arith.extui %ge3A_251 : i1 to i32
      %cond3A = arith.constant 0 : i32
      %cond3A_252 = arith.cmpi ne, %convert_element_type3A, %cond3A : i32
      scf.if %cond3A_252 {
        %sub3A = arith.constant 2 : i32
        %sub3A_1018 = arith.subi %add3A_235, %sub3A : i32
        %mul3A_1019 = arith.constant 64 : i32
        %mul3A_1020 = arith.muli %sub3A_1018, %mul3A_1019 : i32
        %mul3A_1021 = arith.constant 64 : i32
        %mul3A_1022 = arith.muli %sub3A_1018, %mul3A_1021 : i32
        %dma_wait3A_1023 = arith.constant 0 : i32
        %dma_wait3A_1024 = arith.constant 0 : i32
        %dma_wait3A_1025 = arith.constant 0 : i32
        %dma_wait3A_1026 = arith.constant 0 : i32
        %dma_wait3A_1027 = arith.constant 0 : i32
        %dma_wait3A_1028 = tpu.memref_slice %arg7[%dma_wait3A_1023, %dma_wait3A_1024, %dma_wait3A_1026, %dma_wait3A_1027] : memref<2x2x64x256xf32, #tpu.memory_space<vmem>> -> memref<1x1x64x256xf32, #tpu.memory_space<vmem>>
        %dma_wait3A_1029 = tpu.memref_squeeze %dma_wait3A_1028 : memref<1x1x64x256xf32, #tpu.memory_space<vmem>> -> memref<64x256xf32, #tpu.memory_space<vmem>>
        %dma_wait3A_1030 = tpu.memref_slice %arg5[%arg1, %mul3A_1020, %dma_wait3A_1025, %mul3A_0] : memref<16x2048x2x512xf32, #tpu.memory_space<hbm>> -> memref<1x64x1x256xf32, #tpu.memory_space<hbm>>
        %dma_wait3A_1031 = tpu.memref_squeeze %dma_wait3A_1030 : memref<1x64x1x256xf32, #tpu.memory_space<hbm>> -> memref<64x256xf32, #tpu.memory_space<hbm>>
        %dma_wait3A_1032 = tpu.memref_slice %arg5[%arg1, %mul3A_1020, %dma_wait3A_1025, %mul3A_0] : memref<16x2048x2x512xf32, #tpu.memory_space<hbm>> -> memref<1x64x1x256xf32, #tpu.memory_space<hbm>>
        %dma_wait3A_1033 = tpu.memref_squeeze %dma_wait3A_1032 : memref<1x64x1x256xf32, #tpu.memory_space<hbm>> -> memref<64x256xf32, #tpu.memory_space<hbm>>
        %dma_wait3A_1034 = arith.constant 0 : i32
        %dma_wait3A_1035 = arith.constant 0 : i32
        %dma_wait3A_1036 = tpu.memref_slice %arg7[%dma_wait3A_1023, %dma_wait3A_1024, %dma_wait3A_1034, %dma_wait3A_1035] : memref<2x2x64x256xf32, #tpu.memory_space<vmem>> -> memref<1x1x64x256xf32, #tpu.memory_space<vmem>>
        %dma_wait3A_1037 = tpu.memref_squeeze %dma_wait3A_1036 : memref<1x1x64x256xf32, #tpu.memory_space<vmem>> -> memref<64x256xf32, #tpu.memory_space<vmem>>
        tpu.wait_dma2 semaphore(%arg13 : memref<!tpu.dma_semaphore, #tpu.memory_space<semaphore_mem>>) src(%dma_wait3A_1037 : memref<64x256xf32, #tpu.memory_space<vmem>>) dst(%dma_wait3A_1033 : memref<64x256xf32, #tpu.memory_space<hbm>>)
        %dma_wait3A_1038 = arith.constant 0 : i32
        %dma_wait3A_1039 = arith.constant 1 : i32
        %dma_wait3A_1040 = arith.constant 1 : i32
        %dma_wait3A_1041 = arith.constant 0 : i32
        %dma_wait3A_1042 = arith.constant 0 : i32
        %dma_wait3A_1043 = tpu.memref_slice %arg7[%dma_wait3A_1038, %dma_wait3A_1039, %dma_wait3A_1041, %dma_wait3A_1042] : memref<2x2x64x256xf32, #tpu.memory_space<vmem>> -> memref<1x1x64x256xf32, #tpu.memory_space<vmem>>
        %dma_wait3A_1044 = tpu.memref_squeeze %dma_wait3A_1043 : memref<1x1x64x256xf32, #tpu.memory_space<vmem>> -> memref<64x256xf32, #tpu.memory_space<vmem>>
        %dma_wait3A_1045 = tpu.memref_slice %arg5[%arg1, %mul3A_1022, %dma_wait3A_1040, %mul3A_0] : memref<16x2048x2x512xf32, #tpu.memory_space<hbm>> -> memref<1x64x1x256xf32, #tpu.memory_space<hbm>>
        %dma_wait3A_1046 = tpu.memref_squeeze %dma_wait3A_1045 : memref<1x64x1x256xf32, #tpu.memory_space<hbm>> -> memref<64x256xf32, #tpu.memory_space<hbm>>
        %dma_wait3A_1047 = tpu.memref_slice %arg5[%arg1, %mul3A_1022, %dma_wait3A_1040, %mul3A_0] : memref<16x2048x2x512xf32, #tpu.memory_space<hbm>> -> memref<1x64x1x256xf32, #tpu.memory_space<hbm>>
        %dma_wait3A_1048 = tpu.memref_squeeze %dma_wait3A_1047 : memref<1x64x1x256xf32, #tpu.memory_space<hbm>> -> memref<64x256xf32, #tpu.memory_space<hbm>>
        %dma_wait3A_1049 = arith.constant 0 : i32
        %dma_wait3A_1050 = arith.constant 0 : i32
        %dma_wait3A_1051 = tpu.memref_slice %arg7[%dma_wait3A_1038, %dma_wait3A_1039, %dma_wait3A_1049, %dma_wait3A_1050] : memref<2x2x64x256xf32, #tpu.memory_space<vmem>> -> memref<1x1x64x256xf32, #tpu.memory_space<vmem>>
        %dma_wait3A_1052 = tpu.memref_squeeze %dma_wait3A_1051 : memref<1x1x64x256xf32, #tpu.memory_space<vmem>> -> memref<64x256xf32, #tpu.memory_space<vmem>>
        tpu.wait_dma2 semaphore(%arg13 : memref<!tpu.dma_semaphore, #tpu.memory_space<semaphore_mem>>) src(%dma_wait3A_1052 : memref<64x256xf32, #tpu.memory_space<vmem>>) dst(%dma_wait3A_1048 : memref<64x256xf32, #tpu.memory_space<hbm>>)
      } else {
      }
      %get3A = arith.constant 0 : i32
      %get3A_253 = arith.index_cast %get3A : i32 to index
      %get3A_254 = arith.constant 0 : index
      %get3A_255 = tpu.vector_load %arg10[%get3A_253, %get3A_254] {strides = array<i32>} : memref<2x256xf32, #tpu.memory_space<vmem>>, vector<16xf32>,
      %get3A_256 = arith.constant 0 : i32
      %get3A_257 = arith.index_cast %get3A_256 : i32 to index
      %get3A_258 = arith.constant 16 : index
      %get3A_259 = tpu.vector_load %arg10[%get3A_257, %get3A_258] {strides = array<i32>} : memref<2x256xf32, #tpu.memory_space<vmem>>, vector<16xf32>,
      %get3A_260 = arith.constant 0 : i32
      %get3A_261 = arith.index_cast %get3A_260 : i32 to index
      %get3A_262 = arith.constant 32 : index
      %get3A_263 = tpu.vector_load %arg10[%get3A_261, %get3A_262] {strides = array<i32>} : memref<2x256xf32, #tpu.memory_space<vmem>>, vector<16xf32>,
      %get3A_264 = arith.constant 0 : i32
      %get3A_265 = arith.index_cast %get3A_264 : i32 to index
      %get3A_266 = arith.constant 48 : index
      %get3A_267 = tpu.vector_load %arg10[%get3A_265, %get3A_266] {strides = array<i32>} : memref<2x256xf32, #tpu.memory_space<vmem>>, vector<16xf32>,
      %get3A_268 = arith.constant 0 : i32
      %get3A_269 = arith.index_cast %get3A_268 : i32 to index
      %get3A_270 = arith.constant 64 : index
      %get3A_271 = tpu.vector_load %arg10[%get3A_269, %get3A_270] {strides = array<i32>} : memref<2x256xf32, #tpu.memory_space<vmem>>, vector<16xf32>,
      %get3A_272 = arith.constant 0 : i32
      %get3A_273 = arith.index_cast %get3A_272 : i32 to index
      %get3A_274 = arith.constant 80 : index
      %get3A_275 = tpu.vector_load %arg10[%get3A_273, %get3A_274] {strides = array<i32>} : memref<2x256xf32, #tpu.memory_space<vmem>>, vector<16xf32>,
      %get3A_276 = arith.constant 0 : i32
      %get3A_277 = arith.index_cast %get3A_276 : i32 to index
      %get3A_278 = arith.constant 96 : index
      %get3A_279 = tpu.vector_load %arg10[%get3A_277, %get3A_278] {strides = array<i32>} : memref<2x256xf32, #tpu.memory_space<vmem>>, vector<16xf32>,
      %get3A_280 = arith.constant 0 : i32
      %get3A_281 = arith.index_cast %get3A_280 : i32 to index
      %get3A_282 = arith.constant 112 : index
      %get3A_283 = tpu.vector_load %arg10[%get3A_281, %get3A_282] {strides = array<i32>} : memref<2x256xf32, #tpu.memory_space<vmem>>, vector<16xf32>,
      %get3A_284 = arith.constant 1 : i32
      %get3A_285 = arith.index_cast %get3A_284 : i32 to index
      %get3A_286 = arith.constant 0 : index
      %get3A_287 = tpu.vector_load %arg10[%get3A_285, %get3A_286] {strides = array<i32>} : memref<2x256xf32, #tpu.memory_space<vmem>>, vector<16xf32>,
      %get3A_288 = arith.constant 1 : i32
      %get3A_289 = arith.index_cast %get3A_288 : i32 to index
      %get3A_290 = arith.constant 16 : index
      %get3A_291 = tpu.vector_load %arg10[%get3A_289, %get3A_290] {strides = array<i32>} : memref<2x256xf32, #tpu.memory_space<vmem>>, vector<16xf32>,
      %get3A_292 = arith.constant 1 : i32
      %get3A_293 = arith.index_cast %get3A_292 : i32 to index
      %get3A_294 = arith.constant 32 : index
      %get3A_295 = tpu.vector_load %arg10[%get3A_293, %get3A_294] {strides = array<i32>} : memref<2x256xf32, #tpu.memory_space<vmem>>, vector<16xf32>,
      %get3A_296 = arith.constant 1 : i32
      %get3A_297 = arith.index_cast %get3A_296 : i32 to index
      %get3A_298 = arith.constant 48 : index
      %get3A_299 = tpu.vector_load %arg10[%get3A_297, %get3A_298] {strides = array<i32>} : memref<2x256xf32, #tpu.memory_space<vmem>>, vector<16xf32>,
      %get3A_300 = arith.constant 1 : i32
      %get3A_301 = arith.index_cast %get3A_300 : i32 to index
      %get3A_302 = arith.constant 64 : index
      %get3A_303 = tpu.vector_load %arg10[%get3A_301, %get3A_302] {strides = array<i32>} : memref<2x256xf32, #tpu.memory_space<vmem>>, vector<16xf32>,
      %get3A_304 = arith.constant 1 : i32
      %get3A_305 = arith.index_cast %get3A_304 : i32 to index
      %get3A_306 = arith.constant 80 : index
      %get3A_307 = tpu.vector_load %arg10[%get3A_305, %get3A_306] {strides = array<i32>} : memref<2x256xf32, #tpu.memory_space<vmem>>, vector<16xf32>,
      %get3A_308 = arith.constant 1 : i32
      %get3A_309 = arith.index_cast %get3A_308 : i32 to index
      %get3A_310 = arith.constant 96 : index
      %get3A_311 = tpu.vector_load %arg10[%get3A_309, %get3A_310] {strides = array<i32>} : memref<2x256xf32, #tpu.memory_space<vmem>>, vector<16xf32>,
      %get3A_312 = arith.constant 1 : i32
      %get3A_313 = arith.index_cast %get3A_312 : i32 to index
      %get3A_314 = arith.constant 112 : index
      %get3A_315 = tpu.vector_load %arg10[%get3A_313, %get3A_314] {strides = array<i32>} : memref<2x256xf32, #tpu.memory_space<vmem>>, vector<16xf32>,
      %get3A_316 = arith.constant 0 : index
      %get3A_317 = tpu.vector_load %arg8[%get3A_316] {strides = array<i32>} : memref<256xf32, #tpu.memory_space<vmem>>, vector<16xf32>,
      %get3A_318 = arith.constant 16 : index
      %get3A_319 = tpu.vector_load %arg8[%get3A_318] {strides = array<i32>} : memref<256xf32, #tpu.memory_space<vmem>>, vector<16xf32>,
      %get3A_320 = arith.constant 32 : index
      %get3A_321 = tpu.vector_load %arg8[%get3A_320] {strides = array<i32>} : memref<256xf32, #tpu.memory_space<vmem>>, vector<16xf32>,
      %get3A_322 = arith.constant 48 : index
      %get3A_323 = tpu.vector_load %arg8[%get3A_322] {strides = array<i32>} : memref<256xf32, #tpu.memory_space<vmem>>, vector<16xf32>,
      %get3A_324 = arith.constant 64 : index
      %get3A_325 = tpu.vector_load %arg8[%get3A_324] {strides = array<i32>} : memref<256xf32, #tpu.memory_space<vmem>>, vector<16xf32>,
      %get3A_326 = arith.constant 80 : index
      %get3A_327 = tpu.vector_load %arg8[%get3A_326] {strides = array<i32>} : memref<256xf32, #tpu.memory_space<vmem>>, vector<16xf32>,
      %get3A_328 = arith.constant 96 : index
      %get3A_329 = tpu.vector_load %arg8[%get3A_328] {strides = array<i32>} : memref<256xf32, #tpu.memory_space<vmem>>, vector<16xf32>,
      %get3A_330 = arith.constant 112 : index
      %get3A_331 = tpu.vector_load %arg8[%get3A_330] {strides = array<i32>} : memref<256xf32, #tpu.memory_space<vmem>>, vector<16xf32>,
      %get3A_332 = arith.constant 0 : index
      %get3A_333 = tpu.vector_load %arg9[%get3A_332] {strides = array<i32>} : memref<256xf32, #tpu.memory_space<vmem>>, vector<16xf32>,
      %get3A_334 = arith.constant 16 : index
      %get3A_335 = tpu.vector_load %arg9[%get3A_334] {strides = array<i32>} : memref<256xf32, #tpu.memory_space<vmem>>, vector<16xf32>,
      %get3A_336 = arith.constant 32 : index
      %get3A_337 = tpu.vector_load %arg9[%get3A_336] {strides = array<i32>} : memref<256xf32, #tpu.memory_space<vmem>>, vector<16xf32>,
      %get3A_338 = arith.constant 48 : index
      %get3A_339 = tpu.vector_load %arg9[%get3A_338] {strides = array<i32>} : memref<256xf32, #tpu.memory_space<vmem>>, vector<16xf32>,
      %get3A_340 = arith.constant 64 : index
      %get3A_341 = tpu.vector_load %arg9[%get3A_340] {strides = array<i32>} : memref<256xf32, #tpu.memory_space<vmem>>, vector<16xf32>,
      %get3A_342 = arith.constant 80 : index
      %get3A_343 = tpu.vector_load %arg9[%get3A_342] {strides = array<i32>} : memref<256xf32, #tpu.memory_space<vmem>>, vector<16xf32>,
      %get3A_344 = arith.constant 96 : index
      %get3A_345 = tpu.vector_load %arg9[%get3A_344] {strides = array<i32>} : memref<256xf32, #tpu.memory_space<vmem>>, vector<16xf32>,
      %get3A_346 = arith.constant 112 : index
      %get3A_347 = tpu.vector_load %arg9[%get3A_346] {strides = array<i32>} : memref<256xf32, #tpu.memory_space<vmem>>, vector<16xf32>,
      %scan3A_348 = arith.constant 0 : i32
      %scan3A_349 = arith.constant 64 : i32
      %scan3A_350 = arith.addi %scan3A_348, %scan3A_349 : i32
      %scan3A_351 = arith.constant 1 : i32
      %scan3A_352:16 = scf.for %scan3A_1018 = %scan3A_348 to %scan3A_350 step %scan3A_351 iter_args(%scan3A_1019 = %get3A_255, %scan3A_1020 = %get3A_259, %scan3A_1021 = %get3A_263, %scan3A_1022 = %get3A_267, %scan3A_1023 = %get3A_271, %scan3A_1024 = %get3A_275, %scan3A_1025 = %get3A_279, %scan3A_1026 = %get3A_283, %scan3A_1027 = %get3A_287, %scan3A_1028 = %get3A_291, %scan3A_1029 = %get3A_295, %scan3A_1030 = %get3A_299, %scan3A_1031 = %get3A_303, %scan3A_1032 = %get3A_307, %scan3A_1033 = %get3A_311, %scan3A_1034 = %get3A_315) -> (vector<16xf32>, vector<16xf32>, vector<16xf32>, vector<16xf32>, vector<16xf32>, vector<16xf32>, vector<16xf32>, vector<16xf32>, vector<16xf32>, vector<16xf32>, vector<16xf32>, vector<16xf32>, vector<16xf32>, vector<16xf32>, vector<16xf32>, vector<16xf32>)  : i32 {
        %get3A_1035 = arith.constant 0 : i32
        %get3A_1036 = arith.index_cast %get3A_1035 : i32 to index
        %get3A_1037 = arith.index_cast %scan3A_1018 : i32 to index
        %get3A_1038 = arith.constant 0 : index
        %get3A_1039 = tpu.vector_load %arg6[%get3A_1036, %get3A_1037, %get3A_1038] {strides = array<i32>} : memref<2x64x256xf32, #tpu.memory_space<vmem>>, vector<16xf32>,
        %mul3A_1040 = arith.mulf %scan3A_1019, %get3A_317 : vector<16xf32>
        %mul3A_1041 = arith.mulf %scan3A_1027, %get3A_333 : vector<16xf32>
        %sub3A = arith.subf %mul3A_1040, %mul3A_1041 : vector<16xf32>
        %add3A_1042 = arith.addf %sub3A, %get3A_1039 : vector<16xf32>
        %mul3A_1043 = arith.mulf %scan3A_1019, %get3A_333 : vector<16xf32>
        %mul3A_1044 = arith.mulf %scan3A_1027, %get3A_317 : vector<16xf32>
        %add3A_1045 = arith.addf %mul3A_1043, %mul3A_1044 : vector<16xf32>
        %swap3A_1046 = arith.constant 0 : i32
        %swap3A_1047 = arith.constant 0 : i32
        %swap3A_1048 = arith.index_cast %swap3A_1046 : i32 to index
        %swap3A_1049 = arith.index_cast %swap3A_1047 : i32 to index
        %swap3A_1050 = arith.index_cast %scan3A_1018 : i32 to index
        %swap3A_1051 = arith.constant 0 : index
        %swap3A_1052 = tpu.vector_load %arg7[%swap3A_1048, %swap3A_1049, %swap3A_1050, %swap3A_1051] {strides = array<i32>} : memref<2x2x64x256xf32, #tpu.memory_space<vmem>>, vector<16xf32>,
        tpu.vector_store %arg7[%swap3A_1048, %swap3A_1049, %swap3A_1050, %swap3A_1051], %add3A_1042 {strides = array<i32>} : memref<2x2x64x256xf32, #tpu.memory_space<vmem>>, vector<16xf32>,
        %swap3A_1053 = arith.constant 0 : i32
        %swap3A_1054 = arith.constant 1 : i32
        %swap3A_1055 = arith.index_cast %swap3A_1053 : i32 to index
        %swap3A_1056 = arith.index_cast %swap3A_1054 : i32 to index
        %swap3A_1057 = arith.index_cast %scan3A_1018 : i32 to index
        %swap3A_1058 = arith.constant 0 : index
        %swap3A_1059 = tpu.vector_load %arg7[%swap3A_1055, %swap3A_1056, %swap3A_1057, %swap3A_1058] {strides = array<i32>} : memref<2x2x64x256xf32, #tpu.memory_space<vmem>>, vector<16xf32>,
        tpu.vector_store %arg7[%swap3A_1055, %swap3A_1056, %swap3A_1057, %swap3A_1058], %add3A_1045 {strides = array<i32>} : memref<2x2x64x256xf32, #tpu.memory_space<vmem>>, vector<16xf32>,
        %get3A_1060 = arith.constant 0 : i32
        %get3A_1061 = arith.index_cast %get3A_1060 : i32 to index
        %get3A_1062 = arith.index_cast %scan3A_1018 : i32 to index
        %get3A_1063 = arith.constant 16 : index
        %get3A_1064 = tpu.vector_load %arg6[%get3A_1061, %get3A_1062, %get3A_1063] {strides = array<i32>} : memref<2x64x256xf32, #tpu.memory_space<vmem>>, vector<16xf32>,
        %mul3A_1065 = arith.mulf %scan3A_1020, %get3A_319 : vector<16xf32>
        %mul3A_1066 = arith.mulf %scan3A_1028, %get3A_335 : vector<16xf32>
        %sub3A_1067 = arith.subf %mul3A_1065, %mul3A_1066 : vector<16xf32>
        %add3A_1068 = arith.addf %sub3A_1067, %get3A_1064 : vector<16xf32>
        %mul3A_1069 = arith.mulf %scan3A_1020, %get3A_335 : vector<16xf32>
        %mul3A_1070 = arith.mulf %scan3A_1028, %get3A_319 : vector<16xf32>
        %add3A_1071 = arith.addf %mul3A_1069, %mul3A_1070 : vector<16xf32>
        %swap3A_1072 = arith.constant 0 : i32
        %swap3A_1073 = arith.constant 0 : i32
        %swap3A_1074 = arith.index_cast %swap3A_1072 : i32 to index
        %swap3A_1075 = arith.index_cast %swap3A_1073 : i32 to index
        %swap3A_1076 = arith.index_cast %scan3A_1018 : i32 to index
        %swap3A_1077 = arith.constant 16 : index
        %swap3A_1078 = tpu.vector_load %arg7[%swap3A_1074, %swap3A_1075, %swap3A_1076, %swap3A_1077] {strides = array<i32>} : memref<2x2x64x256xf32, #tpu.memory_space<vmem>>, vector<16xf32>,
        tpu.vector_store %arg7[%swap3A_1074, %swap3A_1075, %swap3A_1076, %swap3A_1077], %add3A_1068 {strides = array<i32>} : memref<2x2x64x256xf32, #tpu.memory_space<vmem>>, vector<16xf32>,
        %swap3A_1079 = arith.constant 0 : i32
        %swap3A_1080 = arith.constant 1 : i32
        %swap3A_1081 = arith.index_cast %swap3A_1079 : i32 to index
        %swap3A_1082 = arith.index_cast %swap3A_1080 : i32 to index
        %swap3A_1083 = arith.index_cast %scan3A_1018 : i32 to index
        %swap3A_1084 = arith.constant 16 : index
        %swap3A_1085 = tpu.vector_load %arg7[%swap3A_1081, %swap3A_1082, %swap3A_1083, %swap3A_1084] {strides = array<i32>} : memref<2x2x64x256xf32, #tpu.memory_space<vmem>>, vector<16xf32>,
        tpu.vector_store %arg7[%swap3A_1081, %swap3A_1082, %swap3A_1083, %swap3A_1084], %add3A_1071 {strides = array<i32>} : memref<2x2x64x256xf32, #tpu.memory_space<vmem>>, vector<16xf32>,
        %get3A_1086 = arith.constant 0 : i32
        %get3A_1087 = arith.index_cast %get3A_1086 : i32 to index
        %get3A_1088 = arith.index_cast %scan3A_1018 : i32 to index
        %get3A_1089 = arith.constant 32 : index
        %get3A_1090 = tpu.vector_load %arg6[%get3A_1087, %get3A_1088, %get3A_1089] {strides = array<i32>} : memref<2x64x256xf32, #tpu.memory_space<vmem>>, vector<16xf32>,
        %mul3A_1091 = arith.mulf %scan3A_1021, %get3A_321 : vector<16xf32>
        %mul3A_1092 = arith.mulf %scan3A_1029, %get3A_337 : vector<16xf32>
        %sub3A_1093 = arith.subf %mul3A_1091, %mul3A_1092 : vector<16xf32>
        %add3A_1094 = arith.addf %sub3A_1093, %get3A_1090 : vector<16xf32>
        %mul3A_1095 = arith.mulf %scan3A_1021, %get3A_337 : vector<16xf32>
        %mul3A_1096 = arith.mulf %scan3A_1029, %get3A_321 : vector<16xf32>
        %add3A_1097 = arith.addf %mul3A_1095, %mul3A_1096 : vector<16xf32>
        %swap3A_1098 = arith.constant 0 : i32
        %swap3A_1099 = arith.constant 0 : i32
        %swap3A_1100 = arith.index_cast %swap3A_1098 : i32 to index
        %swap3A_1101 = arith.index_cast %swap3A_1099 : i32 to index
        %swap3A_1102 = arith.index_cast %scan3A_1018 : i32 to index
        %swap3A_1103 = arith.constant 32 : index
        %swap3A_1104 = tpu.vector_load %arg7[%swap3A_1100, %swap3A_1101, %swap3A_1102, %swap3A_1103] {strides = array<i32>} : memref<2x2x64x256xf32, #tpu.memory_space<vmem>>, vector<16xf32>,
        tpu.vector_store %arg7[%swap3A_1100, %swap3A_1101, %swap3A_1102, %swap3A_1103], %add3A_1094 {strides = array<i32>} : memref<2x2x64x256xf32, #tpu.memory_space<vmem>>, vector<16xf32>,
        %swap3A_1105 = arith.constant 0 : i32
        %swap3A_1106 = arith.constant 1 : i32
        %swap3A_1107 = arith.index_cast %swap3A_1105 : i32 to index
        %swap3A_1108 = arith.index_cast %swap3A_1106 : i32 to index
        %swap3A_1109 = arith.index_cast %scan3A_1018 : i32 to index
        %swap3A_1110 = arith.constant 32 : index
        %swap3A_1111 = tpu.vector_load %arg7[%swap3A_1107, %swap3A_1108, %swap3A_1109, %swap3A_1110] {strides = array<i32>} : memref<2x2x64x256xf32, #tpu.memory_space<vmem>>, vector<16xf32>,
        tpu.vector_store %arg7[%swap3A_1107, %swap3A_1108, %swap3A_1109, %swap3A_1110], %add3A_1097 {strides = array<i32>} : memref<2x2x64x256xf32, #tpu.memory_space<vmem>>, vector<16xf32>,
        %get3A_1112 = arith.constant 0 : i32
        %get3A_1113 = arith.index_cast %get3A_1112 : i32 to index
        %get3A_1114 = arith.index_cast %scan3A_1018 : i32 to index
        %get3A_1115 = arith.constant 48 : index
        %get3A_1116 = tpu.vector_load %arg6[%get3A_1113, %get3A_1114, %get3A_1115] {strides = array<i32>} : memref<2x64x256xf32, #tpu.memory_space<vmem>>, vector<16xf32>,
        %mul3A_1117 = arith.mulf %scan3A_1022, %get3A_323 : vector<16xf32>
        %mul3A_1118 = arith.mulf %scan3A_1030, %get3A_339 : vector<16xf32>
        %sub3A_1119 = arith.subf %mul3A_1117, %mul3A_1118 : vector<16xf32>
        %add3A_1120 = arith.addf %sub3A_1119, %get3A_1116 : vector<16xf32>
        %mul3A_1121 = arith.mulf %scan3A_1022, %get3A_339 : vector<16xf32>
        %mul3A_1122 = arith.mulf %scan3A_1030, %get3A_323 : vector<16xf32>
        %add3A_1123 = arith.addf %mul3A_1121, %mul3A_1122 : vector<16xf32>
        %swap3A_1124 = arith.constant 0 : i32
        %swap3A_1125 = arith.constant 0 : i32
        %swap3A_1126 = arith.index_cast %swap3A_1124 : i32 to index
        %swap3A_1127 = arith.index_cast %swap3A_1125 : i32 to index
        %swap3A_1128 = arith.index_cast %scan3A_1018 : i32 to index
        %swap3A_1129 = arith.constant 48 : index
        %swap3A_1130 = tpu.vector_load %arg7[%swap3A_1126, %swap3A_1127, %swap3A_1128, %swap3A_1129] {strides = array<i32>} : memref<2x2x64x256xf32, #tpu.memory_space<vmem>>, vector<16xf32>,
        tpu.vector_store %arg7[%swap3A_1126, %swap3A_1127, %swap3A_1128, %swap3A_1129], %add3A_1120 {strides = array<i32>} : memref<2x2x64x256xf32, #tpu.memory_space<vmem>>, vector<16xf32>,
        %swap3A_1131 = arith.constant 0 : i32
        %swap3A_1132 = arith.constant 1 : i32
        %swap3A_1133 = arith.index_cast %swap3A_1131 : i32 to index
        %swap3A_1134 = arith.index_cast %swap3A_1132 : i32 to index
        %swap3A_1135 = arith.index_cast %scan3A_1018 : i32 to index
        %swap3A_1136 = arith.constant 48 : index
        %swap3A_1137 = tpu.vector_load %arg7[%swap3A_1133, %swap3A_1134, %swap3A_1135, %swap3A_1136] {strides = array<i32>} : memref<2x2x64x256xf32, #tpu.memory_space<vmem>>, vector<16xf32>,
        tpu.vector_store %arg7[%swap3A_1133, %swap3A_1134, %swap3A_1135, %swap3A_1136], %add3A_1123 {strides = array<i32>} : memref<2x2x64x256xf32, #tpu.memory_space<vmem>>, vector<16xf32>,
        %get3A_1138 = arith.constant 0 : i32
        %get3A_1139 = arith.index_cast %get3A_1138 : i32 to index
        %get3A_1140 = arith.index_cast %scan3A_1018 : i32 to index
        %get3A_1141 = arith.constant 64 : index
        %get3A_1142 = tpu.vector_load %arg6[%get3A_1139, %get3A_1140, %get3A_1141] {strides = array<i32>} : memref<2x64x256xf32, #tpu.memory_space<vmem>>, vector<16xf32>,
        %mul3A_1143 = arith.mulf %scan3A_1023, %get3A_325 : vector<16xf32>
        %mul3A_1144 = arith.mulf %scan3A_1031, %get3A_341 : vector<16xf32>
        %sub3A_1145 = arith.subf %mul3A_1143, %mul3A_1144 : vector<16xf32>
        %add3A_1146 = arith.addf %sub3A_1145, %get3A_1142 : vector<16xf32>
        %mul3A_1147 = arith.mulf %scan3A_1023, %get3A_341 : vector<16xf32>
        %mul3A_1148 = arith.mulf %scan3A_1031, %get3A_325 : vector<16xf32>
        %add3A_1149 = arith.addf %mul3A_1147, %mul3A_1148 : vector<16xf32>
        %swap3A_1150 = arith.constant 0 : i32
        %swap3A_1151 = arith.constant 0 : i32
        %swap3A_1152 = arith.index_cast %swap3A_1150 : i32 to index
        %swap3A_1153 = arith.index_cast %swap3A_1151 : i32 to index
        %swap3A_1154 = arith.index_cast %scan3A_1018 : i32 to index
        %swap3A_1155 = arith.constant 64 : index
        %swap3A_1156 = tpu.vector_load %arg7[%swap3A_1152, %swap3A_1153, %swap3A_1154, %swap3A_1155] {strides = array<i32>} : memref<2x2x64x256xf32, #tpu.memory_space<vmem>>, vector<16xf32>,
        tpu.vector_store %arg7[%swap3A_1152, %swap3A_1153, %swap3A_1154, %swap3A_1155], %add3A_1146 {strides = array<i32>} : memref<2x2x64x256xf32, #tpu.memory_space<vmem>>, vector<16xf32>,
        %swap3A_1157 = arith.constant 0 : i32
        %swap3A_1158 = arith.constant 1 : i32
        %swap3A_1159 = arith.index_cast %swap3A_1157 : i32 to index
        %swap3A_1160 = arith.index_cast %swap3A_1158 : i32 to index
        %swap3A_1161 = arith.index_cast %scan3A_1018 : i32 to index
        %swap3A_1162 = arith.constant 64 : index
        %swap3A_1163 = tpu.vector_load %arg7[%swap3A_1159, %swap3A_1160, %swap3A_1161, %swap3A_1162] {strides = array<i32>} : memref<2x2x64x256xf32, #tpu.memory_space<vmem>>, vector<16xf32>,
        tpu.vector_store %arg7[%swap3A_1159, %swap3A_1160, %swap3A_1161, %swap3A_1162], %add3A_1149 {strides = array<i32>} : memref<2x2x64x256xf32, #tpu.memory_space<vmem>>, vector<16xf32>,
        %get3A_1164 = arith.constant 0 : i32
        %get3A_1165 = arith.index_cast %get3A_1164 : i32 to index
        %get3A_1166 = arith.index_cast %scan3A_1018 : i32 to index
        %get3A_1167 = arith.constant 80 : index
        %get3A_1168 = tpu.vector_load %arg6[%get3A_1165, %get3A_1166, %get3A_1167] {strides = array<i32>} : memref<2x64x256xf32, #tpu.memory_space<vmem>>, vector<16xf32>,
        %mul3A_1169 = arith.mulf %scan3A_1024, %get3A_327 : vector<16xf32>
        %mul3A_1170 = arith.mulf %scan3A_1032, %get3A_343 : vector<16xf32>
        %sub3A_1171 = arith.subf %mul3A_1169, %mul3A_1170 : vector<16xf32>
        %add3A_1172 = arith.addf %sub3A_1171, %get3A_1168 : vector<16xf32>
        %mul3A_1173 = arith.mulf %scan3A_1024, %get3A_343 : vector<16xf32>
        %mul3A_1174 = arith.mulf %scan3A_1032, %get3A_327 : vector<16xf32>
        %add3A_1175 = arith.addf %mul3A_1173, %mul3A_1174 : vector<16xf32>
        %swap3A_1176 = arith.constant 0 : i32
        %swap3A_1177 = arith.constant 0 : i32
        %swap3A_1178 = arith.index_cast %swap3A_1176 : i32 to index
        %swap3A_1179 = arith.index_cast %swap3A_1177 : i32 to index
        %swap3A_1180 = arith.index_cast %scan3A_1018 : i32 to index
        %swap3A_1181 = arith.constant 80 : index
        %swap3A_1182 = tpu.vector_load %arg7[%swap3A_1178, %swap3A_1179, %swap3A_1180, %swap3A_1181] {strides = array<i32>} : memref<2x2x64x256xf32, #tpu.memory_space<vmem>>, vector<16xf32>,
        tpu.vector_store %arg7[%swap3A_1178, %swap3A_1179, %swap3A_1180, %swap3A_1181], %add3A_1172 {strides = array<i32>} : memref<2x2x64x256xf32, #tpu.memory_space<vmem>>, vector<16xf32>,
        %swap3A_1183 = arith.constant 0 : i32
        %swap3A_1184 = arith.constant 1 : i32
        %swap3A_1185 = arith.index_cast %swap3A_1183 : i32 to index
        %swap3A_1186 = arith.index_cast %swap3A_1184 : i32 to index
        %swap3A_1187 = arith.index_cast %scan3A_1018 : i32 to index
        %swap3A_1188 = arith.constant 80 : index
        %swap3A_1189 = tpu.vector_load %arg7[%swap3A_1185, %swap3A_1186, %swap3A_1187, %swap3A_1188] {strides = array<i32>} : memref<2x2x64x256xf32, #tpu.memory_space<vmem>>, vector<16xf32>,
        tpu.vector_store %arg7[%swap3A_1185, %swap3A_1186, %swap3A_1187, %swap3A_1188], %add3A_1175 {strides = array<i32>} : memref<2x2x64x256xf32, #tpu.memory_space<vmem>>, vector<16xf32>,
        %get3A_1190 = arith.constant 0 : i32
        %get3A_1191 = arith.index_cast %get3A_1190 : i32 to index
        %get3A_1192 = arith.index_cast %scan3A_1018 : i32 to index
        %get3A_1193 = arith.constant 96 : index
        %get3A_1194 = tpu.vector_load %arg6[%get3A_1191, %get3A_1192, %get3A_1193] {strides = array<i32>} : memref<2x64x256xf32, #tpu.memory_space<vmem>>, vector<16xf32>,
        %mul3A_1195 = arith.mulf %scan3A_1025, %get3A_329 : vector<16xf32>
        %mul3A_1196 = arith.mulf %scan3A_1033, %get3A_345 : vector<16xf32>
        %sub3A_1197 = arith.subf %mul3A_1195, %mul3A_1196 : vector<16xf32>
        %add3A_1198 = arith.addf %sub3A_1197, %get3A_1194 : vector<16xf32>
        %mul3A_1199 = arith.mulf %scan3A_1025, %get3A_345 : vector<16xf32>
        %mul3A_1200 = arith.mulf %scan3A_1033, %get3A_329 : vector<16xf32>
        %add3A_1201 = arith.addf %mul3A_1199, %mul3A_1200 : vector<16xf32>
        %swap3A_1202 = arith.constant 0 : i32
        %swap3A_1203 = arith.constant 0 : i32
        %swap3A_1204 = arith.index_cast %swap3A_1202 : i32 to index
        %swap3A_1205 = arith.index_cast %swap3A_1203 : i32 to index
        %swap3A_1206 = arith.index_cast %scan3A_1018 : i32 to index
        %swap3A_1207 = arith.constant 96 : index
        %swap3A_1208 = tpu.vector_load %arg7[%swap3A_1204, %swap3A_1205, %swap3A_1206, %swap3A_1207] {strides = array<i32>} : memref<2x2x64x256xf32, #tpu.memory_space<vmem>>, vector<16xf32>,
        tpu.vector_store %arg7[%swap3A_1204, %swap3A_1205, %swap3A_1206, %swap3A_1207], %add3A_1198 {strides = array<i32>} : memref<2x2x64x256xf32, #tpu.memory_space<vmem>>, vector<16xf32>,
        %swap3A_1209 = arith.constant 0 : i32
        %swap3A_1210 = arith.constant 1 : i32
        %swap3A_1211 = arith.index_cast %swap3A_1209 : i32 to index
        %swap3A_1212 = arith.index_cast %swap3A_1210 : i32 to index
        %swap3A_1213 = arith.index_cast %scan3A_1018 : i32 to index
        %swap3A_1214 = arith.constant 96 : index
        %swap3A_1215 = tpu.vector_load %arg7[%swap3A_1211, %swap3A_1212, %swap3A_1213, %swap3A_1214] {strides = array<i32>} : memref<2x2x64x256xf32, #tpu.memory_space<vmem>>, vector<16xf32>,
        tpu.vector_store %arg7[%swap3A_1211, %swap3A_1212, %swap3A_1213, %swap3A_1214], %add3A_1201 {strides = array<i32>} : memref<2x2x64x256xf32, #tpu.memory_space<vmem>>, vector<16xf32>,
        %get3A_1216 = arith.constant 0 : i32
        %get3A_1217 = arith.index_cast %get3A_1216 : i32 to index
        %get3A_1218 = arith.index_cast %scan3A_1018 : i32 to index
        %get3A_1219 = arith.constant 112 : index
        %get3A_1220 = tpu.vector_load %arg6[%get3A_1217, %get3A_1218, %get3A_1219] {strides = array<i32>} : memref<2x64x256xf32, #tpu.memory_space<vmem>>, vector<16xf32>,
        %mul3A_1221 = arith.mulf %scan3A_1026, %get3A_331 : vector<16xf32>
        %mul3A_1222 = arith.mulf %scan3A_1034, %get3A_347 : vector<16xf32>
        %sub3A_1223 = arith.subf %mul3A_1221, %mul3A_1222 : vector<16xf32>
        %add3A_1224 = arith.addf %sub3A_1223, %get3A_1220 : vector<16xf32>
        %mul3A_1225 = arith.mulf %scan3A_1026, %get3A_347 : vector<16xf32>
        %mul3A_1226 = arith.mulf %scan3A_1034, %get3A_331 : vector<16xf32>
        %add3A_1227 = arith.addf %mul3A_1225, %mul3A_1226 : vector<16xf32>
        %swap3A_1228 = arith.constant 0 : i32
        %swap3A_1229 = arith.constant 0 : i32
        %swap3A_1230 = arith.index_cast %swap3A_1228 : i32 to index
        %swap3A_1231 = arith.index_cast %swap3A_1229 : i32 to index
        %swap3A_1232 = arith.index_cast %scan3A_1018 : i32 to index
        %swap3A_1233 = arith.constant 112 : index
        %swap3A_1234 = tpu.vector_load %arg7[%swap3A_1230, %swap3A_1231, %swap3A_1232, %swap3A_1233] {strides = array<i32>} : memref<2x2x64x256xf32, #tpu.memory_space<vmem>>, vector<16xf32>,
        tpu.vector_store %arg7[%swap3A_1230, %swap3A_1231, %swap3A_1232, %swap3A_1233], %add3A_1224 {strides = array<i32>} : memref<2x2x64x256xf32, #tpu.memory_space<vmem>>, vector<16xf32>,
        %swap3A_1235 = arith.constant 0 : i32
        %swap3A_1236 = arith.constant 1 : i32
        %swap3A_1237 = arith.index_cast %swap3A_1235 : i32 to index
        %swap3A_1238 = arith.index_cast %swap3A_1236 : i32 to index
        %swap3A_1239 = arith.index_cast %scan3A_1018 : i32 to index
        %swap3A_1240 = arith.constant 112 : index
        %swap3A_1241 = tpu.vector_load %arg7[%swap3A_1237, %swap3A_1238, %swap3A_1239, %swap3A_1240] {strides = array<i32>} : memref<2x2x64x256xf32, #tpu.memory_space<vmem>>, vector<16xf32>,
        tpu.vector_store %arg7[%swap3A_1237, %swap3A_1238, %swap3A_1239, %swap3A_1240], %add3A_1227 {strides = array<i32>} : memref<2x2x64x256xf32, #tpu.memory_space<vmem>>, vector<16xf32>,
        scf.yield %add3A_1042, %add3A_1068, %add3A_1094, %add3A_1120, %add3A_1146, %add3A_1172, %add3A_1198, %add3A_1224, %add3A_1045, %add3A_1071, %add3A_1097, %add3A_1123, %add3A_1149, %add3A_1175, %add3A_1201, %add3A_1227 : vector<16xf32>, vector<16xf32>, vector<16xf32>, vector<16xf32>, vector<16xf32>, vector<16xf32>, vector<16xf32>, vector<16xf32>, vector<16xf32>, vector<16xf32>, vector<16xf32>, vector<16xf32>, vector<16xf32>, vector<16xf32>, vector<16xf32>, vector<16xf32>
      }
      %scan3A_353 = arith.constant 64 : i32
      %swap3A_354 = arith.constant 0 : i32
      %swap3A_355 = arith.index_cast %swap3A_354 : i32 to index
      %swap3A_356 = arith.constant 0 : index
      %swap3A_357 = tpu.vector_load %arg10[%swap3A_355, %swap3A_356] {strides = array<i32>} : memref<2x256xf32, #tpu.memory_space<vmem>>, vector<16xf32>,
      tpu.vector_store %arg10[%swap3A_355, %swap3A_356], %scan3A_352#0 {strides = array<i32>} : memref<2x256xf32, #tpu.memory_space<vmem>>, vector<16xf32>,
      %swap3A_358 = arith.constant 1 : i32
      %swap3A_359 = arith.index_cast %swap3A_358 : i32 to index
      %swap3A_360 = arith.constant 0 : index
      %swap3A_361 = tpu.vector_load %arg10[%swap3A_359, %swap3A_360] {strides = array<i32>} : memref<2x256xf32, #tpu.memory_space<vmem>>, vector<16xf32>,
      tpu.vector_store %arg10[%swap3A_359, %swap3A_360], %scan3A_352#8 {strides = array<i32>} : memref<2x256xf32, #tpu.memory_space<vmem>>, vector<16xf32>,
      %swap3A_362 = arith.constant 0 : i32
      %swap3A_363 = arith.index_cast %swap3A_362 : i32 to index
      %swap3A_364 = arith.constant 16 : index
      %swap3A_365 = tpu.vector_load %arg10[%swap3A_363, %swap3A_364] {strides = array<i32>} : memref<2x256xf32, #tpu.memory_space<vmem>>, vector<16xf32>,
      tpu.vector_store %arg10[%swap3A_363, %swap3A_364], %scan3A_352#1 {strides = array<i32>} : memref<2x256xf32, #tpu.memory_space<vmem>>, vector<16xf32>,
      %swap3A_366 = arith.constant 1 : i32
      %swap3A_367 = arith.index_cast %swap3A_366 : i32 to index
      %swap3A_368 = arith.constant 16 : index
      %swap3A_369 = tpu.vector_load %arg10[%swap3A_367, %swap3A_368] {strides = array<i32>} : memref<2x256xf32, #tpu.memory_space<vmem>>, vector<16xf32>,
      tpu.vector_store %arg10[%swap3A_367, %swap3A_368], %scan3A_352#9 {strides = array<i32>} : memref<2x256xf32, #tpu.memory_space<vmem>>, vector<16xf32>,
      %swap3A_370 = arith.constant 0 : i32
      %swap3A_371 = arith.index_cast %swap3A_370 : i32 to index
      %swap3A_372 = arith.constant 32 : index
      %swap3A_373 = tpu.vector_load %arg10[%swap3A_371, %swap3A_372] {strides = array<i32>} : memref<2x256xf32, #tpu.memory_space<vmem>>, vector<16xf32>,
      tpu.vector_store %arg10[%swap3A_371, %swap3A_372], %scan3A_352#2 {strides = array<i32>} : memref<2x256xf32, #tpu.memory_space<vmem>>, vector<16xf32>,
      %swap3A_374 = arith.constant 1 : i32
      %swap3A_375 = arith.index_cast %swap3A_374 : i32 to index
      %swap3A_376 = arith.constant 32 : index
      %swap3A_377 = tpu.vector_load %arg10[%swap3A_375, %swap3A_376] {strides = array<i32>} : memref<2x256xf32, #tpu.memory_space<vmem>>, vector<16xf32>,
      tpu.vector_store %arg10[%swap3A_375, %swap3A_376], %scan3A_352#10 {strides = array<i32>} : memref<2x256xf32, #tpu.memory_space<vmem>>, vector<16xf32>,
      %swap3A_378 = arith.constant 0 : i32
      %swap3A_379 = arith.index_cast %swap3A_378 : i32 to index
      %swap3A_380 = arith.constant 48 : index
      %swap3A_381 = tpu.vector_load %arg10[%swap3A_379, %swap3A_380] {strides = array<i32>} : memref<2x256xf32, #tpu.memory_space<vmem>>, vector<16xf32>,
      tpu.vector_store %arg10[%swap3A_379, %swap3A_380], %scan3A_352#3 {strides = array<i32>} : memref<2x256xf32, #tpu.memory_space<vmem>>, vector<16xf32>,
      %swap3A_382 = arith.constant 1 : i32
      %swap3A_383 = arith.index_cast %swap3A_382 : i32 to index
      %swap3A_384 = arith.constant 48 : index
      %swap3A_385 = tpu.vector_load %arg10[%swap3A_383, %swap3A_384] {strides = array<i32>} : memref<2x256xf32, #tpu.memory_space<vmem>>, vector<16xf32>,
      tpu.vector_store %arg10[%swap3A_383, %swap3A_384], %scan3A_352#11 {strides = array<i32>} : memref<2x256xf32, #tpu.memory_space<vmem>>, vector<16xf32>,
      %swap3A_386 = arith.constant 0 : i32
      %swap3A_387 = arith.index_cast %swap3A_386 : i32 to index
      %swap3A_388 = arith.constant 64 : index
      %swap3A_389 = tpu.vector_load %arg10[%swap3A_387, %swap3A_388] {strides = array<i32>} : memref<2x256xf32, #tpu.memory_space<vmem>>, vector<16xf32>,
      tpu.vector_store %arg10[%swap3A_387, %swap3A_388], %scan3A_352#4 {strides = array<i32>} : memref<2x256xf32, #tpu.memory_space<vmem>>, vector<16xf32>,
      %swap3A_390 = arith.constant 1 : i32
      %swap3A_391 = arith.index_cast %swap3A_390 : i32 to index
      %swap3A_392 = arith.constant 64 : index
      %swap3A_393 = tpu.vector_load %arg10[%swap3A_391, %swap3A_392] {strides = array<i32>} : memref<2x256xf32, #tpu.memory_space<vmem>>, vector<16xf32>,
      tpu.vector_store %arg10[%swap3A_391, %swap3A_392], %scan3A_352#12 {strides = array<i32>} : memref<2x256xf32, #tpu.memory_space<vmem>>, vector<16xf32>,
      %swap3A_394 = arith.constant 0 : i32
      %swap3A_395 = arith.index_cast %swap3A_394 : i32 to index
      %swap3A_396 = arith.constant 80 : index
      %swap3A_397 = tpu.vector_load %arg10[%swap3A_395, %swap3A_396] {strides = array<i32>} : memref<2x256xf32, #tpu.memory_space<vmem>>, vector<16xf32>,
      tpu.vector_store %arg10[%swap3A_395, %swap3A_396], %scan3A_352#5 {strides = array<i32>} : memref<2x256xf32, #tpu.memory_space<vmem>>, vector<16xf32>,
      %swap3A_398 = arith.constant 1 : i32
      %swap3A_399 = arith.index_cast %swap3A_398 : i32 to index
      %swap3A_400 = arith.constant 80 : index
      %swap3A_401 = tpu.vector_load %arg10[%swap3A_399, %swap3A_400] {strides = array<i32>} : memref<2x256xf32, #tpu.memory_space<vmem>>, vector<16xf32>,
      tpu.vector_store %arg10[%swap3A_399, %swap3A_400], %scan3A_352#13 {strides = array<i32>} : memref<2x256xf32, #tpu.memory_space<vmem>>, vector<16xf32>,
      %swap3A_402 = arith.constant 0 : i32
      %swap3A_403 = arith.index_cast %swap3A_402 : i32 to index
      %swap3A_404 = arith.constant 96 : index
      %swap3A_405 = tpu.vector_load %arg10[%swap3A_403, %swap3A_404] {strides = array<i32>} : memref<2x256xf32, #tpu.memory_space<vmem>>, vector<16xf32>,
      tpu.vector_store %arg10[%swap3A_403, %swap3A_404], %scan3A_352#6 {strides = array<i32>} : memref<2x256xf32, #tpu.memory_space<vmem>>, vector<16xf32>,
      %swap3A_406 = arith.constant 1 : i32
      %swap3A_407 = arith.index_cast %swap3A_406 : i32 to index
      %swap3A_408 = arith.constant 96 : index
      %swap3A_409 = tpu.vector_load %arg10[%swap3A_407, %swap3A_408] {strides = array<i32>} : memref<2x256xf32, #tpu.memory_space<vmem>>, vector<16xf32>,
      tpu.vector_store %arg10[%swap3A_407, %swap3A_408], %scan3A_352#14 {strides = array<i32>} : memref<2x256xf32, #tpu.memory_space<vmem>>, vector<16xf32>,
      %swap3A_410 = arith.constant 0 : i32
      %swap3A_411 = arith.index_cast %swap3A_410 : i32 to index
      %swap3A_412 = arith.constant 112 : index
      %swap3A_413 = tpu.vector_load %arg10[%swap3A_411, %swap3A_412] {strides = array<i32>} : memref<2x256xf32, #tpu.memory_space<vmem>>, vector<16xf32>,
      tpu.vector_store %arg10[%swap3A_411, %swap3A_412], %scan3A_352#7 {strides = array<i32>} : memref<2x256xf32, #tpu.memory_space<vmem>>, vector<16xf32>,
      %swap3A_414 = arith.constant 1 : i32
      %swap3A_415 = arith.index_cast %swap3A_414 : i32 to index
      %swap3A_416 = arith.constant 112 : index
      %swap3A_417 = tpu.vector_load %arg10[%swap3A_415, %swap3A_416] {strides = array<i32>} : memref<2x256xf32, #tpu.memory_space<vmem>>, vector<16xf32>,
      tpu.vector_store %arg10[%swap3A_415, %swap3A_416], %scan3A_352#15 {strides = array<i32>} : memref<2x256xf32, #tpu.memory_space<vmem>>, vector<16xf32>,
      %get3A_418 = arith.constant 0 : i32
      %get3A_419 = arith.index_cast %get3A_418 : i32 to index
      %get3A_420 = arith.constant 128 : index
      %get3A_421 = tpu.vector_load %arg10[%get3A_419, %get3A_420] {strides = array<i32>} : memref<2x256xf32, #tpu.memory_space<vmem>>, vector<16xf32>,
      %get3A_422 = arith.constant 0 : i32
      %get3A_423 = arith.index_cast %get3A_422 : i32 to index
      %get3A_424 = arith.constant 144 : index
      %get3A_425 = tpu.vector_load %arg10[%get3A_423, %get3A_424] {strides = array<i32>} : memref<2x256xf32, #tpu.memory_space<vmem>>, vector<16xf32>,
      %get3A_426 = arith.constant 0 : i32
      %get3A_427 = arith.index_cast %get3A_426 : i32 to index
      %get3A_428 = arith.constant 160 : index
      %get3A_429 = tpu.vector_load %arg10[%get3A_427, %get3A_428] {strides = array<i32>} : memref<2x256xf32, #tpu.memory_space<vmem>>, vector<16xf32>,
      %get3A_430 = arith.constant 0 : i32
      %get3A_431 = arith.index_cast %get3A_430 : i32 to index
      %get3A_432 = arith.constant 176 : index
      %get3A_433 = tpu.vector_load %arg10[%get3A_431, %get3A_432] {strides = array<i32>} : memref<2x256xf32, #tpu.memory_space<vmem>>, vector<16xf32>,
      %get3A_434 = arith.constant 0 : i32
      %get3A_435 = arith.index_cast %get3A_434 : i32 to index
      %get3A_436 = arith.constant 192 : index
      %get3A_437 = tpu.vector_load %arg10[%get3A_435, %get3A_436] {strides = array<i32>} : memref<2x256xf32, #tpu.memory_space<vmem>>, vector<16xf32>,
      %get3A_438 = arith.constant 0 : i32
      %get3A_439 = arith.index_cast %get3A_438 : i32 to index
      %get3A_440 = arith.constant 208 : index
      %get3A_441 = tpu.vector_load %arg10[%get3A_439, %get3A_440] {strides = array<i32>} : memref<2x256xf32, #tpu.memory_space<vmem>>, vector<16xf32>,
      %get3A_442 = arith.constant 0 : i32
      %get3A_443 = arith.index_cast %get3A_442 : i32 to index
      %get3A_444 = arith.constant 224 : index
      %get3A_445 = tpu.vector_load %arg10[%get3A_443, %get3A_444] {strides = array<i32>} : memref<2x256xf32, #tpu.memory_space<vmem>>, vector<16xf32>,
      %get3A_446 = arith.constant 0 : i32
      %get3A_447 = arith.index_cast %get3A_446 : i32 to index
      %get3A_448 = arith.constant 240 : index
      %get3A_449 = tpu.vector_load %arg10[%get3A_447, %get3A_448] {strides = array<i32>} : memref<2x256xf32, #tpu.memory_space<vmem>>, vector<16xf32>,
      %get3A_450 = arith.constant 1 : i32
      %get3A_451 = arith.index_cast %get3A_450 : i32 to index
      %get3A_452 = arith.constant 128 : index
      %get3A_453 = tpu.vector_load %arg10[%get3A_451, %get3A_452] {strides = array<i32>} : memref<2x256xf32, #tpu.memory_space<vmem>>, vector<16xf32>,
      %get3A_454 = arith.constant 1 : i32
      %get3A_455 = arith.index_cast %get3A_454 : i32 to index
      %get3A_456 = arith.constant 144 : index
      %get3A_457 = tpu.vector_load %arg10[%get3A_455, %get3A_456] {strides = array<i32>} : memref<2x256xf32, #tpu.memory_space<vmem>>, vector<16xf32>,
      %get3A_458 = arith.constant 1 : i32
      %get3A_459 = arith.index_cast %get3A_458 : i32 to index
      %get3A_460 = arith.constant 160 : index
      %get3A_461 = tpu.vector_load %arg10[%get3A_459, %get3A_460] {strides = array<i32>} : memref<2x256xf32, #tpu.memory_space<vmem>>, vector<16xf32>,
      %get3A_462 = arith.constant 1 : i32
      %get3A_463 = arith.index_cast %get3A_462 : i32 to index
      %get3A_464 = arith.constant 176 : index
      %get3A_465 = tpu.vector_load %arg10[%get3A_463, %get3A_464] {strides = array<i32>} : memref<2x256xf32, #tpu.memory_space<vmem>>, vector<16xf32>,
      %get3A_466 = arith.constant 1 : i32
      %get3A_467 = arith.index_cast %get3A_466 : i32 to index
      %get3A_468 = arith.constant 192 : index
      %get3A_469 = tpu.vector_load %arg10[%get3A_467, %get3A_468] {strides = array<i32>} : memref<2x256xf32, #tpu.memory_space<vmem>>, vector<16xf32>,
      %get3A_470 = arith.constant 1 : i32
      %get3A_471 = arith.index_cast %get3A_470 : i32 to index
      %get3A_472 = arith.constant 208 : index
      %get3A_473 = tpu.vector_load %arg10[%get3A_471, %get3A_472] {strides = array<i32>} : memref<2x256xf32, #tpu.memory_space<vmem>>, vector<16xf32>,
      %get3A_474 = arith.constant 1 : i32
      %get3A_475 = arith.index_cast %get3A_474 : i32 to index
      %get3A_476 = arith.constant 224 : index
      %get3A_477 = tpu.vector_load %arg10[%get3A_475, %get3A_476] {strides = array<i32>} : memref<2x256xf32, #tpu.memory_space<vmem>>, vector<16xf32>,
      %get3A_478 = arith.constant 1 : i32
      %get3A_479 = arith.index_cast %get3A_478 : i32 to index
      %get3A_480 = arith.constant 240 : index
      %get3A_481 = tpu.vector_load %arg10[%get3A_479, %get3A_480] {strides = array<i32>} : memref<2x256xf32, #tpu.memory_space<vmem>>, vector<16xf32>,
      %get3A_482 = arith.constant 128 : index
      %get3A_483 = tpu.vector_load %arg8[%get3A_482] {strides = array<i32>} : memref<256xf32, #tpu.memory_space<vmem>>, vector<16xf32>,
      %get3A_484 = arith.constant 144 : index
      %get3A_485 = tpu.vector_load %arg8[%get3A_484] {strides = array<i32>} : memref<256xf32, #tpu.memory_space<vmem>>, vector<16xf32>,
      %get3A_486 = arith.constant 160 : index
      %get3A_487 = tpu.vector_load %arg8[%get3A_486] {strides = array<i32>} : memref<256xf32, #tpu.memory_space<vmem>>, vector<16xf32>,
      %get3A_488 = arith.constant 176 : index
      %get3A_489 = tpu.vector_load %arg8[%get3A_488] {strides = array<i32>} : memref<256xf32, #tpu.memory_space<vmem>>, vector<16xf32>,
      %get3A_490 = arith.constant 192 : index
      %get3A_491 = tpu.vector_load %arg8[%get3A_490] {strides = array<i32>} : memref<256xf32, #tpu.memory_space<vmem>>, vector<16xf32>,
      %get3A_492 = arith.constant 208 : index
      %get3A_493 = tpu.vector_load %arg8[%get3A_492] {strides = array<i32>} : memref<256xf32, #tpu.memory_space<vmem>>, vector<16xf32>,
      %get3A_494 = arith.constant 224 : index
      %get3A_495 = tpu.vector_load %arg8[%get3A_494] {strides = array<i32>} : memref<256xf32, #tpu.memory_space<vmem>>, vector<16xf32>,
      %get3A_496 = arith.constant 240 : index
      %get3A_497 = tpu.vector_load %arg8[%get3A_496] {strides = array<i32>} : memref<256xf32, #tpu.memory_space<vmem>>, vector<16xf32>,
      %get3A_498 = arith.constant 128 : index
      %get3A_499 = tpu.vector_load %arg9[%get3A_498] {strides = array<i32>} : memref<256xf32, #tpu.memory_space<vmem>>, vector<16xf32>,
      %get3A_500 = arith.constant 144 : index
      %get3A_501 = tpu.vector_load %arg9[%get3A_500] {strides = array<i32>} : memref<256xf32, #tpu.memory_space<vmem>>, vector<16xf32>,
      %get3A_502 = arith.constant 160 : index
      %get3A_503 = tpu.vector_load %arg9[%get3A_502] {strides = array<i32>} : memref<256xf32, #tpu.memory_space<vmem>>, vector<16xf32>,
      %get3A_504 = arith.constant 176 : index
      %get3A_505 = tpu.vector_load %arg9[%get3A_504] {strides = array<i32>} : memref<256xf32, #tpu.memory_space<vmem>>, vector<16xf32>,
      %get3A_506 = arith.constant 192 : index
      %get3A_507 = tpu.vector_load %arg9[%get3A_506] {strides = array<i32>} : memref<256xf32, #tpu.memory_space<vmem>>, vector<16xf32>,
      %get3A_508 = arith.constant 208 : index
      %get3A_509 = tpu.vector_load %arg9[%get3A_508] {strides = array<i32>} : memref<256xf32, #tpu.memory_space<vmem>>, vector<16xf32>,
      %get3A_510 = arith.constant 224 : index
      %get3A_511 = tpu.vector_load %arg9[%get3A_510] {strides = array<i32>} : memref<256xf32, #tpu.memory_space<vmem>>, vector<16xf32>,
      %get3A_512 = arith.constant 240 : index
      %get3A_513 = tpu.vector_load %arg9[%get3A_512] {strides = array<i32>} : memref<256xf32, #tpu.memory_space<vmem>>, vector<16xf32>,
      %scan3A_514 = arith.constant 0 : i32
      %scan3A_515 = arith.constant 64 : i32
      %scan3A_516 = arith.addi %scan3A_514, %scan3A_515 : i32
      %scan3A_517 = arith.constant 1 : i32
      %scan3A_518:16 = scf.for %scan3A_1018 = %scan3A_514 to %scan3A_516 step %scan3A_517 iter_args(%scan3A_1019 = %get3A_421, %scan3A_1020 = %get3A_425, %scan3A_1021 = %get3A_429, %scan3A_1022 = %get3A_433, %scan3A_1023 = %get3A_437, %scan3A_1024 = %get3A_441, %scan3A_1025 = %get3A_445, %scan3A_1026 = %get3A_449, %scan3A_1027 = %get3A_453, %scan3A_1028 = %get3A_457, %scan3A_1029 = %get3A_461, %scan3A_1030 = %get3A_465, %scan3A_1031 = %get3A_469, %scan3A_1032 = %get3A_473, %scan3A_1033 = %get3A_477, %scan3A_1034 = %get3A_481) -> (vector<16xf32>, vector<16xf32>, vector<16xf32>, vector<16xf32>, vector<16xf32>, vector<16xf32>, vector<16xf32>, vector<16xf32>, vector<16xf32>, vector<16xf32>, vector<16xf32>, vector<16xf32>, vector<16xf32>, vector<16xf32>, vector<16xf32>, vector<16xf32>)  : i32 {
        %get3A_1035 = arith.constant 0 : i32
        %get3A_1036 = arith.index_cast %get3A_1035 : i32 to index
        %get3A_1037 = arith.index_cast %scan3A_1018 : i32 to index
        %get3A_1038 = arith.constant 128 : index
        %get3A_1039 = tpu.vector_load %arg6[%get3A_1036, %get3A_1037, %get3A_1038] {strides = array<i32>} : memref<2x64x256xf32, #tpu.memory_space<vmem>>, vector<16xf32>,
        %mul3A_1040 = arith.mulf %scan3A_1019, %get3A_483 : vector<16xf32>
        %mul3A_1041 = arith.mulf %scan3A_1027, %get3A_499 : vector<16xf32>
        %sub3A = arith.subf %mul3A_1040, %mul3A_1041 : vector<16xf32>
        %add3A_1042 = arith.addf %sub3A, %get3A_1039 : vector<16xf32>
        %mul3A_1043 = arith.mulf %scan3A_1019, %get3A_499 : vector<16xf32>
        %mul3A_1044 = arith.mulf %scan3A_1027, %get3A_483 : vector<16xf32>
        %add3A_1045 = arith.addf %mul3A_1043, %mul3A_1044 : vector<16xf32>
        %swap3A_1046 = arith.constant 0 : i32
        %swap3A_1047 = arith.constant 0 : i32
        %swap3A_1048 = arith.index_cast %swap3A_1046 : i32 to index
        %swap3A_1049 = arith.index_cast %swap3A_1047 : i32 to index
        %swap3A_1050 = arith.index_cast %scan3A_1018 : i32 to index
        %swap3A_1051 = arith.constant 128 : index
        %swap3A_1052 = tpu.vector_load %arg7[%swap3A_1048, %swap3A_1049, %swap3A_1050, %swap3A_1051] {strides = array<i32>} : memref<2x2x64x256xf32, #tpu.memory_space<vmem>>, vector<16xf32>,
        tpu.vector_store %arg7[%swap3A_1048, %swap3A_1049, %swap3A_1050, %swap3A_1051], %add3A_1042 {strides = array<i32>} : memref<2x2x64x256xf32, #tpu.memory_space<vmem>>, vector<16xf32>,
        %swap3A_1053 = arith.constant 0 : i32
        %swap3A_1054 = arith.constant 1 : i32
        %swap3A_1055 = arith.index_cast %swap3A_1053 : i32 to index
        %swap3A_1056 = arith.index_cast %swap3A_1054 : i32 to index
        %swap3A_1057 = arith.index_cast %scan3A_1018 : i32 to index
        %swap3A_1058 = arith.constant 128 : index
        %swap3A_1059 = tpu.vector_load %arg7[%swap3A_1055, %swap3A_1056, %swap3A_1057, %swap3A_1058] {strides = array<i32>} : memref<2x2x64x256xf32, #tpu.memory_space<vmem>>, vector<16xf32>,
        tpu.vector_store %arg7[%swap3A_1055, %swap3A_1056, %swap3A_1057, %swap3A_1058], %add3A_1045 {strides = array<i32>} : memref<2x2x64x256xf32, #tpu.memory_space<vmem>>, vector<16xf32>,
        %get3A_1060 = arith.constant 0 : i32
        %get3A_1061 = arith.index_cast %get3A_1060 : i32 to index
        %get3A_1062 = arith.index_cast %scan3A_1018 : i32 to index
        %get3A_1063 = arith.constant 144 : index
        %get3A_1064 = tpu.vector_load %arg6[%get3A_1061, %get3A_1062, %get3A_1063] {strides = array<i32>} : memref<2x64x256xf32, #tpu.memory_space<vmem>>, vector<16xf32>,
        %mul3A_1065 = arith.mulf %scan3A_1020, %get3A_485 : vector<16xf32>
        %mul3A_1066 = arith.mulf %scan3A_1028, %get3A_501 : vector<16xf32>
        %sub3A_1067 = arith.subf %mul3A_1065, %mul3A_1066 : vector<16xf32>
        %add3A_1068 = arith.addf %sub3A_1067, %get3A_1064 : vector<16xf32>
        %mul3A_1069 = arith.mulf %scan3A_1020, %get3A_501 : vector<16xf32>
        %mul3A_1070 = arith.mulf %scan3A_1028, %get3A_485 : vector<16xf32>
        %add3A_1071 = arith.addf %mul3A_1069, %mul3A_1070 : vector<16xf32>
        %swap3A_1072 = arith.constant 0 : i32
        %swap3A_1073 = arith.constant 0 : i32
        %swap3A_1074 = arith.index_cast %swap3A_1072 : i32 to index
        %swap3A_1075 = arith.index_cast %swap3A_1073 : i32 to index
        %swap3A_1076 = arith.index_cast %scan3A_1018 : i32 to index
        %swap3A_1077 = arith.constant 144 : index
        %swap3A_1078 = tpu.vector_load %arg7[%swap3A_1074, %swap3A_1075, %swap3A_1076, %swap3A_1077] {strides = array<i32>} : memref<2x2x64x256xf32, #tpu.memory_space<vmem>>, vector<16xf32>,
        tpu.vector_store %arg7[%swap3A_1074, %swap3A_1075, %swap3A_1076, %swap3A_1077], %add3A_1068 {strides = array<i32>} : memref<2x2x64x256xf32, #tpu.memory_space<vmem>>, vector<16xf32>,
        %swap3A_1079 = arith.constant 0 : i32
        %swap3A_1080 = arith.constant 1 : i32
        %swap3A_1081 = arith.index_cast %swap3A_1079 : i32 to index
        %swap3A_1082 = arith.index_cast %swap3A_1080 : i32 to index
        %swap3A_1083 = arith.index_cast %scan3A_1018 : i32 to index
        %swap3A_1084 = arith.constant 144 : index
        %swap3A_1085 = tpu.vector_load %arg7[%swap3A_1081, %swap3A_1082, %swap3A_1083, %swap3A_1084] {strides = array<i32>} : memref<2x2x64x256xf32, #tpu.memory_space<vmem>>, vector<16xf32>,
        tpu.vector_store %arg7[%swap3A_1081, %swap3A_1082, %swap3A_1083, %swap3A_1084], %add3A_1071 {strides = array<i32>} : memref<2x2x64x256xf32, #tpu.memory_space<vmem>>, vector<16xf32>,
        %get3A_1086 = arith.constant 0 : i32
        %get3A_1087 = arith.index_cast %get3A_1086 : i32 to index
        %get3A_1088 = arith.index_cast %scan3A_1018 : i32 to index
        %get3A_1089 = arith.constant 160 : index
        %get3A_1090 = tpu.vector_load %arg6[%get3A_1087, %get3A_1088, %get3A_1089] {strides = array<i32>} : memref<2x64x256xf32, #tpu.memory_space<vmem>>, vector<16xf32>,
        %mul3A_1091 = arith.mulf %scan3A_1021, %get3A_487 : vector<16xf32>
        %mul3A_1092 = arith.mulf %scan3A_1029, %get3A_503 : vector<16xf32>
        %sub3A_1093 = arith.subf %mul3A_1091, %mul3A_1092 : vector<16xf32>
        %add3A_1094 = arith.addf %sub3A_1093, %get3A_1090 : vector<16xf32>
        %mul3A_1095 = arith.mulf %scan3A_1021, %get3A_503 : vector<16xf32>
        %mul3A_1096 = arith.mulf %scan3A_1029, %get3A_487 : vector<16xf32>
        %add3A_1097 = arith.addf %mul3A_1095, %mul3A_1096 : vector<16xf32>
        %swap3A_1098 = arith.constant 0 : i32
        %swap3A_1099 = arith.constant 0 : i32
        %swap3A_1100 = arith.index_cast %swap3A_1098 : i32 to index
        %swap3A_1101 = arith.index_cast %swap3A_1099 : i32 to index
        %swap3A_1102 = arith.index_cast %scan3A_1018 : i32 to index
        %swap3A_1103 = arith.constant 160 : index
        %swap3A_1104 = tpu.vector_load %arg7[%swap3A_1100, %swap3A_1101, %swap3A_1102, %swap3A_1103] {strides = array<i32>} : memref<2x2x64x256xf32, #tpu.memory_space<vmem>>, vector<16xf32>,
        tpu.vector_store %arg7[%swap3A_1100, %swap3A_1101, %swap3A_1102, %swap3A_1103], %add3A_1094 {strides = array<i32>} : memref<2x2x64x256xf32, #tpu.memory_space<vmem>>, vector<16xf32>,
        %swap3A_1105 = arith.constant 0 : i32
        %swap3A_1106 = arith.constant 1 : i32
        %swap3A_1107 = arith.index_cast %swap3A_1105 : i32 to index
        %swap3A_1108 = arith.index_cast %swap3A_1106 : i32 to index
        %swap3A_1109 = arith.index_cast %scan3A_1018 : i32 to index
        %swap3A_1110 = arith.constant 160 : index
        %swap3A_1111 = tpu.vector_load %arg7[%swap3A_1107, %swap3A_1108, %swap3A_1109, %swap3A_1110] {strides = array<i32>} : memref<2x2x64x256xf32, #tpu.memory_space<vmem>>, vector<16xf32>,
        tpu.vector_store %arg7[%swap3A_1107, %swap3A_1108, %swap3A_1109, %swap3A_1110], %add3A_1097 {strides = array<i32>} : memref<2x2x64x256xf32, #tpu.memory_space<vmem>>, vector<16xf32>,
        %get3A_1112 = arith.constant 0 : i32
        %get3A_1113 = arith.index_cast %get3A_1112 : i32 to index
        %get3A_1114 = arith.index_cast %scan3A_1018 : i32 to index
        %get3A_1115 = arith.constant 176 : index
        %get3A_1116 = tpu.vector_load %arg6[%get3A_1113, %get3A_1114, %get3A_1115] {strides = array<i32>} : memref<2x64x256xf32, #tpu.memory_space<vmem>>, vector<16xf32>,
        %mul3A_1117 = arith.mulf %scan3A_1022, %get3A_489 : vector<16xf32>
        %mul3A_1118 = arith.mulf %scan3A_1030, %get3A_505 : vector<16xf32>
        %sub3A_1119 = arith.subf %mul3A_1117, %mul3A_1118 : vector<16xf32>
        %add3A_1120 = arith.addf %sub3A_1119, %get3A_1116 : vector<16xf32>
        %mul3A_1121 = arith.mulf %scan3A_1022, %get3A_505 : vector<16xf32>
        %mul3A_1122 = arith.mulf %scan3A_1030, %get3A_489 : vector<16xf32>
        %add3A_1123 = arith.addf %mul3A_1121, %mul3A_1122 : vector<16xf32>
        %swap3A_1124 = arith.constant 0 : i32
        %swap3A_1125 = arith.constant 0 : i32
        %swap3A_1126 = arith.index_cast %swap3A_1124 : i32 to index
        %swap3A_1127 = arith.index_cast %swap3A_1125 : i32 to index
        %swap3A_1128 = arith.index_cast %scan3A_1018 : i32 to index
        %swap3A_1129 = arith.constant 176 : index
        %swap3A_1130 = tpu.vector_load %arg7[%swap3A_1126, %swap3A_1127, %swap3A_1128, %swap3A_1129] {strides = array<i32>} : memref<2x2x64x256xf32, #tpu.memory_space<vmem>>, vector<16xf32>,
        tpu.vector_store %arg7[%swap3A_1126, %swap3A_1127, %swap3A_1128, %swap3A_1129], %add3A_1120 {strides = array<i32>} : memref<2x2x64x256xf32, #tpu.memory_space<vmem>>, vector<16xf32>,
        %swap3A_1131 = arith.constant 0 : i32
        %swap3A_1132 = arith.constant 1 : i32
        %swap3A_1133 = arith.index_cast %swap3A_1131 : i32 to index
        %swap3A_1134 = arith.index_cast %swap3A_1132 : i32 to index
        %swap3A_1135 = arith.index_cast %scan3A_1018 : i32 to index
        %swap3A_1136 = arith.constant 176 : index
        %swap3A_1137 = tpu.vector_load %arg7[%swap3A_1133, %swap3A_1134, %swap3A_1135, %swap3A_1136] {strides = array<i32>} : memref<2x2x64x256xf32, #tpu.memory_space<vmem>>, vector<16xf32>,
        tpu.vector_store %arg7[%swap3A_1133, %swap3A_1134, %swap3A_1135, %swap3A_1136], %add3A_1123 {strides = array<i32>} : memref<2x2x64x256xf32, #tpu.memory_space<vmem>>, vector<16xf32>,
        %get3A_1138 = arith.constant 0 : i32
        %get3A_1139 = arith.index_cast %get3A_1138 : i32 to index
        %get3A_1140 = arith.index_cast %scan3A_1018 : i32 to index
        %get3A_1141 = arith.constant 192 : index
        %get3A_1142 = tpu.vector_load %arg6[%get3A_1139, %get3A_1140, %get3A_1141] {strides = array<i32>} : memref<2x64x256xf32, #tpu.memory_space<vmem>>, vector<16xf32>,
        %mul3A_1143 = arith.mulf %scan3A_1023, %get3A_491 : vector<16xf32>
        %mul3A_1144 = arith.mulf %scan3A_1031, %get3A_507 : vector<16xf32>
        %sub3A_1145 = arith.subf %mul3A_1143, %mul3A_1144 : vector<16xf32>
        %add3A_1146 = arith.addf %sub3A_1145, %get3A_1142 : vector<16xf32>
        %mul3A_1147 = arith.mulf %scan3A_1023, %get3A_507 : vector<16xf32>
        %mul3A_1148 = arith.mulf %scan3A_1031, %get3A_491 : vector<16xf32>
        %add3A_1149 = arith.addf %mul3A_1147, %mul3A_1148 : vector<16xf32>
        %swap3A_1150 = arith.constant 0 : i32
        %swap3A_1151 = arith.constant 0 : i32
        %swap3A_1152 = arith.index_cast %swap3A_1150 : i32 to index
        %swap3A_1153 = arith.index_cast %swap3A_1151 : i32 to index
        %swap3A_1154 = arith.index_cast %scan3A_1018 : i32 to index
        %swap3A_1155 = arith.constant 192 : index
        %swap3A_1156 = tpu.vector_load %arg7[%swap3A_1152, %swap3A_1153, %swap3A_1154, %swap3A_1155] {strides = array<i32>} : memref<2x2x64x256xf32, #tpu.memory_space<vmem>>, vector<16xf32>,
        tpu.vector_store %arg7[%swap3A_1152, %swap3A_1153, %swap3A_1154, %swap3A_1155], %add3A_1146 {strides = array<i32>} : memref<2x2x64x256xf32, #tpu.memory_space<vmem>>, vector<16xf32>,
        %swap3A_1157 = arith.constant 0 : i32
        %swap3A_1158 = arith.constant 1 : i32
        %swap3A_1159 = arith.index_cast %swap3A_1157 : i32 to index
        %swap3A_1160 = arith.index_cast %swap3A_1158 : i32 to index
        %swap3A_1161 = arith.index_cast %scan3A_1018 : i32 to index
        %swap3A_1162 = arith.constant 192 : index
        %swap3A_1163 = tpu.vector_load %arg7[%swap3A_1159, %swap3A_1160, %swap3A_1161, %swap3A_1162] {strides = array<i32>} : memref<2x2x64x256xf32, #tpu.memory_space<vmem>>, vector<16xf32>,
        tpu.vector_store %arg7[%swap3A_1159, %swap3A_1160, %swap3A_1161, %swap3A_1162], %add3A_1149 {strides = array<i32>} : memref<2x2x64x256xf32, #tpu.memory_space<vmem>>, vector<16xf32>,
        %get3A_1164 = arith.constant 0 : i32
        %get3A_1165 = arith.index_cast %get3A_1164 : i32 to index
        %get3A_1166 = arith.index_cast %scan3A_1018 : i32 to index
        %get3A_1167 = arith.constant 208 : index
        %get3A_1168 = tpu.vector_load %arg6[%get3A_1165, %get3A_1166, %get3A_1167] {strides = array<i32>} : memref<2x64x256xf32, #tpu.memory_space<vmem>>, vector<16xf32>,
        %mul3A_1169 = arith.mulf %scan3A_1024, %get3A_493 : vector<16xf32>
        %mul3A_1170 = arith.mulf %scan3A_1032, %get3A_509 : vector<16xf32>
        %sub3A_1171 = arith.subf %mul3A_1169, %mul3A_1170 : vector<16xf32>
        %add3A_1172 = arith.addf %sub3A_1171, %get3A_1168 : vector<16xf32>
        %mul3A_1173 = arith.mulf %scan3A_1024, %get3A_509 : vector<16xf32>
        %mul3A_1174 = arith.mulf %scan3A_1032, %get3A_493 : vector<16xf32>
        %add3A_1175 = arith.addf %mul3A_1173, %mul3A_1174 : vector<16xf32>
        %swap3A_1176 = arith.constant 0 : i32
        %swap3A_1177 = arith.constant 0 : i32
        %swap3A_1178 = arith.index_cast %swap3A_1176 : i32 to index
        %swap3A_1179 = arith.index_cast %swap3A_1177 : i32 to index
        %swap3A_1180 = arith.index_cast %scan3A_1018 : i32 to index
        %swap3A_1181 = arith.constant 208 : index
        %swap3A_1182 = tpu.vector_load %arg7[%swap3A_1178, %swap3A_1179, %swap3A_1180, %swap3A_1181] {strides = array<i32>} : memref<2x2x64x256xf32, #tpu.memory_space<vmem>>, vector<16xf32>,
        tpu.vector_store %arg7[%swap3A_1178, %swap3A_1179, %swap3A_1180, %swap3A_1181], %add3A_1172 {strides = array<i32>} : memref<2x2x64x256xf32, #tpu.memory_space<vmem>>, vector<16xf32>,
        %swap3A_1183 = arith.constant 0 : i32
        %swap3A_1184 = arith.constant 1 : i32
        %swap3A_1185 = arith.index_cast %swap3A_1183 : i32 to index
        %swap3A_1186 = arith.index_cast %swap3A_1184 : i32 to index
        %swap3A_1187 = arith.index_cast %scan3A_1018 : i32 to index
        %swap3A_1188 = arith.constant 208 : index
        %swap3A_1189 = tpu.vector_load %arg7[%swap3A_1185, %swap3A_1186, %swap3A_1187, %swap3A_1188] {strides = array<i32>} : memref<2x2x64x256xf32, #tpu.memory_space<vmem>>, vector<16xf32>,
        tpu.vector_store %arg7[%swap3A_1185, %swap3A_1186, %swap3A_1187, %swap3A_1188], %add3A_1175 {strides = array<i32>} : memref<2x2x64x256xf32, #tpu.memory_space<vmem>>, vector<16xf32>,
        %get3A_1190 = arith.constant 0 : i32
        %get3A_1191 = arith.index_cast %get3A_1190 : i32 to index
        %get3A_1192 = arith.index_cast %scan3A_1018 : i32 to index
        %get3A_1193 = arith.constant 224 : index
        %get3A_1194 = tpu.vector_load %arg6[%get3A_1191, %get3A_1192, %get3A_1193] {strides = array<i32>} : memref<2x64x256xf32, #tpu.memory_space<vmem>>, vector<16xf32>,
        %mul3A_1195 = arith.mulf %scan3A_1025, %get3A_495 : vector<16xf32>
        %mul3A_1196 = arith.mulf %scan3A_1033, %get3A_511 : vector<16xf32>
        %sub3A_1197 = arith.subf %mul3A_1195, %mul3A_1196 : vector<16xf32>
        %add3A_1198 = arith.addf %sub3A_1197, %get3A_1194 : vector<16xf32>
        %mul3A_1199 = arith.mulf %scan3A_1025, %get3A_511 : vector<16xf32>
        %mul3A_1200 = arith.mulf %scan3A_1033, %get3A_495 : vector<16xf32>
        %add3A_1201 = arith.addf %mul3A_1199, %mul3A_1200 : vector<16xf32>
        %swap3A_1202 = arith.constant 0 : i32
        %swap3A_1203 = arith.constant 0 : i32
        %swap3A_1204 = arith.index_cast %swap3A_1202 : i32 to index
        %swap3A_1205 = arith.index_cast %swap3A_1203 : i32 to index
        %swap3A_1206 = arith.index_cast %scan3A_1018 : i32 to index
        %swap3A_1207 = arith.constant 224 : index
        %swap3A_1208 = tpu.vector_load %arg7[%swap3A_1204, %swap3A_1205, %swap3A_1206, %swap3A_1207] {strides = array<i32>} : memref<2x2x64x256xf32, #tpu.memory_space<vmem>>, vector<16xf32>,
        tpu.vector_store %arg7[%swap3A_1204, %swap3A_1205, %swap3A_1206, %swap3A_1207], %add3A_1198 {strides = array<i32>} : memref<2x2x64x256xf32, #tpu.memory_space<vmem>>, vector<16xf32>,
        %swap3A_1209 = arith.constant 0 : i32
        %swap3A_1210 = arith.constant 1 : i32
        %swap3A_1211 = arith.index_cast %swap3A_1209 : i32 to index
        %swap3A_1212 = arith.index_cast %swap3A_1210 : i32 to index
        %swap3A_1213 = arith.index_cast %scan3A_1018 : i32 to index
        %swap3A_1214 = arith.constant 224 : index
        %swap3A_1215 = tpu.vector_load %arg7[%swap3A_1211, %swap3A_1212, %swap3A_1213, %swap3A_1214] {strides = array<i32>} : memref<2x2x64x256xf32, #tpu.memory_space<vmem>>, vector<16xf32>,
        tpu.vector_store %arg7[%swap3A_1211, %swap3A_1212, %swap3A_1213, %swap3A_1214], %add3A_1201 {strides = array<i32>} : memref<2x2x64x256xf32, #tpu.memory_space<vmem>>, vector<16xf32>,
        %get3A_1216 = arith.constant 0 : i32
        %get3A_1217 = arith.index_cast %get3A_1216 : i32 to index
        %get3A_1218 = arith.index_cast %scan3A_1018 : i32 to index
        %get3A_1219 = arith.constant 240 : index
        %get3A_1220 = tpu.vector_load %arg6[%get3A_1217, %get3A_1218, %get3A_1219] {strides = array<i32>} : memref<2x64x256xf32, #tpu.memory_space<vmem>>, vector<16xf32>,
        %mul3A_1221 = arith.mulf %scan3A_1026, %get3A_497 : vector<16xf32>
        %mul3A_1222 = arith.mulf %scan3A_1034, %get3A_513 : vector<16xf32>
        %sub3A_1223 = arith.subf %mul3A_1221, %mul3A_1222 : vector<16xf32>
        %add3A_1224 = arith.addf %sub3A_1223, %get3A_1220 : vector<16xf32>
        %mul3A_1225 = arith.mulf %scan3A_1026, %get3A_513 : vector<16xf32>
        %mul3A_1226 = arith.mulf %scan3A_1034, %get3A_497 : vector<16xf32>
        %add3A_1227 = arith.addf %mul3A_1225, %mul3A_1226 : vector<16xf32>
        %swap3A_1228 = arith.constant 0 : i32
        %swap3A_1229 = arith.constant 0 : i32
        %swap3A_1230 = arith.index_cast %swap3A_1228 : i32 to index
        %swap3A_1231 = arith.index_cast %swap3A_1229 : i32 to index
        %swap3A_1232 = arith.index_cast %scan3A_1018 : i32 to index
        %swap3A_1233 = arith.constant 240 : index
        %swap3A_1234 = tpu.vector_load %arg7[%swap3A_1230, %swap3A_1231, %swap3A_1232, %swap3A_1233] {strides = array<i32>} : memref<2x2x64x256xf32, #tpu.memory_space<vmem>>, vector<16xf32>,
        tpu.vector_store %arg7[%swap3A_1230, %swap3A_1231, %swap3A_1232, %swap3A_1233], %add3A_1224 {strides = array<i32>} : memref<2x2x64x256xf32, #tpu.memory_space<vmem>>, vector<16xf32>,
        %swap3A_1235 = arith.constant 0 : i32
        %swap3A_1236 = arith.constant 1 : i32
        %swap3A_1237 = arith.index_cast %swap3A_1235 : i32 to index
        %swap3A_1238 = arith.index_cast %swap3A_1236 : i32 to index
        %swap3A_1239 = arith.index_cast %scan3A_1018 : i32 to index
        %swap3A_1240 = arith.constant 240 : index
        %swap3A_1241 = tpu.vector_load %arg7[%swap3A_1237, %swap3A_1238, %swap3A_1239, %swap3A_1240] {strides = array<i32>} : memref<2x2x64x256xf32, #tpu.memory_space<vmem>>, vector<16xf32>,
        tpu.vector_store %arg7[%swap3A_1237, %swap3A_1238, %swap3A_1239, %swap3A_1240], %add3A_1227 {strides = array<i32>} : memref<2x2x64x256xf32, #tpu.memory_space<vmem>>, vector<16xf32>,
        scf.yield %add3A_1042, %add3A_1068, %add3A_1094, %add3A_1120, %add3A_1146, %add3A_1172, %add3A_1198, %add3A_1224, %add3A_1045, %add3A_1071, %add3A_1097, %add3A_1123, %add3A_1149, %add3A_1175, %add3A_1201, %add3A_1227 : vector<16xf32>, vector<16xf32>, vector<16xf32>, vector<16xf32>, vector<16xf32>, vector<16xf32>, vector<16xf32>, vector<16xf32>, vector<16xf32>, vector<16xf32>, vector<16xf32>, vector<16xf32>, vector<16xf32>, vector<16xf32>, vector<16xf32>, vector<16xf32>
      }
      %scan3A_519 = arith.constant 64 : i32
      %swap3A_520 = arith.constant 0 : i32
      %swap3A_521 = arith.index_cast %swap3A_520 : i32 to index
      %swap3A_522 = arith.constant 128 : index
      %swap3A_523 = tpu.vector_load %arg10[%swap3A_521, %swap3A_522] {strides = array<i32>} : memref<2x256xf32, #tpu.memory_space<vmem>>, vector<16xf32>,
      tpu.vector_store %arg10[%swap3A_521, %swap3A_522], %scan3A_518#0 {strides = array<i32>} : memref<2x256xf32, #tpu.memory_space<vmem>>, vector<16xf32>,
      %swap3A_524 = arith.constant 1 : i32
      %swap3A_525 = arith.index_cast %swap3A_524 : i32 to index
      %swap3A_526 = arith.constant 128 : index
      %swap3A_527 = tpu.vector_load %arg10[%swap3A_525, %swap3A_526] {strides = array<i32>} : memref<2x256xf32, #tpu.memory_space<vmem>>, vector<16xf32>,
      tpu.vector_store %arg10[%swap3A_525, %swap3A_526], %scan3A_518#8 {strides = array<i32>} : memref<2x256xf32, #tpu.memory_space<vmem>>, vector<16xf32>,
      %swap3A_528 = arith.constant 0 : i32
      %swap3A_529 = arith.index_cast %swap3A_528 : i32 to index
      %swap3A_530 = arith.constant 144 : index
      %swap3A_531 = tpu.vector_load %arg10[%swap3A_529, %swap3A_530] {strides = array<i32>} : memref<2x256xf32, #tpu.memory_space<vmem>>, vector<16xf32>,
      tpu.vector_store %arg10[%swap3A_529, %swap3A_530], %scan3A_518#1 {strides = array<i32>} : memref<2x256xf32, #tpu.memory_space<vmem>>, vector<16xf32>,
      %swap3A_532 = arith.constant 1 : i32
      %swap3A_533 = arith.index_cast %swap3A_532 : i32 to index
      %swap3A_534 = arith.constant 144 : index
      %swap3A_535 = tpu.vector_load %arg10[%swap3A_533, %swap3A_534] {strides = array<i32>} : memref<2x256xf32, #tpu.memory_space<vmem>>, vector<16xf32>,
      tpu.vector_store %arg10[%swap3A_533, %swap3A_534], %scan3A_518#9 {strides = array<i32>} : memref<2x256xf32, #tpu.memory_space<vmem>>, vector<16xf32>,
      %swap3A_536 = arith.constant 0 : i32
      %swap3A_537 = arith.index_cast %swap3A_536 : i32 to index
      %swap3A_538 = arith.constant 160 : index
      %swap3A_539 = tpu.vector_load %arg10[%swap3A_537, %swap3A_538] {strides = array<i32>} : memref<2x256xf32, #tpu.memory_space<vmem>>, vector<16xf32>,
      tpu.vector_store %arg10[%swap3A_537, %swap3A_538], %scan3A_518#2 {strides = array<i32>} : memref<2x256xf32, #tpu.memory_space<vmem>>, vector<16xf32>,
      %swap3A_540 = arith.constant 1 : i32
      %swap3A_541 = arith.index_cast %swap3A_540 : i32 to index
      %swap3A_542 = arith.constant 160 : index
      %swap3A_543 = tpu.vector_load %arg10[%swap3A_541, %swap3A_542] {strides = array<i32>} : memref<2x256xf32, #tpu.memory_space<vmem>>, vector<16xf32>,
      tpu.vector_store %arg10[%swap3A_541, %swap3A_542], %scan3A_518#10 {strides = array<i32>} : memref<2x256xf32, #tpu.memory_space<vmem>>, vector<16xf32>,
      %swap3A_544 = arith.constant 0 : i32
      %swap3A_545 = arith.index_cast %swap3A_544 : i32 to index
      %swap3A_546 = arith.constant 176 : index
      %swap3A_547 = tpu.vector_load %arg10[%swap3A_545, %swap3A_546] {strides = array<i32>} : memref<2x256xf32, #tpu.memory_space<vmem>>, vector<16xf32>,
      tpu.vector_store %arg10[%swap3A_545, %swap3A_546], %scan3A_518#3 {strides = array<i32>} : memref<2x256xf32, #tpu.memory_space<vmem>>, vector<16xf32>,
      %swap3A_548 = arith.constant 1 : i32
      %swap3A_549 = arith.index_cast %swap3A_548 : i32 to index
      %swap3A_550 = arith.constant 176 : index
      %swap3A_551 = tpu.vector_load %arg10[%swap3A_549, %swap3A_550] {strides = array<i32>} : memref<2x256xf32, #tpu.memory_space<vmem>>, vector<16xf32>,
      tpu.vector_store %arg10[%swap3A_549, %swap3A_550], %scan3A_518#11 {strides = array<i32>} : memref<2x256xf32, #tpu.memory_space<vmem>>, vector<16xf32>,
      %swap3A_552 = arith.constant 0 : i32
      %swap3A_553 = arith.index_cast %swap3A_552 : i32 to index
      %swap3A_554 = arith.constant 192 : index
      %swap3A_555 = tpu.vector_load %arg10[%swap3A_553, %swap3A_554] {strides = array<i32>} : memref<2x256xf32, #tpu.memory_space<vmem>>, vector<16xf32>,
      tpu.vector_store %arg10[%swap3A_553, %swap3A_554], %scan3A_518#4 {strides = array<i32>} : memref<2x256xf32, #tpu.memory_space<vmem>>, vector<16xf32>,
      %swap3A_556 = arith.constant 1 : i32
      %swap3A_557 = arith.index_cast %swap3A_556 : i32 to index
      %swap3A_558 = arith.constant 192 : index
      %swap3A_559 = tpu.vector_load %arg10[%swap3A_557, %swap3A_558] {strides = array<i32>} : memref<2x256xf32, #tpu.memory_space<vmem>>, vector<16xf32>,
      tpu.vector_store %arg10[%swap3A_557, %swap3A_558], %scan3A_518#12 {strides = array<i32>} : memref<2x256xf32, #tpu.memory_space<vmem>>, vector<16xf32>,
      %swap3A_560 = arith.constant 0 : i32
      %swap3A_561 = arith.index_cast %swap3A_560 : i32 to index
      %swap3A_562 = arith.constant 208 : index
      %swap3A_563 = tpu.vector_load %arg10[%swap3A_561, %swap3A_562] {strides = array<i32>} : memref<2x256xf32, #tpu.memory_space<vmem>>, vector<16xf32>,
      tpu.vector_store %arg10[%swap3A_561, %swap3A_562], %scan3A_518#5 {strides = array<i32>} : memref<2x256xf32, #tpu.memory_space<vmem>>, vector<16xf32>,
      %swap3A_564 = arith.constant 1 : i32
      %swap3A_565 = arith.index_cast %swap3A_564 : i32 to index
      %swap3A_566 = arith.constant 208 : index
      %swap3A_567 = tpu.vector_load %arg10[%swap3A_565, %swap3A_566] {strides = array<i32>} : memref<2x256xf32, #tpu.memory_space<vmem>>, vector<16xf32>,
      tpu.vector_store %arg10[%swap3A_565, %swap3A_566], %scan3A_518#13 {strides = array<i32>} : memref<2x256xf32, #tpu.memory_space<vmem>>, vector<16xf32>,
      %swap3A_568 = arith.constant 0 : i32
      %swap3A_569 = arith.index_cast %swap3A_568 : i32 to index
      %swap3A_570 = arith.constant 224 : index
      %swap3A_571 = tpu.vector_load %arg10[%swap3A_569, %swap3A_570] {strides = array<i32>} : memref<2x256xf32, #tpu.memory_space<vmem>>, vector<16xf32>,
      tpu.vector_store %arg10[%swap3A_569, %swap3A_570], %scan3A_518#6 {strides = array<i32>} : memref<2x256xf32, #tpu.memory_space<vmem>>, vector<16xf32>,
      %swap3A_572 = arith.constant 1 : i32
      %swap3A_573 = arith.index_cast %swap3A_572 : i32 to index
      %swap3A_574 = arith.constant 224 : index
      %swap3A_575 = tpu.vector_load %arg10[%swap3A_573, %swap3A_574] {strides = array<i32>} : memref<2x256xf32, #tpu.memory_space<vmem>>, vector<16xf32>,
      tpu.vector_store %arg10[%swap3A_573, %swap3A_574], %scan3A_518#14 {strides = array<i32>} : memref<2x256xf32, #tpu.memory_space<vmem>>, vector<16xf32>,
      %swap3A_576 = arith.constant 0 : i32
      %swap3A_577 = arith.index_cast %swap3A_576 : i32 to index
      %swap3A_578 = arith.constant 240 : index
      %swap3A_579 = tpu.vector_load %arg10[%swap3A_577, %swap3A_578] {strides = array<i32>} : memref<2x256xf32, #tpu.memory_space<vmem>>, vector<16xf32>,
      tpu.vector_store %arg10[%swap3A_577, %swap3A_578], %scan3A_518#7 {strides = array<i32>} : memref<2x256xf32, #tpu.memory_space<vmem>>, vector<16xf32>,
      %swap3A_580 = arith.constant 1 : i32
      %swap3A_581 = arith.index_cast %swap3A_580 : i32 to index
      %swap3A_582 = arith.constant 240 : index
      %swap3A_583 = tpu.vector_load %arg10[%swap3A_581, %swap3A_582] {strides = array<i32>} : memref<2x256xf32, #tpu.memory_space<vmem>>, vector<16xf32>,
      tpu.vector_store %arg10[%swap3A_581, %swap3A_582], %scan3A_518#15 {strides = array<i32>} : memref<2x256xf32, #tpu.memory_space<vmem>>, vector<16xf32>,
      %mul3A_584 = arith.constant 64 : i32
      %mul3A_585 = arith.muli %add3A_235, %mul3A_584 : i32
      %mul3A_586 = arith.constant 64 : i32
      %mul3A_587 = arith.muli %add3A_235, %mul3A_586 : i32
      %dma_start3A_588 = arith.constant 0 : i32
      %dma_start3A_589 = arith.constant 0 : i32
      %dma_start3A_590 = arith.constant 0 : i32
      %dma_start3A_591 = arith.constant 0 : i32
      %dma_start3A_592 = arith.constant 0 : i32
      %dma_start3A_593 = tpu.memref_slice %arg7[%dma_start3A_588, %dma_start3A_589, %dma_start3A_591, %dma_start3A_592] : memref<2x2x64x256xf32, #tpu.memory_space<vmem>> -> memref<1x1x64x256xf32, #tpu.memory_space<vmem>>
      %dma_start3A_594 = tpu.memref_squeeze %dma_start3A_593 : memref<1x1x64x256xf32, #tpu.memory_space<vmem>> -> memref<64x256xf32, #tpu.memory_space<vmem>>
      %dma_start3A_595 = tpu.memref_slice %arg5[%arg1, %mul3A_585, %dma_start3A_590, %mul3A_0] : memref<16x2048x2x512xf32, #tpu.memory_space<hbm>> -> memref<1x64x1x256xf32, #tpu.memory_space<hbm>>
      %dma_start3A_596 = tpu.memref_squeeze %dma_start3A_595 : memref<1x64x1x256xf32, #tpu.memory_space<hbm>> -> memref<64x256xf32, #tpu.memory_space<hbm>>
      %dma_start3A_597 = tpu.memref_slice %arg5[%arg1, %mul3A_585, %dma_start3A_590, %mul3A_0] : memref<16x2048x2x512xf32, #tpu.memory_space<hbm>> -> memref<1x64x1x256xf32, #tpu.memory_space<hbm>>
      %dma_start3A_598 = tpu.memref_squeeze %dma_start3A_597 : memref<1x64x1x256xf32, #tpu.memory_space<hbm>> -> memref<64x256xf32, #tpu.memory_space<hbm>>
      %dma_start3A_599 = arith.constant 0 : i32
      %dma_start3A_600 = arith.constant 0 : i32
      %dma_start3A_601 = tpu.memref_slice %arg7[%dma_start3A_588, %dma_start3A_589, %dma_start3A_599, %dma_start3A_600] : memref<2x2x64x256xf32, #tpu.memory_space<vmem>> -> memref<1x1x64x256xf32, #tpu.memory_space<vmem>>
      %dma_start3A_602 = tpu.memref_squeeze %dma_start3A_601 : memref<1x1x64x256xf32, #tpu.memory_space<vmem>> -> memref<64x256xf32, #tpu.memory_space<vmem>>
      tpu.enqueue_dma source(%dma_start3A_602 : memref<64x256xf32, #tpu.memory_space<vmem>>) target(%dma_start3A_598 : memref<64x256xf32, #tpu.memory_space<hbm>>) target_semaphore(%arg13 : memref<!tpu.dma_semaphore, #tpu.memory_space<semaphore_mem>>)
      %dma_start3A_603 = arith.constant 0 : i32
      %dma_start3A_604 = arith.constant 1 : i32
      %dma_start3A_605 = arith.constant 1 : i32
      %dma_start3A_606 = arith.constant 0 : i32
      %dma_start3A_607 = arith.constant 0 : i32
      %dma_start3A_608 = tpu.memref_slice %arg7[%dma_start3A_603, %dma_start3A_604, %dma_start3A_606, %dma_start3A_607] : memref<2x2x64x256xf32, #tpu.memory_space<vmem>> -> memref<1x1x64x256xf32, #tpu.memory_space<vmem>>
      %dma_start3A_609 = tpu.memref_squeeze %dma_start3A_608 : memref<1x1x64x256xf32, #tpu.memory_space<vmem>> -> memref<64x256xf32, #tpu.memory_space<vmem>>
      %dma_start3A_610 = tpu.memref_slice %arg5[%arg1, %mul3A_587, %dma_start3A_605, %mul3A_0] : memref<16x2048x2x512xf32, #tpu.memory_space<hbm>> -> memref<1x64x1x256xf32, #tpu.memory_space<hbm>>
      %dma_start3A_611 = tpu.memref_squeeze %dma_start3A_610 : memref<1x64x1x256xf32, #tpu.memory_space<hbm>> -> memref<64x256xf32, #tpu.memory_space<hbm>>
      %dma_start3A_612 = tpu.memref_slice %arg5[%arg1, %mul3A_587, %dma_start3A_605, %mul3A_0] : memref<16x2048x2x512xf32, #tpu.memory_space<hbm>> -> memref<1x64x1x256xf32, #tpu.memory_space<hbm>>
      %dma_start3A_613 = tpu.memref_squeeze %dma_start3A_612 : memref<1x64x1x256xf32, #tpu.memory_space<hbm>> -> memref<64x256xf32, #tpu.memory_space<hbm>>
      %dma_start3A_614 = arith.constant 0 : i32
      %dma_start3A_615 = arith.constant 0 : i32
      %dma_start3A_616 = tpu.memref_slice %arg7[%dma_start3A_603, %dma_start3A_604, %dma_start3A_614, %dma_start3A_615] : memref<2x2x64x256xf32, #tpu.memory_space<vmem>> -> memref<1x1x64x256xf32, #tpu.memory_space<vmem>>
      %dma_start3A_617 = tpu.memref_squeeze %dma_start3A_616 : memref<1x1x64x256xf32, #tpu.memory_space<vmem>> -> memref<64x256xf32, #tpu.memory_space<vmem>>
      tpu.enqueue_dma source(%dma_start3A_617 : memref<64x256xf32, #tpu.memory_space<vmem>>) target(%dma_start3A_613 : memref<64x256xf32, #tpu.memory_space<hbm>>) target_semaphore(%arg13 : memref<!tpu.dma_semaphore, #tpu.memory_space<semaphore_mem>>)
      %lt3A = arith.constant 15 : i32
      %lt3A_618 = arith.cmpi slt, %scan3A_231, %lt3A : i32
      %convert_element_type3A_619 = arith.extui %lt3A_618 : i1 to i32
      %cond3A_620 = arith.constant 0 : i32
      %cond3A_621 = arith.cmpi ne, %convert_element_type3A_619, %cond3A_620 : i32
      scf.if %cond3A_621 {
        %add3A_1018 = arith.constant 2 : i32
        %add3A_1019 = arith.addi %add3A_235, %add3A_1018 : i32
        %mul3A_1020 = arith.constant 64 : i32
        %mul3A_1021 = arith.muli %add3A_1019, %mul3A_1020 : i32
        %dma_start3A_1022 = arith.constant 0 : i32
        %dma_start3A_1023 = arith.constant 0 : i32
        %dma_start3A_1024 = arith.constant 0 : i32
        %dma_start3A_1025 = tpu.memref_slice %arg6[%dma_start3A_1022, %dma_start3A_1023, %dma_start3A_1024] : memref<2x64x256xf32, #tpu.memory_space<vmem>> -> memref<1x64x256xf32, #tpu.memory_space<vmem>>
        %dma_start3A_1026 = tpu.memref_squeeze %dma_start3A_1025 : memref<1x64x256xf32, #tpu.memory_space<vmem>> -> memref<64x256xf32, #tpu.memory_space<vmem>>
        %dma_start3A_1027 = tpu.memref_slice %arg2[%arg1, %mul3A_1021, %mul3A_0] : memref<16x2048x512xf32, #tpu.memory_space<hbm>> -> memref<1x64x256xf32, #tpu.memory_space<hbm>>
        %dma_start3A_1028 = tpu.memref_squeeze %dma_start3A_1027 : memref<1x64x256xf32, #tpu.memory_space<hbm>> -> memref<64x256xf32, #tpu.memory_space<hbm>>
        %dma_start3A_1029 = arith.constant 0 : i32
        %dma_start3A_1030 = arith.constant 0 : i32
        %dma_start3A_1031 = tpu.memref_slice %arg6[%dma_start3A_1022, %dma_start3A_1029, %dma_start3A_1030] : memref<2x64x256xf32, #tpu.memory_space<vmem>> -> memref<1x64x256xf32, #tpu.memory_space<vmem>>
        %dma_start3A_1032 = tpu.memref_squeeze %dma_start3A_1031 : memref<1x64x256xf32, #tpu.memory_space<vmem>> -> memref<64x256xf32, #tpu.memory_space<vmem>>
        %dma_start3A_1033 = tpu.memref_slice %arg2[%arg1, %mul3A_1021, %mul3A_0] : memref<16x2048x512xf32, #tpu.memory_space<hbm>> -> memref<1x64x256xf32, #tpu.memory_space<hbm>>
        %dma_start3A_1034 = tpu.memref_squeeze %dma_start3A_1033 : memref<1x64x256xf32, #tpu.memory_space<hbm>> -> memref<64x256xf32, #tpu.memory_space<hbm>>
        tpu.enqueue_dma source(%dma_start3A_1034 : memref<64x256xf32, #tpu.memory_space<hbm>>) target(%dma_start3A_1032 : memref<64x256xf32, #tpu.memory_space<vmem>>) target_semaphore(%arg11 : memref<!tpu.dma_semaphore, #tpu.memory_space<semaphore_mem>>)
      } else {
      }
      %mul3A_622 = arith.constant 2 : i32
      %mul3A_623 = arith.muli %scan3A_231, %mul3A_622 : i32
      %add3A_624 = arith.constant 1 : i32
      %add3A_625 = arith.addi %mul3A_623, %add3A_624 : i32
      %mul3A_626 = arith.constant 64 : i32
      %mul3A_627 = arith.muli %add3A_625, %mul3A_626 : i32
      %dma_wait3A_628 = arith.constant 1 : i32
      %dma_wait3A_629 = arith.constant 0 : i32
      %dma_wait3A_630 = arith.constant 0 : i32
      %dma_wait3A_631 = tpu.memref_slice %arg6[%dma_wait3A_628, %dma_wait3A_629, %dma_wait3A_630] : memref<2x64x256xf32, #tpu.memory_space<vmem>> -> memref<1x64x256xf32, #tpu.memory_space<vmem>>
      %dma_wait3A_632 = tpu.memref_squeeze %dma_wait3A_631 : memref<1x64x256xf32, #tpu.memory_space<vmem>> -> memref<64x256xf32, #tpu.memory_space<vmem>>
      %dma_wait3A_633 = tpu.memref_slice %arg2[%arg1, %mul3A_627, %mul3A_0] : memref<16x2048x512xf32, #tpu.memory_space<hbm>> -> memref<1x64x256xf32, #tpu.memory_space<hbm>>
      %dma_wait3A_634 = tpu.memref_squeeze %dma_wait3A_633 : memref<1x64x256xf32, #tpu.memory_space<hbm>> -> memref<64x256xf32, #tpu.memory_space<hbm>>
      %dma_wait3A_635 = arith.constant 0 : i32
      %dma_wait3A_636 = arith.constant 0 : i32
      %dma_wait3A_637 = tpu.memref_slice %arg6[%dma_wait3A_628, %dma_wait3A_635, %dma_wait3A_636] : memref<2x64x256xf32, #tpu.memory_space<vmem>> -> memref<1x64x256xf32, #tpu.memory_space<vmem>>
      %dma_wait3A_638 = tpu.memref_squeeze %dma_wait3A_637 : memref<1x64x256xf32, #tpu.memory_space<vmem>> -> memref<64x256xf32, #tpu.memory_space<vmem>>
      %dma_wait3A_639 = tpu.memref_slice %arg2[%arg1, %mul3A_627, %mul3A_0] : memref<16x2048x512xf32, #tpu.memory_space<hbm>> -> memref<1x64x256xf32, #tpu.memory_space<hbm>>
      %dma_wait3A_640 = tpu.memref_squeeze %dma_wait3A_639 : memref<1x64x256xf32, #tpu.memory_space<hbm>> -> memref<64x256xf32, #tpu.memory_space<hbm>>
      tpu.wait_dma2 semaphore(%arg12 : memref<!tpu.dma_semaphore, #tpu.memory_space<semaphore_mem>>) src(%dma_wait3A_640 : memref<64x256xf32, #tpu.memory_space<hbm>>) dst(%dma_wait3A_638 : memref<64x256xf32, #tpu.memory_space<vmem>>)
      %ge3A_641 = arith.constant 1 : i32
      %ge3A_642 = arith.cmpi sge, %scan3A_231, %ge3A_641 : i32
      %convert_element_type3A_643 = arith.extui %ge3A_642 : i1 to i32
      %cond3A_644 = arith.constant 0 : i32
      %cond3A_645 = arith.cmpi ne, %convert_element_type3A_643, %cond3A_644 : i32
      scf.if %cond3A_645 {
        %sub3A = arith.constant 2 : i32
        %sub3A_1018 = arith.subi %add3A_625, %sub3A : i32
        %mul3A_1019 = arith.constant 64 : i32
        %mul3A_1020 = arith.muli %sub3A_1018, %mul3A_1019 : i32
        %mul3A_1021 = arith.constant 64 : i32
        %mul3A_1022 = arith.muli %sub3A_1018, %mul3A_1021 : i32
        %dma_wait3A_1023 = arith.constant 1 : i32
        %dma_wait3A_1024 = arith.constant 0 : i32
        %dma_wait3A_1025 = arith.constant 0 : i32
        %dma_wait3A_1026 = arith.constant 0 : i32
        %dma_wait3A_1027 = arith.constant 0 : i32
        %dma_wait3A_1028 = tpu.memref_slice %arg7[%dma_wait3A_1023, %dma_wait3A_1024, %dma_wait3A_1026, %dma_wait3A_1027] : memref<2x2x64x256xf32, #tpu.memory_space<vmem>> -> memref<1x1x64x256xf32, #tpu.memory_space<vmem>>
        %dma_wait3A_1029 = tpu.memref_squeeze %dma_wait3A_1028 : memref<1x1x64x256xf32, #tpu.memory_space<vmem>> -> memref<64x256xf32, #tpu.memory_space<vmem>>
        %dma_wait3A_1030 = tpu.memref_slice %arg5[%arg1, %mul3A_1020, %dma_wait3A_1025, %mul3A_0] : memref<16x2048x2x512xf32, #tpu.memory_space<hbm>> -> memref<1x64x1x256xf32, #tpu.memory_space<hbm>>
        %dma_wait3A_1031 = tpu.memref_squeeze %dma_wait3A_1030 : memref<1x64x1x256xf32, #tpu.memory_space<hbm>> -> memref<64x256xf32, #tpu.memory_space<hbm>>
        %dma_wait3A_1032 = tpu.memref_slice %arg5[%arg1, %mul3A_1020, %dma_wait3A_1025, %mul3A_0] : memref<16x2048x2x512xf32, #tpu.memory_space<hbm>> -> memref<1x64x1x256xf32, #tpu.memory_space<hbm>>
        %dma_wait3A_1033 = tpu.memref_squeeze %dma_wait3A_1032 : memref<1x64x1x256xf32, #tpu.memory_space<hbm>> -> memref<64x256xf32, #tpu.memory_space<hbm>>
        %dma_wait3A_1034 = arith.constant 0 : i32
        %dma_wait3A_1035 = arith.constant 0 : i32
        %dma_wait3A_1036 = tpu.memref_slice %arg7[%dma_wait3A_1023, %dma_wait3A_1024, %dma_wait3A_1034, %dma_wait3A_1035] : memref<2x2x64x256xf32, #tpu.memory_space<vmem>> -> memref<1x1x64x256xf32, #tpu.memory_space<vmem>>
        %dma_wait3A_1037 = tpu.memref_squeeze %dma_wait3A_1036 : memref<1x1x64x256xf32, #tpu.memory_space<vmem>> -> memref<64x256xf32, #tpu.memory_space<vmem>>
        tpu.wait_dma2 semaphore(%arg14 : memref<!tpu.dma_semaphore, #tpu.memory_space<semaphore_mem>>) src(%dma_wait3A_1037 : memref<64x256xf32, #tpu.memory_space<vmem>>) dst(%dma_wait3A_1033 : memref<64x256xf32, #tpu.memory_space<hbm>>)
        %dma_wait3A_1038 = arith.constant 1 : i32
        %dma_wait3A_1039 = arith.constant 1 : i32
        %dma_wait3A_1040 = arith.constant 1 : i32
        %dma_wait3A_1041 = arith.constant 0 : i32
        %dma_wait3A_1042 = arith.constant 0 : i32
        %dma_wait3A_1043 = tpu.memref_slice %arg7[%dma_wait3A_1038, %dma_wait3A_1039, %dma_wait3A_1041, %dma_wait3A_1042] : memref<2x2x64x256xf32, #tpu.memory_space<vmem>> -> memref<1x1x64x256xf32, #tpu.memory_space<vmem>>
        %dma_wait3A_1044 = tpu.memref_squeeze %dma_wait3A_1043 : memref<1x1x64x256xf32, #tpu.memory_space<vmem>> -> memref<64x256xf32, #tpu.memory_space<vmem>>
        %dma_wait3A_1045 = tpu.memref_slice %arg5[%arg1, %mul3A_1022, %dma_wait3A_1040, %mul3A_0] : memref<16x2048x2x512xf32, #tpu.memory_space<hbm>> -> memref<1x64x1x256xf32, #tpu.memory_space<hbm>>
        %dma_wait3A_1046 = tpu.memref_squeeze %dma_wait3A_1045 : memref<1x64x1x256xf32, #tpu.memory_space<hbm>> -> memref<64x256xf32, #tpu.memory_space<hbm>>
        %dma_wait3A_1047 = tpu.memref_slice %arg5[%arg1, %mul3A_1022, %dma_wait3A_1040, %mul3A_0] : memref<16x2048x2x512xf32, #tpu.memory_space<hbm>> -> memref<1x64x1x256xf32, #tpu.memory_space<hbm>>
        %dma_wait3A_1048 = tpu.memref_squeeze %dma_wait3A_1047 : memref<1x64x1x256xf32, #tpu.memory_space<hbm>> -> memref<64x256xf32, #tpu.memory_space<hbm>>
        %dma_wait3A_1049 = arith.constant 0 : i32
        %dma_wait3A_1050 = arith.constant 0 : i32
        %dma_wait3A_1051 = tpu.memref_slice %arg7[%dma_wait3A_1038, %dma_wait3A_1039, %dma_wait3A_1049, %dma_wait3A_1050] : memref<2x2x64x256xf32, #tpu.memory_space<vmem>> -> memref<1x1x64x256xf32, #tpu.memory_space<vmem>>
        %dma_wait3A_1052 = tpu.memref_squeeze %dma_wait3A_1051 : memref<1x1x64x256xf32, #tpu.memory_space<vmem>> -> memref<64x256xf32, #tpu.memory_space<vmem>>
        tpu.wait_dma2 semaphore(%arg14 : memref<!tpu.dma_semaphore, #tpu.memory_space<semaphore_mem>>) src(%dma_wait3A_1052 : memref<64x256xf32, #tpu.memory_space<vmem>>) dst(%dma_wait3A_1048 : memref<64x256xf32, #tpu.memory_space<hbm>>)
      } else {
      }
      %get3A_646 = arith.constant 0 : i32
      %get3A_647 = arith.index_cast %get3A_646 : i32 to index
      %get3A_648 = arith.constant 0 : index
      %get3A_649 = tpu.vector_load %arg10[%get3A_647, %get3A_648] {strides = array<i32>} : memref<2x256xf32, #tpu.memory_space<vmem>>, vector<16xf32>,
      %get3A_650 = arith.constant 0 : i32
      %get3A_651 = arith.index_cast %get3A_650 : i32 to index
      %get3A_652 = arith.constant 16 : index
      %get3A_653 = tpu.vector_load %arg10[%get3A_651, %get3A_652] {strides = array<i32>} : memref<2x256xf32, #tpu.memory_space<vmem>>, vector<16xf32>,
      %get3A_654 = arith.constant 0 : i32
      %get3A_655 = arith.index_cast %get3A_654 : i32 to index
      %get3A_656 = arith.constant 32 : index
      %get3A_657 = tpu.vector_load %arg10[%get3A_655, %get3A_656] {strides = array<i32>} : memref<2x256xf32, #tpu.memory_space<vmem>>, vector<16xf32>,
      %get3A_658 = arith.constant 0 : i32
      %get3A_659 = arith.index_cast %get3A_658 : i32 to index
      %get3A_660 = arith.constant 48 : index
      %get3A_661 = tpu.vector_load %arg10[%get3A_659, %get3A_660] {strides = array<i32>} : memref<2x256xf32, #tpu.memory_space<vmem>>, vector<16xf32>,
      %get3A_662 = arith.constant 0 : i32
      %get3A_663 = arith.index_cast %get3A_662 : i32 to index
      %get3A_664 = arith.constant 64 : index
      %get3A_665 = tpu.vector_load %arg10[%get3A_663, %get3A_664] {strides = array<i32>} : memref<2x256xf32, #tpu.memory_space<vmem>>, vector<16xf32>,
      %get3A_666 = arith.constant 0 : i32
      %get3A_667 = arith.index_cast %get3A_666 : i32 to index
      %get3A_668 = arith.constant 80 : index
      %get3A_669 = tpu.vector_load %arg10[%get3A_667, %get3A_668] {strides = array<i32>} : memref<2x256xf32, #tpu.memory_space<vmem>>, vector<16xf32>,
      %get3A_670 = arith.constant 0 : i32
      %get3A_671 = arith.index_cast %get3A_670 : i32 to index
      %get3A_672 = arith.constant 96 : index
      %get3A_673 = tpu.vector_load %arg10[%get3A_671, %get3A_672] {strides = array<i32>} : memref<2x256xf32, #tpu.memory_space<vmem>>, vector<16xf32>,
      %get3A_674 = arith.constant 0 : i32
      %get3A_675 = arith.index_cast %get3A_674 : i32 to index
      %get3A_676 = arith.constant 112 : index
      %get3A_677 = tpu.vector_load %arg10[%get3A_675, %get3A_676] {strides = array<i32>} : memref<2x256xf32, #tpu.memory_space<vmem>>, vector<16xf32>,
      %get3A_678 = arith.constant 1 : i32
      %get3A_679 = arith.index_cast %get3A_678 : i32 to index
      %get3A_680 = arith.constant 0 : index
      %get3A_681 = tpu.vector_load %arg10[%get3A_679, %get3A_680] {strides = array<i32>} : memref<2x256xf32, #tpu.memory_space<vmem>>, vector<16xf32>,
      %get3A_682 = arith.constant 1 : i32
      %get3A_683 = arith.index_cast %get3A_682 : i32 to index
      %get3A_684 = arith.constant 16 : index
      %get3A_685 = tpu.vector_load %arg10[%get3A_683, %get3A_684] {strides = array<i32>} : memref<2x256xf32, #tpu.memory_space<vmem>>, vector<16xf32>,
      %get3A_686 = arith.constant 1 : i32
      %get3A_687 = arith.index_cast %get3A_686 : i32 to index
      %get3A_688 = arith.constant 32 : index
      %get3A_689 = tpu.vector_load %arg10[%get3A_687, %get3A_688] {strides = array<i32>} : memref<2x256xf32, #tpu.memory_space<vmem>>, vector<16xf32>,
      %get3A_690 = arith.constant 1 : i32
      %get3A_691 = arith.index_cast %get3A_690 : i32 to index
      %get3A_692 = arith.constant 48 : index
      %get3A_693 = tpu.vector_load %arg10[%get3A_691, %get3A_692] {strides = array<i32>} : memref<2x256xf32, #tpu.memory_space<vmem>>, vector<16xf32>,
      %get3A_694 = arith.constant 1 : i32
      %get3A_695 = arith.index_cast %get3A_694 : i32 to index
      %get3A_696 = arith.constant 64 : index
      %get3A_697 = tpu.vector_load %arg10[%get3A_695, %get3A_696] {strides = array<i32>} : memref<2x256xf32, #tpu.memory_space<vmem>>, vector<16xf32>,
      %get3A_698 = arith.constant 1 : i32
      %get3A_699 = arith.index_cast %get3A_698 : i32 to index
      %get3A_700 = arith.constant 80 : index
      %get3A_701 = tpu.vector_load %arg10[%get3A_699, %get3A_700] {strides = array<i32>} : memref<2x256xf32, #tpu.memory_space<vmem>>, vector<16xf32>,
      %get3A_702 = arith.constant 1 : i32
      %get3A_703 = arith.index_cast %get3A_702 : i32 to index
      %get3A_704 = arith.constant 96 : index
      %get3A_705 = tpu.vector_load %arg10[%get3A_703, %get3A_704] {strides = array<i32>} : memref<2x256xf32, #tpu.memory_space<vmem>>, vector<16xf32>,
      %get3A_706 = arith.constant 1 : i32
      %get3A_707 = arith.index_cast %get3A_706 : i32 to index
      %get3A_708 = arith.constant 112 : index
      %get3A_709 = tpu.vector_load %arg10[%get3A_707, %get3A_708] {strides = array<i32>} : memref<2x256xf32, #tpu.memory_space<vmem>>, vector<16xf32>,
      %get3A_710 = arith.constant 0 : index
      %get3A_711 = tpu.vector_load %arg8[%get3A_710] {strides = array<i32>} : memref<256xf32, #tpu.memory_space<vmem>>, vector<16xf32>,
      %get3A_712 = arith.constant 16 : index
      %get3A_713 = tpu.vector_load %arg8[%get3A_712] {strides = array<i32>} : memref<256xf32, #tpu.memory_space<vmem>>, vector<16xf32>,
      %get3A_714 = arith.constant 32 : index
      %get3A_715 = tpu.vector_load %arg8[%get3A_714] {strides = array<i32>} : memref<256xf32, #tpu.memory_space<vmem>>, vector<16xf32>,
      %get3A_716 = arith.constant 48 : index
      %get3A_717 = tpu.vector_load %arg8[%get3A_716] {strides = array<i32>} : memref<256xf32, #tpu.memory_space<vmem>>, vector<16xf32>,
      %get3A_718 = arith.constant 64 : index
      %get3A_719 = tpu.vector_load %arg8[%get3A_718] {strides = array<i32>} : memref<256xf32, #tpu.memory_space<vmem>>, vector<16xf32>,
      %get3A_720 = arith.constant 80 : index
      %get3A_721 = tpu.vector_load %arg8[%get3A_720] {strides = array<i32>} : memref<256xf32, #tpu.memory_space<vmem>>, vector<16xf32>,
      %get3A_722 = arith.constant 96 : index
      %get3A_723 = tpu.vector_load %arg8[%get3A_722] {strides = array<i32>} : memref<256xf32, #tpu.memory_space<vmem>>, vector<16xf32>,
      %get3A_724 = arith.constant 112 : index
      %get3A_725 = tpu.vector_load %arg8[%get3A_724] {strides = array<i32>} : memref<256xf32, #tpu.memory_space<vmem>>, vector<16xf32>,
      %get3A_726 = arith.constant 0 : index
      %get3A_727 = tpu.vector_load %arg9[%get3A_726] {strides = array<i32>} : memref<256xf32, #tpu.memory_space<vmem>>, vector<16xf32>,
      %get3A_728 = arith.constant 16 : index
      %get3A_729 = tpu.vector_load %arg9[%get3A_728] {strides = array<i32>} : memref<256xf32, #tpu.memory_space<vmem>>, vector<16xf32>,
      %get3A_730 = arith.constant 32 : index
      %get3A_731 = tpu.vector_load %arg9[%get3A_730] {strides = array<i32>} : memref<256xf32, #tpu.memory_space<vmem>>, vector<16xf32>,
      %get3A_732 = arith.constant 48 : index
      %get3A_733 = tpu.vector_load %arg9[%get3A_732] {strides = array<i32>} : memref<256xf32, #tpu.memory_space<vmem>>, vector<16xf32>,
      %get3A_734 = arith.constant 64 : index
      %get3A_735 = tpu.vector_load %arg9[%get3A_734] {strides = array<i32>} : memref<256xf32, #tpu.memory_space<vmem>>, vector<16xf32>,
      %get3A_736 = arith.constant 80 : index
      %get3A_737 = tpu.vector_load %arg9[%get3A_736] {strides = array<i32>} : memref<256xf32, #tpu.memory_space<vmem>>, vector<16xf32>,
      %get3A_738 = arith.constant 96 : index
      %get3A_739 = tpu.vector_load %arg9[%get3A_738] {strides = array<i32>} : memref<256xf32, #tpu.memory_space<vmem>>, vector<16xf32>,
      %get3A_740 = arith.constant 112 : index
      %get3A_741 = tpu.vector_load %arg9[%get3A_740] {strides = array<i32>} : memref<256xf32, #tpu.memory_space<vmem>>, vector<16xf32>,
      %scan3A_742 = arith.constant 0 : i32
      %scan3A_743 = arith.constant 64 : i32
      %scan3A_744 = arith.addi %scan3A_742, %scan3A_743 : i32
      %scan3A_745 = arith.constant 1 : i32
      %scan3A_746:16 = scf.for %scan3A_1018 = %scan3A_742 to %scan3A_744 step %scan3A_745 iter_args(%scan3A_1019 = %get3A_649, %scan3A_1020 = %get3A_653, %scan3A_1021 = %get3A_657, %scan3A_1022 = %get3A_661, %scan3A_1023 = %get3A_665, %scan3A_1024 = %get3A_669, %scan3A_1025 = %get3A_673, %scan3A_1026 = %get3A_677, %scan3A_1027 = %get3A_681, %scan3A_1028 = %get3A_685, %scan3A_1029 = %get3A_689, %scan3A_1030 = %get3A_693, %scan3A_1031 = %get3A_697, %scan3A_1032 = %get3A_701, %scan3A_1033 = %get3A_705, %scan3A_1034 = %get3A_709) -> (vector<16xf32>, vector<16xf32>, vector<16xf32>, vector<16xf32>, vector<16xf32>, vector<16xf32>, vector<16xf32>, vector<16xf32>, vector<16xf32>, vector<16xf32>, vector<16xf32>, vector<16xf32>, vector<16xf32>, vector<16xf32>, vector<16xf32>, vector<16xf32>)  : i32 {
        %get3A_1035 = arith.constant 1 : i32
        %get3A_1036 = arith.index_cast %get3A_1035 : i32 to index
        %get3A_1037 = arith.index_cast %scan3A_1018 : i32 to index
        %get3A_1038 = arith.constant 0 : index
        %get3A_1039 = tpu.vector_load %arg6[%get3A_1036, %get3A_1037, %get3A_1038] {strides = array<i32>} : memref<2x64x256xf32, #tpu.memory_space<vmem>>, vector<16xf32>,
        %mul3A_1040 = arith.mulf %scan3A_1019, %get3A_711 : vector<16xf32>
        %mul3A_1041 = arith.mulf %scan3A_1027, %get3A_727 : vector<16xf32>
        %sub3A = arith.subf %mul3A_1040, %mul3A_1041 : vector<16xf32>
        %add3A_1042 = arith.addf %sub3A, %get3A_1039 : vector<16xf32>
        %mul3A_1043 = arith.mulf %scan3A_1019, %get3A_727 : vector<16xf32>
        %mul3A_1044 = arith.mulf %scan3A_1027, %get3A_711 : vector<16xf32>
        %add3A_1045 = arith.addf %mul3A_1043, %mul3A_1044 : vector<16xf32>
        %swap3A_1046 = arith.constant 1 : i32
        %swap3A_1047 = arith.constant 0 : i32
        %swap3A_1048 = arith.index_cast %swap3A_1046 : i32 to index
        %swap3A_1049 = arith.index_cast %swap3A_1047 : i32 to index
        %swap3A_1050 = arith.index_cast %scan3A_1018 : i32 to index
        %swap3A_1051 = arith.constant 0 : index
        %swap3A_1052 = tpu.vector_load %arg7[%swap3A_1048, %swap3A_1049, %swap3A_1050, %swap3A_1051] {strides = array<i32>} : memref<2x2x64x256xf32, #tpu.memory_space<vmem>>, vector<16xf32>,
        tpu.vector_store %arg7[%swap3A_1048, %swap3A_1049, %swap3A_1050, %swap3A_1051], %add3A_1042 {strides = array<i32>} : memref<2x2x64x256xf32, #tpu.memory_space<vmem>>, vector<16xf32>,
        %swap3A_1053 = arith.constant 1 : i32
        %swap3A_1054 = arith.constant 1 : i32
        %swap3A_1055 = arith.index_cast %swap3A_1053 : i32 to index
        %swap3A_1056 = arith.index_cast %swap3A_1054 : i32 to index
        %swap3A_1057 = arith.index_cast %scan3A_1018 : i32 to index
        %swap3A_1058 = arith.constant 0 : index
        %swap3A_1059 = tpu.vector_load %arg7[%swap3A_1055, %swap3A_1056, %swap3A_1057, %swap3A_1058] {strides = array<i32>} : memref<2x2x64x256xf32, #tpu.memory_space<vmem>>, vector<16xf32>,
        tpu.vector_store %arg7[%swap3A_1055, %swap3A_1056, %swap3A_1057, %swap3A_1058], %add3A_1045 {strides = array<i32>} : memref<2x2x64x256xf32, #tpu.memory_space<vmem>>, vector<16xf32>,
        %get3A_1060 = arith.constant 1 : i32
        %get3A_1061 = arith.index_cast %get3A_1060 : i32 to index
        %get3A_1062 = arith.index_cast %scan3A_1018 : i32 to index
        %get3A_1063 = arith.constant 16 : index
        %get3A_1064 = tpu.vector_load %arg6[%get3A_1061, %get3A_1062, %get3A_1063] {strides = array<i32>} : memref<2x64x256xf32, #tpu.memory_space<vmem>>, vector<16xf32>,
        %mul3A_1065 = arith.mulf %scan3A_1020, %get3A_713 : vector<16xf32>
        %mul3A_1066 = arith.mulf %scan3A_1028, %get3A_729 : vector<16xf32>
        %sub3A_1067 = arith.subf %mul3A_1065, %mul3A_1066 : vector<16xf32>
        %add3A_1068 = arith.addf %sub3A_1067, %get3A_1064 : vector<16xf32>
        %mul3A_1069 = arith.mulf %scan3A_1020, %get3A_729 : vector<16xf32>
        %mul3A_1070 = arith.mulf %scan3A_1028, %get3A_713 : vector<16xf32>
        %add3A_1071 = arith.addf %mul3A_1069, %mul3A_1070 : vector<16xf32>
        %swap3A_1072 = arith.constant 1 : i32
        %swap3A_1073 = arith.constant 0 : i32
        %swap3A_1074 = arith.index_cast %swap3A_1072 : i32 to index
        %swap3A_1075 = arith.index_cast %swap3A_1073 : i32 to index
        %swap3A_1076 = arith.index_cast %scan3A_1018 : i32 to index
        %swap3A_1077 = arith.constant 16 : index
        %swap3A_1078 = tpu.vector_load %arg7[%swap3A_1074, %swap3A_1075, %swap3A_1076, %swap3A_1077] {strides = array<i32>} : memref<2x2x64x256xf32, #tpu.memory_space<vmem>>, vector<16xf32>,
        tpu.vector_store %arg7[%swap3A_1074, %swap3A_1075, %swap3A_1076, %swap3A_1077], %add3A_1068 {strides = array<i32>} : memref<2x2x64x256xf32, #tpu.memory_space<vmem>>, vector<16xf32>,
        %swap3A_1079 = arith.constant 1 : i32
        %swap3A_1080 = arith.constant 1 : i32
        %swap3A_1081 = arith.index_cast %swap3A_1079 : i32 to index
        %swap3A_1082 = arith.index_cast %swap3A_1080 : i32 to index
        %swap3A_1083 = arith.index_cast %scan3A_1018 : i32 to index
        %swap3A_1084 = arith.constant 16 : index
        %swap3A_1085 = tpu.vector_load %arg7[%swap3A_1081, %swap3A_1082, %swap3A_1083, %swap3A_1084] {strides = array<i32>} : memref<2x2x64x256xf32, #tpu.memory_space<vmem>>, vector<16xf32>,
        tpu.vector_store %arg7[%swap3A_1081, %swap3A_1082, %swap3A_1083, %swap3A_1084], %add3A_1071 {strides = array<i32>} : memref<2x2x64x256xf32, #tpu.memory_space<vmem>>, vector<16xf32>,
        %get3A_1086 = arith.constant 1 : i32
        %get3A_1087 = arith.index_cast %get3A_1086 : i32 to index
        %get3A_1088 = arith.index_cast %scan3A_1018 : i32 to index
        %get3A_1089 = arith.constant 32 : index
        %get3A_1090 = tpu.vector_load %arg6[%get3A_1087, %get3A_1088, %get3A_1089] {strides = array<i32>} : memref<2x64x256xf32, #tpu.memory_space<vmem>>, vector<16xf32>,
        %mul3A_1091 = arith.mulf %scan3A_1021, %get3A_715 : vector<16xf32>
        %mul3A_1092 = arith.mulf %scan3A_1029, %get3A_731 : vector<16xf32>
        %sub3A_1093 = arith.subf %mul3A_1091, %mul3A_1092 : vector<16xf32>
        %add3A_1094 = arith.addf %sub3A_1093, %get3A_1090 : vector<16xf32>
        %mul3A_1095 = arith.mulf %scan3A_1021, %get3A_731 : vector<16xf32>
        %mul3A_1096 = arith.mulf %scan3A_1029, %get3A_715 : vector<16xf32>
        %add3A_1097 = arith.addf %mul3A_1095, %mul3A_1096 : vector<16xf32>
        %swap3A_1098 = arith.constant 1 : i32
        %swap3A_1099 = arith.constant 0 : i32
        %swap3A_1100 = arith.index_cast %swap3A_1098 : i32 to index
        %swap3A_1101 = arith.index_cast %swap3A_1099 : i32 to index
        %swap3A_1102 = arith.index_cast %scan3A_1018 : i32 to index
        %swap3A_1103 = arith.constant 32 : index
        %swap3A_1104 = tpu.vector_load %arg7[%swap3A_1100, %swap3A_1101, %swap3A_1102, %swap3A_1103] {strides = array<i32>} : memref<2x2x64x256xf32, #tpu.memory_space<vmem>>, vector<16xf32>,
        tpu.vector_store %arg7[%swap3A_1100, %swap3A_1101, %swap3A_1102, %swap3A_1103], %add3A_1094 {strides = array<i32>} : memref<2x2x64x256xf32, #tpu.memory_space<vmem>>, vector<16xf32>,
        %swap3A_1105 = arith.constant 1 : i32
        %swap3A_1106 = arith.constant 1 : i32
        %swap3A_1107 = arith.index_cast %swap3A_1105 : i32 to index
        %swap3A_1108 = arith.index_cast %swap3A_1106 : i32 to index
        %swap3A_1109 = arith.index_cast %scan3A_1018 : i32 to index
        %swap3A_1110 = arith.constant 32 : index
        %swap3A_1111 = tpu.vector_load %arg7[%swap3A_1107, %swap3A_1108, %swap3A_1109, %swap3A_1110] {strides = array<i32>} : memref<2x2x64x256xf32, #tpu.memory_space<vmem>>, vector<16xf32>,
        tpu.vector_store %arg7[%swap3A_1107, %swap3A_1108, %swap3A_1109, %swap3A_1110], %add3A_1097 {strides = array<i32>} : memref<2x2x64x256xf32, #tpu.memory_space<vmem>>, vector<16xf32>,
        %get3A_1112 = arith.constant 1 : i32
        %get3A_1113 = arith.index_cast %get3A_1112 : i32 to index
        %get3A_1114 = arith.index_cast %scan3A_1018 : i32 to index
        %get3A_1115 = arith.constant 48 : index
        %get3A_1116 = tpu.vector_load %arg6[%get3A_1113, %get3A_1114, %get3A_1115] {strides = array<i32>} : memref<2x64x256xf32, #tpu.memory_space<vmem>>, vector<16xf32>,
        %mul3A_1117 = arith.mulf %scan3A_1022, %get3A_717 : vector<16xf32>
        %mul3A_1118 = arith.mulf %scan3A_1030, %get3A_733 : vector<16xf32>
        %sub3A_1119 = arith.subf %mul3A_1117, %mul3A_1118 : vector<16xf32>
        %add3A_1120 = arith.addf %sub3A_1119, %get3A_1116 : vector<16xf32>
        %mul3A_1121 = arith.mulf %scan3A_1022, %get3A_733 : vector<16xf32>
        %mul3A_1122 = arith.mulf %scan3A_1030, %get3A_717 : vector<16xf32>
        %add3A_1123 = arith.addf %mul3A_1121, %mul3A_1122 : vector<16xf32>
        %swap3A_1124 = arith.constant 1 : i32
        %swap3A_1125 = arith.constant 0 : i32
        %swap3A_1126 = arith.index_cast %swap3A_1124 : i32 to index
        %swap3A_1127 = arith.index_cast %swap3A_1125 : i32 to index
        %swap3A_1128 = arith.index_cast %scan3A_1018 : i32 to index
        %swap3A_1129 = arith.constant 48 : index
        %swap3A_1130 = tpu.vector_load %arg7[%swap3A_1126, %swap3A_1127, %swap3A_1128, %swap3A_1129] {strides = array<i32>} : memref<2x2x64x256xf32, #tpu.memory_space<vmem>>, vector<16xf32>,
        tpu.vector_store %arg7[%swap3A_1126, %swap3A_1127, %swap3A_1128, %swap3A_1129], %add3A_1120 {strides = array<i32>} : memref<2x2x64x256xf32, #tpu.memory_space<vmem>>, vector<16xf32>,
        %swap3A_1131 = arith.constant 1 : i32
        %swap3A_1132 = arith.constant 1 : i32
        %swap3A_1133 = arith.index_cast %swap3A_1131 : i32 to index
        %swap3A_1134 = arith.index_cast %swap3A_1132 : i32 to index
        %swap3A_1135 = arith.index_cast %scan3A_1018 : i32 to index
        %swap3A_1136 = arith.constant 48 : index
        %swap3A_1137 = tpu.vector_load %arg7[%swap3A_1133, %swap3A_1134, %swap3A_1135, %swap3A_1136] {strides = array<i32>} : memref<2x2x64x256xf32, #tpu.memory_space<vmem>>, vector<16xf32>,
        tpu.vector_store %arg7[%swap3A_1133, %swap3A_1134, %swap3A_1135, %swap3A_1136], %add3A_1123 {strides = array<i32>} : memref<2x2x64x256xf32, #tpu.memory_space<vmem>>, vector<16xf32>,
        %get3A_1138 = arith.constant 1 : i32
        %get3A_1139 = arith.index_cast %get3A_1138 : i32 to index
        %get3A_1140 = arith.index_cast %scan3A_1018 : i32 to index
        %get3A_1141 = arith.constant 64 : index
        %get3A_1142 = tpu.vector_load %arg6[%get3A_1139, %get3A_1140, %get3A_1141] {strides = array<i32>} : memref<2x64x256xf32, #tpu.memory_space<vmem>>, vector<16xf32>,
        %mul3A_1143 = arith.mulf %scan3A_1023, %get3A_719 : vector<16xf32>
        %mul3A_1144 = arith.mulf %scan3A_1031, %get3A_735 : vector<16xf32>
        %sub3A_1145 = arith.subf %mul3A_1143, %mul3A_1144 : vector<16xf32>
        %add3A_1146 = arith.addf %sub3A_1145, %get3A_1142 : vector<16xf32>
        %mul3A_1147 = arith.mulf %scan3A_1023, %get3A_735 : vector<16xf32>
        %mul3A_1148 = arith.mulf %scan3A_1031, %get3A_719 : vector<16xf32>
        %add3A_1149 = arith.addf %mul3A_1147, %mul3A_1148 : vector<16xf32>
        %swap3A_1150 = arith.constant 1 : i32
        %swap3A_1151 = arith.constant 0 : i32
        %swap3A_1152 = arith.index_cast %swap3A_1150 : i32 to index
        %swap3A_1153 = arith.index_cast %swap3A_1151 : i32 to index
        %swap3A_1154 = arith.index_cast %scan3A_1018 : i32 to index
        %swap3A_1155 = arith.constant 64 : index
        %swap3A_1156 = tpu.vector_load %arg7[%swap3A_1152, %swap3A_1153, %swap3A_1154, %swap3A_1155] {strides = array<i32>} : memref<2x2x64x256xf32, #tpu.memory_space<vmem>>, vector<16xf32>,
        tpu.vector_store %arg7[%swap3A_1152, %swap3A_1153, %swap3A_1154, %swap3A_1155], %add3A_1146 {strides = array<i32>} : memref<2x2x64x256xf32, #tpu.memory_space<vmem>>, vector<16xf32>,
        %swap3A_1157 = arith.constant 1 : i32
        %swap3A_1158 = arith.constant 1 : i32
        %swap3A_1159 = arith.index_cast %swap3A_1157 : i32 to index
        %swap3A_1160 = arith.index_cast %swap3A_1158 : i32 to index
        %swap3A_1161 = arith.index_cast %scan3A_1018 : i32 to index
        %swap3A_1162 = arith.constant 64 : index
        %swap3A_1163 = tpu.vector_load %arg7[%swap3A_1159, %swap3A_1160, %swap3A_1161, %swap3A_1162] {strides = array<i32>} : memref<2x2x64x256xf32, #tpu.memory_space<vmem>>, vector<16xf32>,
        tpu.vector_store %arg7[%swap3A_1159, %swap3A_1160, %swap3A_1161, %swap3A_1162], %add3A_1149 {strides = array<i32>} : memref<2x2x64x256xf32, #tpu.memory_space<vmem>>, vector<16xf32>,
        %get3A_1164 = arith.constant 1 : i32
        %get3A_1165 = arith.index_cast %get3A_1164 : i32 to index
        %get3A_1166 = arith.index_cast %scan3A_1018 : i32 to index
        %get3A_1167 = arith.constant 80 : index
        %get3A_1168 = tpu.vector_load %arg6[%get3A_1165, %get3A_1166, %get3A_1167] {strides = array<i32>} : memref<2x64x256xf32, #tpu.memory_space<vmem>>, vector<16xf32>,
        %mul3A_1169 = arith.mulf %scan3A_1024, %get3A_721 : vector<16xf32>
        %mul3A_1170 = arith.mulf %scan3A_1032, %get3A_737 : vector<16xf32>
        %sub3A_1171 = arith.subf %mul3A_1169, %mul3A_1170 : vector<16xf32>
        %add3A_1172 = arith.addf %sub3A_1171, %get3A_1168 : vector<16xf32>
        %mul3A_1173 = arith.mulf %scan3A_1024, %get3A_737 : vector<16xf32>
        %mul3A_1174 = arith.mulf %scan3A_1032, %get3A_721 : vector<16xf32>
        %add3A_1175 = arith.addf %mul3A_1173, %mul3A_1174 : vector<16xf32>
        %swap3A_1176 = arith.constant 1 : i32
        %swap3A_1177 = arith.constant 0 : i32
        %swap3A_1178 = arith.index_cast %swap3A_1176 : i32 to index
        %swap3A_1179 = arith.index_cast %swap3A_1177 : i32 to index
        %swap3A_1180 = arith.index_cast %scan3A_1018 : i32 to index
        %swap3A_1181 = arith.constant 80 : index
        %swap3A_1182 = tpu.vector_load %arg7[%swap3A_1178, %swap3A_1179, %swap3A_1180, %swap3A_1181] {strides = array<i32>} : memref<2x2x64x256xf32, #tpu.memory_space<vmem>>, vector<16xf32>,
        tpu.vector_store %arg7[%swap3A_1178, %swap3A_1179, %swap3A_1180, %swap3A_1181], %add3A_1172 {strides = array<i32>} : memref<2x2x64x256xf32, #tpu.memory_space<vmem>>, vector<16xf32>,
        %swap3A_1183 = arith.constant 1 : i32
        %swap3A_1184 = arith.constant 1 : i32
        %swap3A_1185 = arith.index_cast %swap3A_1183 : i32 to index
        %swap3A_1186 = arith.index_cast %swap3A_1184 : i32 to index
        %swap3A_1187 = arith.index_cast %scan3A_1018 : i32 to index
        %swap3A_1188 = arith.constant 80 : index
        %swap3A_1189 = tpu.vector_load %arg7[%swap3A_1185, %swap3A_1186, %swap3A_1187, %swap3A_1188] {strides = array<i32>} : memref<2x2x64x256xf32, #tpu.memory_space<vmem>>, vector<16xf32>,
        tpu.vector_store %arg7[%swap3A_1185, %swap3A_1186, %swap3A_1187, %swap3A_1188], %add3A_1175 {strides = array<i32>} : memref<2x2x64x256xf32, #tpu.memory_space<vmem>>, vector<16xf32>,
        %get3A_1190 = arith.constant 1 : i32
        %get3A_1191 = arith.index_cast %get3A_1190 : i32 to index
        %get3A_1192 = arith.index_cast %scan3A_1018 : i32 to index
        %get3A_1193 = arith.constant 96 : index
        %get3A_1194 = tpu.vector_load %arg6[%get3A_1191, %get3A_1192, %get3A_1193] {strides = array<i32>} : memref<2x64x256xf32, #tpu.memory_space<vmem>>, vector<16xf32>,
        %mul3A_1195 = arith.mulf %scan3A_1025, %get3A_723 : vector<16xf32>
        %mul3A_1196 = arith.mulf %scan3A_1033, %get3A_739 : vector<16xf32>
        %sub3A_1197 = arith.subf %mul3A_1195, %mul3A_1196 : vector<16xf32>
        %add3A_1198 = arith.addf %sub3A_1197, %get3A_1194 : vector<16xf32>
        %mul3A_1199 = arith.mulf %scan3A_1025, %get3A_739 : vector<16xf32>
        %mul3A_1200 = arith.mulf %scan3A_1033, %get3A_723 : vector<16xf32>
        %add3A_1201 = arith.addf %mul3A_1199, %mul3A_1200 : vector<16xf32>
        %swap3A_1202 = arith.constant 1 : i32
        %swap3A_1203 = arith.constant 0 : i32
        %swap3A_1204 = arith.index_cast %swap3A_1202 : i32 to index
        %swap3A_1205 = arith.index_cast %swap3A_1203 : i32 to index
        %swap3A_1206 = arith.index_cast %scan3A_1018 : i32 to index
        %swap3A_1207 = arith.constant 96 : index
        %swap3A_1208 = tpu.vector_load %arg7[%swap3A_1204, %swap3A_1205, %swap3A_1206, %swap3A_1207] {strides = array<i32>} : memref<2x2x64x256xf32, #tpu.memory_space<vmem>>, vector<16xf32>,
        tpu.vector_store %arg7[%swap3A_1204, %swap3A_1205, %swap3A_1206, %swap3A_1207], %add3A_1198 {strides = array<i32>} : memref<2x2x64x256xf32, #tpu.memory_space<vmem>>, vector<16xf32>,
        %swap3A_1209 = arith.constant 1 : i32
        %swap3A_1210 = arith.constant 1 : i32
        %swap3A_1211 = arith.index_cast %swap3A_1209 : i32 to index
        %swap3A_1212 = arith.index_cast %swap3A_1210 : i32 to index
        %swap3A_1213 = arith.index_cast %scan3A_1018 : i32 to index
        %swap3A_1214 = arith.constant 96 : index
        %swap3A_1215 = tpu.vector_load %arg7[%swap3A_1211, %swap3A_1212, %swap3A_1213, %swap3A_1214] {strides = array<i32>} : memref<2x2x64x256xf32, #tpu.memory_space<vmem>>, vector<16xf32>,
        tpu.vector_store %arg7[%swap3A_1211, %swap3A_1212, %swap3A_1213, %swap3A_1214], %add3A_1201 {strides = array<i32>} : memref<2x2x64x256xf32, #tpu.memory_space<vmem>>, vector<16xf32>,
        %get3A_1216 = arith.constant 1 : i32
        %get3A_1217 = arith.index_cast %get3A_1216 : i32 to index
        %get3A_1218 = arith.index_cast %scan3A_1018 : i32 to index
        %get3A_1219 = arith.constant 112 : index
        %get3A_1220 = tpu.vector_load %arg6[%get3A_1217, %get3A_1218, %get3A_1219] {strides = array<i32>} : memref<2x64x256xf32, #tpu.memory_space<vmem>>, vector<16xf32>,
        %mul3A_1221 = arith.mulf %scan3A_1026, %get3A_725 : vector<16xf32>
        %mul3A_1222 = arith.mulf %scan3A_1034, %get3A_741 : vector<16xf32>
        %sub3A_1223 = arith.subf %mul3A_1221, %mul3A_1222 : vector<16xf32>
        %add3A_1224 = arith.addf %sub3A_1223, %get3A_1220 : vector<16xf32>
        %mul3A_1225 = arith.mulf %scan3A_1026, %get3A_741 : vector<16xf32>
        %mul3A_1226 = arith.mulf %scan3A_1034, %get3A_725 : vector<16xf32>
        %add3A_1227 = arith.addf %mul3A_1225, %mul3A_1226 : vector<16xf32>
        %swap3A_1228 = arith.constant 1 : i32
        %swap3A_1229 = arith.constant 0 : i32
        %swap3A_1230 = arith.index_cast %swap3A_1228 : i32 to index
        %swap3A_1231 = arith.index_cast %swap3A_1229 : i32 to index
        %swap3A_1232 = arith.index_cast %scan3A_1018 : i32 to index
        %swap3A_1233 = arith.constant 112 : index
        %swap3A_1234 = tpu.vector_load %arg7[%swap3A_1230, %swap3A_1231, %swap3A_1232, %swap3A_1233] {strides = array<i32>} : memref<2x2x64x256xf32, #tpu.memory_space<vmem>>, vector<16xf32>,
        tpu.vector_store %arg7[%swap3A_1230, %swap3A_1231, %swap3A_1232, %swap3A_1233], %add3A_1224 {strides = array<i32>} : memref<2x2x64x256xf32, #tpu.memory_space<vmem>>, vector<16xf32>,
        %swap3A_1235 = arith.constant 1 : i32
        %swap3A_1236 = arith.constant 1 : i32
        %swap3A_1237 = arith.index_cast %swap3A_1235 : i32 to index
        %swap3A_1238 = arith.index_cast %swap3A_1236 : i32 to index
        %swap3A_1239 = arith.index_cast %scan3A_1018 : i32 to index
        %swap3A_1240 = arith.constant 112 : index
        %swap3A_1241 = tpu.vector_load %arg7[%swap3A_1237, %swap3A_1238, %swap3A_1239, %swap3A_1240] {strides = array<i32>} : memref<2x2x64x256xf32, #tpu.memory_space<vmem>>, vector<16xf32>,
        tpu.vector_store %arg7[%swap3A_1237, %swap3A_1238, %swap3A_1239, %swap3A_1240], %add3A_1227 {strides = array<i32>} : memref<2x2x64x256xf32, #tpu.memory_space<vmem>>, vector<16xf32>,
        scf.yield %add3A_1042, %add3A_1068, %add3A_1094, %add3A_1120, %add3A_1146, %add3A_1172, %add3A_1198, %add3A_1224, %add3A_1045, %add3A_1071, %add3A_1097, %add3A_1123, %add3A_1149, %add3A_1175, %add3A_1201, %add3A_1227 : vector<16xf32>, vector<16xf32>, vector<16xf32>, vector<16xf32>, vector<16xf32>, vector<16xf32>, vector<16xf32>, vector<16xf32>, vector<16xf32>, vector<16xf32>, vector<16xf32>, vector<16xf32>, vector<16xf32>, vector<16xf32>, vector<16xf32>, vector<16xf32>
      }
      %scan3A_747 = arith.constant 64 : i32
      %swap3A_748 = arith.constant 0 : i32
      %swap3A_749 = arith.index_cast %swap3A_748 : i32 to index
      %swap3A_750 = arith.constant 0 : index
      %swap3A_751 = tpu.vector_load %arg10[%swap3A_749, %swap3A_750] {strides = array<i32>} : memref<2x256xf32, #tpu.memory_space<vmem>>, vector<16xf32>,
      tpu.vector_store %arg10[%swap3A_749, %swap3A_750], %scan3A_746#0 {strides = array<i32>} : memref<2x256xf32, #tpu.memory_space<vmem>>, vector<16xf32>,
      %swap3A_752 = arith.constant 1 : i32
      %swap3A_753 = arith.index_cast %swap3A_752 : i32 to index
      %swap3A_754 = arith.constant 0 : index
      %swap3A_755 = tpu.vector_load %arg10[%swap3A_753, %swap3A_754] {strides = array<i32>} : memref<2x256xf32, #tpu.memory_space<vmem>>, vector<16xf32>,
      tpu.vector_store %arg10[%swap3A_753, %swap3A_754], %scan3A_746#8 {strides = array<i32>} : memref<2x256xf32, #tpu.memory_space<vmem>>, vector<16xf32>,
      %swap3A_756 = arith.constant 0 : i32
      %swap3A_757 = arith.index_cast %swap3A_756 : i32 to index
      %swap3A_758 = arith.constant 16 : index
      %swap3A_759 = tpu.vector_load %arg10[%swap3A_757, %swap3A_758] {strides = array<i32>} : memref<2x256xf32, #tpu.memory_space<vmem>>, vector<16xf32>,
      tpu.vector_store %arg10[%swap3A_757, %swap3A_758], %scan3A_746#1 {strides = array<i32>} : memref<2x256xf32, #tpu.memory_space<vmem>>, vector<16xf32>,
      %swap3A_760 = arith.constant 1 : i32
      %swap3A_761 = arith.index_cast %swap3A_760 : i32 to index
      %swap3A_762 = arith.constant 16 : index
      %swap3A_763 = tpu.vector_load %arg10[%swap3A_761, %swap3A_762] {strides = array<i32>} : memref<2x256xf32, #tpu.memory_space<vmem>>, vector<16xf32>,
      tpu.vector_store %arg10[%swap3A_761, %swap3A_762], %scan3A_746#9 {strides = array<i32>} : memref<2x256xf32, #tpu.memory_space<vmem>>, vector<16xf32>,
      %swap3A_764 = arith.constant 0 : i32
      %swap3A_765 = arith.index_cast %swap3A_764 : i32 to index
      %swap3A_766 = arith.constant 32 : index
      %swap3A_767 = tpu.vector_load %arg10[%swap3A_765, %swap3A_766] {strides = array<i32>} : memref<2x256xf32, #tpu.memory_space<vmem>>, vector<16xf32>,
      tpu.vector_store %arg10[%swap3A_765, %swap3A_766], %scan3A_746#2 {strides = array<i32>} : memref<2x256xf32, #tpu.memory_space<vmem>>, vector<16xf32>,
      %swap3A_768 = arith.constant 1 : i32
      %swap3A_769 = arith.index_cast %swap3A_768 : i32 to index
      %swap3A_770 = arith.constant 32 : index
      %swap3A_771 = tpu.vector_load %arg10[%swap3A_769, %swap3A_770] {strides = array<i32>} : memref<2x256xf32, #tpu.memory_space<vmem>>, vector<16xf32>,
      tpu.vector_store %arg10[%swap3A_769, %swap3A_770], %scan3A_746#10 {strides = array<i32>} : memref<2x256xf32, #tpu.memory_space<vmem>>, vector<16xf32>,
      %swap3A_772 = arith.constant 0 : i32
      %swap3A_773 = arith.index_cast %swap3A_772 : i32 to index
      %swap3A_774 = arith.constant 48 : index
      %swap3A_775 = tpu.vector_load %arg10[%swap3A_773, %swap3A_774] {strides = array<i32>} : memref<2x256xf32, #tpu.memory_space<vmem>>, vector<16xf32>,
      tpu.vector_store %arg10[%swap3A_773, %swap3A_774], %scan3A_746#3 {strides = array<i32>} : memref<2x256xf32, #tpu.memory_space<vmem>>, vector<16xf32>,
      %swap3A_776 = arith.constant 1 : i32
      %swap3A_777 = arith.index_cast %swap3A_776 : i32 to index
      %swap3A_778 = arith.constant 48 : index
      %swap3A_779 = tpu.vector_load %arg10[%swap3A_777, %swap3A_778] {strides = array<i32>} : memref<2x256xf32, #tpu.memory_space<vmem>>, vector<16xf32>,
      tpu.vector_store %arg10[%swap3A_777, %swap3A_778], %scan3A_746#11 {strides = array<i32>} : memref<2x256xf32, #tpu.memory_space<vmem>>, vector<16xf32>,
      %swap3A_780 = arith.constant 0 : i32
      %swap3A_781 = arith.index_cast %swap3A_780 : i32 to index
      %swap3A_782 = arith.constant 64 : index
      %swap3A_783 = tpu.vector_load %arg10[%swap3A_781, %swap3A_782] {strides = array<i32>} : memref<2x256xf32, #tpu.memory_space<vmem>>, vector<16xf32>,
      tpu.vector_store %arg10[%swap3A_781, %swap3A_782], %scan3A_746#4 {strides = array<i32>} : memref<2x256xf32, #tpu.memory_space<vmem>>, vector<16xf32>,
      %swap3A_784 = arith.constant 1 : i32
      %swap3A_785 = arith.index_cast %swap3A_784 : i32 to index
      %swap3A_786 = arith.constant 64 : index
      %swap3A_787 = tpu.vector_load %arg10[%swap3A_785, %swap3A_786] {strides = array<i32>} : memref<2x256xf32, #tpu.memory_space<vmem>>, vector<16xf32>,
      tpu.vector_store %arg10[%swap3A_785, %swap3A_786], %scan3A_746#12 {strides = array<i32>} : memref<2x256xf32, #tpu.memory_space<vmem>>, vector<16xf32>,
      %swap3A_788 = arith.constant 0 : i32
      %swap3A_789 = arith.index_cast %swap3A_788 : i32 to index
      %swap3A_790 = arith.constant 80 : index
      %swap3A_791 = tpu.vector_load %arg10[%swap3A_789, %swap3A_790] {strides = array<i32>} : memref<2x256xf32, #tpu.memory_space<vmem>>, vector<16xf32>,
      tpu.vector_store %arg10[%swap3A_789, %swap3A_790], %scan3A_746#5 {strides = array<i32>} : memref<2x256xf32, #tpu.memory_space<vmem>>, vector<16xf32>,
      %swap3A_792 = arith.constant 1 : i32
      %swap3A_793 = arith.index_cast %swap3A_792 : i32 to index
      %swap3A_794 = arith.constant 80 : index
      %swap3A_795 = tpu.vector_load %arg10[%swap3A_793, %swap3A_794] {strides = array<i32>} : memref<2x256xf32, #tpu.memory_space<vmem>>, vector<16xf32>,
      tpu.vector_store %arg10[%swap3A_793, %swap3A_794], %scan3A_746#13 {strides = array<i32>} : memref<2x256xf32, #tpu.memory_space<vmem>>, vector<16xf32>,
      %swap3A_796 = arith.constant 0 : i32
      %swap3A_797 = arith.index_cast %swap3A_796 : i32 to index
      %swap3A_798 = arith.constant 96 : index
      %swap3A_799 = tpu.vector_load %arg10[%swap3A_797, %swap3A_798] {strides = array<i32>} : memref<2x256xf32, #tpu.memory_space<vmem>>, vector<16xf32>,
      tpu.vector_store %arg10[%swap3A_797, %swap3A_798], %scan3A_746#6 {strides = array<i32>} : memref<2x256xf32, #tpu.memory_space<vmem>>, vector<16xf32>,
      %swap3A_800 = arith.constant 1 : i32
      %swap3A_801 = arith.index_cast %swap3A_800 : i32 to index
      %swap3A_802 = arith.constant 96 : index
      %swap3A_803 = tpu.vector_load %arg10[%swap3A_801, %swap3A_802] {strides = array<i32>} : memref<2x256xf32, #tpu.memory_space<vmem>>, vector<16xf32>,
      tpu.vector_store %arg10[%swap3A_801, %swap3A_802], %scan3A_746#14 {strides = array<i32>} : memref<2x256xf32, #tpu.memory_space<vmem>>, vector<16xf32>,
      %swap3A_804 = arith.constant 0 : i32
      %swap3A_805 = arith.index_cast %swap3A_804 : i32 to index
      %swap3A_806 = arith.constant 112 : index
      %swap3A_807 = tpu.vector_load %arg10[%swap3A_805, %swap3A_806] {strides = array<i32>} : memref<2x256xf32, #tpu.memory_space<vmem>>, vector<16xf32>,
      tpu.vector_store %arg10[%swap3A_805, %swap3A_806], %scan3A_746#7 {strides = array<i32>} : memref<2x256xf32, #tpu.memory_space<vmem>>, vector<16xf32>,
      %swap3A_808 = arith.constant 1 : i32
      %swap3A_809 = arith.index_cast %swap3A_808 : i32 to index
      %swap3A_810 = arith.constant 112 : index
      %swap3A_811 = tpu.vector_load %arg10[%swap3A_809, %swap3A_810] {strides = array<i32>} : memref<2x256xf32, #tpu.memory_space<vmem>>, vector<16xf32>,
      tpu.vector_store %arg10[%swap3A_809, %swap3A_810], %scan3A_746#15 {strides = array<i32>} : memref<2x256xf32, #tpu.memory_space<vmem>>, vector<16xf32>,
      %get3A_812 = arith.constant 0 : i32
      %get3A_813 = arith.index_cast %get3A_812 : i32 to index
      %get3A_814 = arith.constant 128 : index
      %get3A_815 = tpu.vector_load %arg10[%get3A_813, %get3A_814] {strides = array<i32>} : memref<2x256xf32, #tpu.memory_space<vmem>>, vector<16xf32>,
      %get3A_816 = arith.constant 0 : i32
      %get3A_817 = arith.index_cast %get3A_816 : i32 to index
      %get3A_818 = arith.constant 144 : index
      %get3A_819 = tpu.vector_load %arg10[%get3A_817, %get3A_818] {strides = array<i32>} : memref<2x256xf32, #tpu.memory_space<vmem>>, vector<16xf32>,
      %get3A_820 = arith.constant 0 : i32
      %get3A_821 = arith.index_cast %get3A_820 : i32 to index
      %get3A_822 = arith.constant 160 : index
      %get3A_823 = tpu.vector_load %arg10[%get3A_821, %get3A_822] {strides = array<i32>} : memref<2x256xf32, #tpu.memory_space<vmem>>, vector<16xf32>,
      %get3A_824 = arith.constant 0 : i32
      %get3A_825 = arith.index_cast %get3A_824 : i32 to index
      %get3A_826 = arith.constant 176 : index
      %get3A_827 = tpu.vector_load %arg10[%get3A_825, %get3A_826] {strides = array<i32>} : memref<2x256xf32, #tpu.memory_space<vmem>>, vector<16xf32>,
      %get3A_828 = arith.constant 0 : i32
      %get3A_829 = arith.index_cast %get3A_828 : i32 to index
      %get3A_830 = arith.constant 192 : index
      %get3A_831 = tpu.vector_load %arg10[%get3A_829, %get3A_830] {strides = array<i32>} : memref<2x256xf32, #tpu.memory_space<vmem>>, vector<16xf32>,
      %get3A_832 = arith.constant 0 : i32
      %get3A_833 = arith.index_cast %get3A_832 : i32 to index
      %get3A_834 = arith.constant 208 : index
      %get3A_835 = tpu.vector_load %arg10[%get3A_833, %get3A_834] {strides = array<i32>} : memref<2x256xf32, #tpu.memory_space<vmem>>, vector<16xf32>,
      %get3A_836 = arith.constant 0 : i32
      %get3A_837 = arith.index_cast %get3A_836 : i32 to index
      %get3A_838 = arith.constant 224 : index
      %get3A_839 = tpu.vector_load %arg10[%get3A_837, %get3A_838] {strides = array<i32>} : memref<2x256xf32, #tpu.memory_space<vmem>>, vector<16xf32>,
      %get3A_840 = arith.constant 0 : i32
      %get3A_841 = arith.index_cast %get3A_840 : i32 to index
      %get3A_842 = arith.constant 240 : index
      %get3A_843 = tpu.vector_load %arg10[%get3A_841, %get3A_842] {strides = array<i32>} : memref<2x256xf32, #tpu.memory_space<vmem>>, vector<16xf32>,
      %get3A_844 = arith.constant 1 : i32
      %get3A_845 = arith.index_cast %get3A_844 : i32 to index
      %get3A_846 = arith.constant 128 : index
      %get3A_847 = tpu.vector_load %arg10[%get3A_845, %get3A_846] {strides = array<i32>} : memref<2x256xf32, #tpu.memory_space<vmem>>, vector<16xf32>,
      %get3A_848 = arith.constant 1 : i32
      %get3A_849 = arith.index_cast %get3A_848 : i32 to index
      %get3A_850 = arith.constant 144 : index
      %get3A_851 = tpu.vector_load %arg10[%get3A_849, %get3A_850] {strides = array<i32>} : memref<2x256xf32, #tpu.memory_space<vmem>>, vector<16xf32>,
      %get3A_852 = arith.constant 1 : i32
      %get3A_853 = arith.index_cast %get3A_852 : i32 to index
      %get3A_854 = arith.constant 160 : index
      %get3A_855 = tpu.vector_load %arg10[%get3A_853, %get3A_854] {strides = array<i32>} : memref<2x256xf32, #tpu.memory_space<vmem>>, vector<16xf32>,
      %get3A_856 = arith.constant 1 : i32
      %get3A_857 = arith.index_cast %get3A_856 : i32 to index
      %get3A_858 = arith.constant 176 : index
      %get3A_859 = tpu.vector_load %arg10[%get3A_857, %get3A_858] {strides = array<i32>} : memref<2x256xf32, #tpu.memory_space<vmem>>, vector<16xf32>,
      %get3A_860 = arith.constant 1 : i32
      %get3A_861 = arith.index_cast %get3A_860 : i32 to index
      %get3A_862 = arith.constant 192 : index
      %get3A_863 = tpu.vector_load %arg10[%get3A_861, %get3A_862] {strides = array<i32>} : memref<2x256xf32, #tpu.memory_space<vmem>>, vector<16xf32>,
      %get3A_864 = arith.constant 1 : i32
      %get3A_865 = arith.index_cast %get3A_864 : i32 to index
      %get3A_866 = arith.constant 208 : index
      %get3A_867 = tpu.vector_load %arg10[%get3A_865, %get3A_866] {strides = array<i32>} : memref<2x256xf32, #tpu.memory_space<vmem>>, vector<16xf32>,
      %get3A_868 = arith.constant 1 : i32
      %get3A_869 = arith.index_cast %get3A_868 : i32 to index
      %get3A_870 = arith.constant 224 : index
      %get3A_871 = tpu.vector_load %arg10[%get3A_869, %get3A_870] {strides = array<i32>} : memref<2x256xf32, #tpu.memory_space<vmem>>, vector<16xf32>,
      %get3A_872 = arith.constant 1 : i32
      %get3A_873 = arith.index_cast %get3A_872 : i32 to index
      %get3A_874 = arith.constant 240 : index
      %get3A_875 = tpu.vector_load %arg10[%get3A_873, %get3A_874] {strides = array<i32>} : memref<2x256xf32, #tpu.memory_space<vmem>>, vector<16xf32>,
      %get3A_876 = arith.constant 128 : index
      %get3A_877 = tpu.vector_load %arg8[%get3A_876] {strides = array<i32>} : memref<256xf32, #tpu.memory_space<vmem>>, vector<16xf32>,
      %get3A_878 = arith.constant 144 : index
      %get3A_879 = tpu.vector_load %arg8[%get3A_878] {strides = array<i32>} : memref<256xf32, #tpu.memory_space<vmem>>, vector<16xf32>,
      %get3A_880 = arith.constant 160 : index
      %get3A_881 = tpu.vector_load %arg8[%get3A_880] {strides = array<i32>} : memref<256xf32, #tpu.memory_space<vmem>>, vector<16xf32>,
      %get3A_882 = arith.constant 176 : index
      %get3A_883 = tpu.vector_load %arg8[%get3A_882] {strides = array<i32>} : memref<256xf32, #tpu.memory_space<vmem>>, vector<16xf32>,
      %get3A_884 = arith.constant 192 : index
      %get3A_885 = tpu.vector_load %arg8[%get3A_884] {strides = array<i32>} : memref<256xf32, #tpu.memory_space<vmem>>, vector<16xf32>,
      %get3A_886 = arith.constant 208 : index
      %get3A_887 = tpu.vector_load %arg8[%get3A_886] {strides = array<i32>} : memref<256xf32, #tpu.memory_space<vmem>>, vector<16xf32>,
      %get3A_888 = arith.constant 224 : index
      %get3A_889 = tpu.vector_load %arg8[%get3A_888] {strides = array<i32>} : memref<256xf32, #tpu.memory_space<vmem>>, vector<16xf32>,
      %get3A_890 = arith.constant 240 : index
      %get3A_891 = tpu.vector_load %arg8[%get3A_890] {strides = array<i32>} : memref<256xf32, #tpu.memory_space<vmem>>, vector<16xf32>,
      %get3A_892 = arith.constant 128 : index
      %get3A_893 = tpu.vector_load %arg9[%get3A_892] {strides = array<i32>} : memref<256xf32, #tpu.memory_space<vmem>>, vector<16xf32>,
      %get3A_894 = arith.constant 144 : index
      %get3A_895 = tpu.vector_load %arg9[%get3A_894] {strides = array<i32>} : memref<256xf32, #tpu.memory_space<vmem>>, vector<16xf32>,
      %get3A_896 = arith.constant 160 : index
      %get3A_897 = tpu.vector_load %arg9[%get3A_896] {strides = array<i32>} : memref<256xf32, #tpu.memory_space<vmem>>, vector<16xf32>,
      %get3A_898 = arith.constant 176 : index
      %get3A_899 = tpu.vector_load %arg9[%get3A_898] {strides = array<i32>} : memref<256xf32, #tpu.memory_space<vmem>>, vector<16xf32>,
      %get3A_900 = arith.constant 192 : index
      %get3A_901 = tpu.vector_load %arg9[%get3A_900] {strides = array<i32>} : memref<256xf32, #tpu.memory_space<vmem>>, vector<16xf32>,
      %get3A_902 = arith.constant 208 : index
      %get3A_903 = tpu.vector_load %arg9[%get3A_902] {strides = array<i32>} : memref<256xf32, #tpu.memory_space<vmem>>, vector<16xf32>,
      %get3A_904 = arith.constant 224 : index
      %get3A_905 = tpu.vector_load %arg9[%get3A_904] {strides = array<i32>} : memref<256xf32, #tpu.memory_space<vmem>>, vector<16xf32>,
      %get3A_906 = arith.constant 240 : index
      %get3A_907 = tpu.vector_load %arg9[%get3A_906] {strides = array<i32>} : memref<256xf32, #tpu.memory_space<vmem>>, vector<16xf32>,
      %scan3A_908 = arith.constant 0 : i32
      %scan3A_909 = arith.constant 64 : i32
      %scan3A_910 = arith.addi %scan3A_908, %scan3A_909 : i32
      %scan3A_911 = arith.constant 1 : i32
      %scan3A_912:16 = scf.for %scan3A_1018 = %scan3A_908 to %scan3A_910 step %scan3A_911 iter_args(%scan3A_1019 = %get3A_815, %scan3A_1020 = %get3A_819, %scan3A_1021 = %get3A_823, %scan3A_1022 = %get3A_827, %scan3A_1023 = %get3A_831, %scan3A_1024 = %get3A_835, %scan3A_1025 = %get3A_839, %scan3A_1026 = %get3A_843, %scan3A_1027 = %get3A_847, %scan3A_1028 = %get3A_851, %scan3A_1029 = %get3A_855, %scan3A_1030 = %get3A_859, %scan3A_1031 = %get3A_863, %scan3A_1032 = %get3A_867, %scan3A_1033 = %get3A_871, %scan3A_1034 = %get3A_875) -> (vector<16xf32>, vector<16xf32>, vector<16xf32>, vector<16xf32>, vector<16xf32>, vector<16xf32>, vector<16xf32>, vector<16xf32>, vector<16xf32>, vector<16xf32>, vector<16xf32>, vector<16xf32>, vector<16xf32>, vector<16xf32>, vector<16xf32>, vector<16xf32>)  : i32 {
        %get3A_1035 = arith.constant 1 : i32
        %get3A_1036 = arith.index_cast %get3A_1035 : i32 to index
        %get3A_1037 = arith.index_cast %scan3A_1018 : i32 to index
        %get3A_1038 = arith.constant 128 : index
        %get3A_1039 = tpu.vector_load %arg6[%get3A_1036, %get3A_1037, %get3A_1038] {strides = array<i32>} : memref<2x64x256xf32, #tpu.memory_space<vmem>>, vector<16xf32>,
        %mul3A_1040 = arith.mulf %scan3A_1019, %get3A_877 : vector<16xf32>
        %mul3A_1041 = arith.mulf %scan3A_1027, %get3A_893 : vector<16xf32>
        %sub3A = arith.subf %mul3A_1040, %mul3A_1041 : vector<16xf32>
        %add3A_1042 = arith.addf %sub3A, %get3A_1039 : vector<16xf32>
        %mul3A_1043 = arith.mulf %scan3A_1019, %get3A_893 : vector<16xf32>
        %mul3A_1044 = arith.mulf %scan3A_1027, %get3A_877 : vector<16xf32>
        %add3A_1045 = arith.addf %mul3A_1043, %mul3A_1044 : vector<16xf32>
        %swap3A_1046 = arith.constant 1 : i32
        %swap3A_1047 = arith.constant 0 : i32
        %swap3A_1048 = arith.index_cast %swap3A_1046 : i32 to index
        %swap3A_1049 = arith.index_cast %swap3A_1047 : i32 to index
        %swap3A_1050 = arith.index_cast %scan3A_1018 : i32 to index
        %swap3A_1051 = arith.constant 128 : index
        %swap3A_1052 = tpu.vector_load %arg7[%swap3A_1048, %swap3A_1049, %swap3A_1050, %swap3A_1051] {strides = array<i32>} : memref<2x2x64x256xf32, #tpu.memory_space<vmem>>, vector<16xf32>,
        tpu.vector_store %arg7[%swap3A_1048, %swap3A_1049, %swap3A_1050, %swap3A_1051], %add3A_1042 {strides = array<i32>} : memref<2x2x64x256xf32, #tpu.memory_space<vmem>>, vector<16xf32>,
        %swap3A_1053 = arith.constant 1 : i32
        %swap3A_1054 = arith.constant 1 : i32
        %swap3A_1055 = arith.index_cast %swap3A_1053 : i32 to index
        %swap3A_1056 = arith.index_cast %swap3A_1054 : i32 to index
        %swap3A_1057 = arith.index_cast %scan3A_1018 : i32 to index
        %swap3A_1058 = arith.constant 128 : index
        %swap3A_1059 = tpu.vector_load %arg7[%swap3A_1055, %swap3A_1056, %swap3A_1057, %swap3A_1058] {strides = array<i32>} : memref<2x2x64x256xf32, #tpu.memory_space<vmem>>, vector<16xf32>,
        tpu.vector_store %arg7[%swap3A_1055, %swap3A_1056, %swap3A_1057, %swap3A_1058], %add3A_1045 {strides = array<i32>} : memref<2x2x64x256xf32, #tpu.memory_space<vmem>>, vector<16xf32>,
        %get3A_1060 = arith.constant 1 : i32
        %get3A_1061 = arith.index_cast %get3A_1060 : i32 to index
        %get3A_1062 = arith.index_cast %scan3A_1018 : i32 to index
        %get3A_1063 = arith.constant 144 : index
        %get3A_1064 = tpu.vector_load %arg6[%get3A_1061, %get3A_1062, %get3A_1063] {strides = array<i32>} : memref<2x64x256xf32, #tpu.memory_space<vmem>>, vector<16xf32>,
        %mul3A_1065 = arith.mulf %scan3A_1020, %get3A_879 : vector<16xf32>
        %mul3A_1066 = arith.mulf %scan3A_1028, %get3A_895 : vector<16xf32>
        %sub3A_1067 = arith.subf %mul3A_1065, %mul3A_1066 : vector<16xf32>
        %add3A_1068 = arith.addf %sub3A_1067, %get3A_1064 : vector<16xf32>
        %mul3A_1069 = arith.mulf %scan3A_1020, %get3A_895 : vector<16xf32>
        %mul3A_1070 = arith.mulf %scan3A_1028, %get3A_879 : vector<16xf32>
        %add3A_1071 = arith.addf %mul3A_1069, %mul3A_1070 : vector<16xf32>
        %swap3A_1072 = arith.constant 1 : i32
        %swap3A_1073 = arith.constant 0 : i32
        %swap3A_1074 = arith.index_cast %swap3A_1072 : i32 to index
        %swap3A_1075 = arith.index_cast %swap3A_1073 : i32 to index
        %swap3A_1076 = arith.index_cast %scan3A_1018 : i32 to index
        %swap3A_1077 = arith.constant 144 : index
        %swap3A_1078 = tpu.vector_load %arg7[%swap3A_1074, %swap3A_1075, %swap3A_1076, %swap3A_1077] {strides = array<i32>} : memref<2x2x64x256xf32, #tpu.memory_space<vmem>>, vector<16xf32>,
        tpu.vector_store %arg7[%swap3A_1074, %swap3A_1075, %swap3A_1076, %swap3A_1077], %add3A_1068 {strides = array<i32>} : memref<2x2x64x256xf32, #tpu.memory_space<vmem>>, vector<16xf32>,
        %swap3A_1079 = arith.constant 1 : i32
        %swap3A_1080 = arith.constant 1 : i32
        %swap3A_1081 = arith.index_cast %swap3A_1079 : i32 to index
        %swap3A_1082 = arith.index_cast %swap3A_1080 : i32 to index
        %swap3A_1083 = arith.index_cast %scan3A_1018 : i32 to index
        %swap3A_1084 = arith.constant 144 : index
        %swap3A_1085 = tpu.vector_load %arg7[%swap3A_1081, %swap3A_1082, %swap3A_1083, %swap3A_1084] {strides = array<i32>} : memref<2x2x64x256xf32, #tpu.memory_space<vmem>>, vector<16xf32>,
        tpu.vector_store %arg7[%swap3A_1081, %swap3A_1082, %swap3A_1083, %swap3A_1084], %add3A_1071 {strides = array<i32>} : memref<2x2x64x256xf32, #tpu.memory_space<vmem>>, vector<16xf32>,
        %get3A_1086 = arith.constant 1 : i32
        %get3A_1087 = arith.index_cast %get3A_1086 : i32 to index
        %get3A_1088 = arith.index_cast %scan3A_1018 : i32 to index
        %get3A_1089 = arith.constant 160 : index
        %get3A_1090 = tpu.vector_load %arg6[%get3A_1087, %get3A_1088, %get3A_1089] {strides = array<i32>} : memref<2x64x256xf32, #tpu.memory_space<vmem>>, vector<16xf32>,
        %mul3A_1091 = arith.mulf %scan3A_1021, %get3A_881 : vector<16xf32>
        %mul3A_1092 = arith.mulf %scan3A_1029, %get3A_897 : vector<16xf32>
        %sub3A_1093 = arith.subf %mul3A_1091, %mul3A_1092 : vector<16xf32>
        %add3A_1094 = arith.addf %sub3A_1093, %get3A_1090 : vector<16xf32>
        %mul3A_1095 = arith.mulf %scan3A_1021, %get3A_897 : vector<16xf32>
        %mul3A_1096 = arith.mulf %scan3A_1029, %get3A_881 : vector<16xf32>
        %add3A_1097 = arith.addf %mul3A_1095, %mul3A_1096 : vector<16xf32>
        %swap3A_1098 = arith.constant 1 : i32
        %swap3A_1099 = arith.constant 0 : i32
        %swap3A_1100 = arith.index_cast %swap3A_1098 : i32 to index
        %swap3A_1101 = arith.index_cast %swap3A_1099 : i32 to index
        %swap3A_1102 = arith.index_cast %scan3A_1018 : i32 to index
        %swap3A_1103 = arith.constant 160 : index
        %swap3A_1104 = tpu.vector_load %arg7[%swap3A_1100, %swap3A_1101, %swap3A_1102, %swap3A_1103] {strides = array<i32>} : memref<2x2x64x256xf32, #tpu.memory_space<vmem>>, vector<16xf32>,
        tpu.vector_store %arg7[%swap3A_1100, %swap3A_1101, %swap3A_1102, %swap3A_1103], %add3A_1094 {strides = array<i32>} : memref<2x2x64x256xf32, #tpu.memory_space<vmem>>, vector<16xf32>,
        %swap3A_1105 = arith.constant 1 : i32
        %swap3A_1106 = arith.constant 1 : i32
        %swap3A_1107 = arith.index_cast %swap3A_1105 : i32 to index
        %swap3A_1108 = arith.index_cast %swap3A_1106 : i32 to index
        %swap3A_1109 = arith.index_cast %scan3A_1018 : i32 to index
        %swap3A_1110 = arith.constant 160 : index
        %swap3A_1111 = tpu.vector_load %arg7[%swap3A_1107, %swap3A_1108, %swap3A_1109, %swap3A_1110] {strides = array<i32>} : memref<2x2x64x256xf32, #tpu.memory_space<vmem>>, vector<16xf32>,
        tpu.vector_store %arg7[%swap3A_1107, %swap3A_1108, %swap3A_1109, %swap3A_1110], %add3A_1097 {strides = array<i32>} : memref<2x2x64x256xf32, #tpu.memory_space<vmem>>, vector<16xf32>,
        %get3A_1112 = arith.constant 1 : i32
        %get3A_1113 = arith.index_cast %get3A_1112 : i32 to index
        %get3A_1114 = arith.index_cast %scan3A_1018 : i32 to index
        %get3A_1115 = arith.constant 176 : index
        %get3A_1116 = tpu.vector_load %arg6[%get3A_1113, %get3A_1114, %get3A_1115] {strides = array<i32>} : memref<2x64x256xf32, #tpu.memory_space<vmem>>, vector<16xf32>,
        %mul3A_1117 = arith.mulf %scan3A_1022, %get3A_883 : vector<16xf32>
        %mul3A_1118 = arith.mulf %scan3A_1030, %get3A_899 : vector<16xf32>
        %sub3A_1119 = arith.subf %mul3A_1117, %mul3A_1118 : vector<16xf32>
        %add3A_1120 = arith.addf %sub3A_1119, %get3A_1116 : vector<16xf32>
        %mul3A_1121 = arith.mulf %scan3A_1022, %get3A_899 : vector<16xf32>
        %mul3A_1122 = arith.mulf %scan3A_1030, %get3A_883 : vector<16xf32>
        %add3A_1123 = arith.addf %mul3A_1121, %mul3A_1122 : vector<16xf32>
        %swap3A_1124 = arith.constant 1 : i32
        %swap3A_1125 = arith.constant 0 : i32
        %swap3A_1126 = arith.index_cast %swap3A_1124 : i32 to index
        %swap3A_1127 = arith.index_cast %swap3A_1125 : i32 to index
        %swap3A_1128 = arith.index_cast %scan3A_1018 : i32 to index
        %swap3A_1129 = arith.constant 176 : index
        %swap3A_1130 = tpu.vector_load %arg7[%swap3A_1126, %swap3A_1127, %swap3A_1128, %swap3A_1129] {strides = array<i32>} : memref<2x2x64x256xf32, #tpu.memory_space<vmem>>, vector<16xf32>,
        tpu.vector_store %arg7[%swap3A_1126, %swap3A_1127, %swap3A_1128, %swap3A_1129], %add3A_1120 {strides = array<i32>} : memref<2x2x64x256xf32, #tpu.memory_space<vmem>>, vector<16xf32>,
        %swap3A_1131 = arith.constant 1 : i32
        %swap3A_1132 = arith.constant 1 : i32
        %swap3A_1133 = arith.index_cast %swap3A_1131 : i32 to index
        %swap3A_1134 = arith.index_cast %swap3A_1132 : i32 to index
        %swap3A_1135 = arith.index_cast %scan3A_1018 : i32 to index
        %swap3A_1136 = arith.constant 176 : index
        %swap3A_1137 = tpu.vector_load %arg7[%swap3A_1133, %swap3A_1134, %swap3A_1135, %swap3A_1136] {strides = array<i32>} : memref<2x2x64x256xf32, #tpu.memory_space<vmem>>, vector<16xf32>,
        tpu.vector_store %arg7[%swap3A_1133, %swap3A_1134, %swap3A_1135, %swap3A_1136], %add3A_1123 {strides = array<i32>} : memref<2x2x64x256xf32, #tpu.memory_space<vmem>>, vector<16xf32>,
        %get3A_1138 = arith.constant 1 : i32
        %get3A_1139 = arith.index_cast %get3A_1138 : i32 to index
        %get3A_1140 = arith.index_cast %scan3A_1018 : i32 to index
        %get3A_1141 = arith.constant 192 : index
        %get3A_1142 = tpu.vector_load %arg6[%get3A_1139, %get3A_1140, %get3A_1141] {strides = array<i32>} : memref<2x64x256xf32, #tpu.memory_space<vmem>>, vector<16xf32>,
        %mul3A_1143 = arith.mulf %scan3A_1023, %get3A_885 : vector<16xf32>
        %mul3A_1144 = arith.mulf %scan3A_1031, %get3A_901 : vector<16xf32>
        %sub3A_1145 = arith.subf %mul3A_1143, %mul3A_1144 : vector<16xf32>
        %add3A_1146 = arith.addf %sub3A_1145, %get3A_1142 : vector<16xf32>
        %mul3A_1147 = arith.mulf %scan3A_1023, %get3A_901 : vector<16xf32>
        %mul3A_1148 = arith.mulf %scan3A_1031, %get3A_885 : vector<16xf32>
        %add3A_1149 = arith.addf %mul3A_1147, %mul3A_1148 : vector<16xf32>
        %swap3A_1150 = arith.constant 1 : i32
        %swap3A_1151 = arith.constant 0 : i32
        %swap3A_1152 = arith.index_cast %swap3A_1150 : i32 to index
        %swap3A_1153 = arith.index_cast %swap3A_1151 : i32 to index
        %swap3A_1154 = arith.index_cast %scan3A_1018 : i32 to index
        %swap3A_1155 = arith.constant 192 : index
        %swap3A_1156 = tpu.vector_load %arg7[%swap3A_1152, %swap3A_1153, %swap3A_1154, %swap3A_1155] {strides = array<i32>} : memref<2x2x64x256xf32, #tpu.memory_space<vmem>>, vector<16xf32>,
        tpu.vector_store %arg7[%swap3A_1152, %swap3A_1153, %swap3A_1154, %swap3A_1155], %add3A_1146 {strides = array<i32>} : memref<2x2x64x256xf32, #tpu.memory_space<vmem>>, vector<16xf32>,
        %swap3A_1157 = arith.constant 1 : i32
        %swap3A_1158 = arith.constant 1 : i32
        %swap3A_1159 = arith.index_cast %swap3A_1157 : i32 to index
        %swap3A_1160 = arith.index_cast %swap3A_1158 : i32 to index
        %swap3A_1161 = arith.index_cast %scan3A_1018 : i32 to index
        %swap3A_1162 = arith.constant 192 : index
        %swap3A_1163 = tpu.vector_load %arg7[%swap3A_1159, %swap3A_1160, %swap3A_1161, %swap3A_1162] {strides = array<i32>} : memref<2x2x64x256xf32, #tpu.memory_space<vmem>>, vector<16xf32>,
        tpu.vector_store %arg7[%swap3A_1159, %swap3A_1160, %swap3A_1161, %swap3A_1162], %add3A_1149 {strides = array<i32>} : memref<2x2x64x256xf32, #tpu.memory_space<vmem>>, vector<16xf32>,
        %get3A_1164 = arith.constant 1 : i32
        %get3A_1165 = arith.index_cast %get3A_1164 : i32 to index
        %get3A_1166 = arith.index_cast %scan3A_1018 : i32 to index
        %get3A_1167 = arith.constant 208 : index
        %get3A_1168 = tpu.vector_load %arg6[%get3A_1165, %get3A_1166, %get3A_1167] {strides = array<i32>} : memref<2x64x256xf32, #tpu.memory_space<vmem>>, vector<16xf32>,
        %mul3A_1169 = arith.mulf %scan3A_1024, %get3A_887 : vector<16xf32>
        %mul3A_1170 = arith.mulf %scan3A_1032, %get3A_903 : vector<16xf32>
        %sub3A_1171 = arith.subf %mul3A_1169, %mul3A_1170 : vector<16xf32>
        %add3A_1172 = arith.addf %sub3A_1171, %get3A_1168 : vector<16xf32>
        %mul3A_1173 = arith.mulf %scan3A_1024, %get3A_903 : vector<16xf32>
        %mul3A_1174 = arith.mulf %scan3A_1032, %get3A_887 : vector<16xf32>
        %add3A_1175 = arith.addf %mul3A_1173, %mul3A_1174 : vector<16xf32>
        %swap3A_1176 = arith.constant 1 : i32
        %swap3A_1177 = arith.constant 0 : i32
        %swap3A_1178 = arith.index_cast %swap3A_1176 : i32 to index
        %swap3A_1179 = arith.index_cast %swap3A_1177 : i32 to index
        %swap3A_1180 = arith.index_cast %scan3A_1018 : i32 to index
        %swap3A_1181 = arith.constant 208 : index
        %swap3A_1182 = tpu.vector_load %arg7[%swap3A_1178, %swap3A_1179, %swap3A_1180, %swap3A_1181] {strides = array<i32>} : memref<2x2x64x256xf32, #tpu.memory_space<vmem>>, vector<16xf32>,
        tpu.vector_store %arg7[%swap3A_1178, %swap3A_1179, %swap3A_1180, %swap3A_1181], %add3A_1172 {strides = array<i32>} : memref<2x2x64x256xf32, #tpu.memory_space<vmem>>, vector<16xf32>,
        %swap3A_1183 = arith.constant 1 : i32
        %swap3A_1184 = arith.constant 1 : i32
        %swap3A_1185 = arith.index_cast %swap3A_1183 : i32 to index
        %swap3A_1186 = arith.index_cast %swap3A_1184 : i32 to index
        %swap3A_1187 = arith.index_cast %scan3A_1018 : i32 to index
        %swap3A_1188 = arith.constant 208 : index
        %swap3A_1189 = tpu.vector_load %arg7[%swap3A_1185, %swap3A_1186, %swap3A_1187, %swap3A_1188] {strides = array<i32>} : memref<2x2x64x256xf32, #tpu.memory_space<vmem>>, vector<16xf32>,
        tpu.vector_store %arg7[%swap3A_1185, %swap3A_1186, %swap3A_1187, %swap3A_1188], %add3A_1175 {strides = array<i32>} : memref<2x2x64x256xf32, #tpu.memory_space<vmem>>, vector<16xf32>,
        %get3A_1190 = arith.constant 1 : i32
        %get3A_1191 = arith.index_cast %get3A_1190 : i32 to index
        %get3A_1192 = arith.index_cast %scan3A_1018 : i32 to index
        %get3A_1193 = arith.constant 224 : index
        %get3A_1194 = tpu.vector_load %arg6[%get3A_1191, %get3A_1192, %get3A_1193] {strides = array<i32>} : memref<2x64x256xf32, #tpu.memory_space<vmem>>, vector<16xf32>,
        %mul3A_1195 = arith.mulf %scan3A_1025, %get3A_889 : vector<16xf32>
        %mul3A_1196 = arith.mulf %scan3A_1033, %get3A_905 : vector<16xf32>
        %sub3A_1197 = arith.subf %mul3A_1195, %mul3A_1196 : vector<16xf32>
        %add3A_1198 = arith.addf %sub3A_1197, %get3A_1194 : vector<16xf32>
        %mul3A_1199 = arith.mulf %scan3A_1025, %get3A_905 : vector<16xf32>
        %mul3A_1200 = arith.mulf %scan3A_1033, %get3A_889 : vector<16xf32>
        %add3A_1201 = arith.addf %mul3A_1199, %mul3A_1200 : vector<16xf32>
        %swap3A_1202 = arith.constant 1 : i32
        %swap3A_1203 = arith.constant 0 : i32
        %swap3A_1204 = arith.index_cast %swap3A_1202 : i32 to index
        %swap3A_1205 = arith.index_cast %swap3A_1203 : i32 to index
        %swap3A_1206 = arith.index_cast %scan3A_1018 : i32 to index
        %swap3A_1207 = arith.constant 224 : index
        %swap3A_1208 = tpu.vector_load %arg7[%swap3A_1204, %swap3A_1205, %swap3A_1206, %swap3A_1207] {strides = array<i32>} : memref<2x2x64x256xf32, #tpu.memory_space<vmem>>, vector<16xf32>,
        tpu.vector_store %arg7[%swap3A_1204, %swap3A_1205, %swap3A_1206, %swap3A_1207], %add3A_1198 {strides = array<i32>} : memref<2x2x64x256xf32, #tpu.memory_space<vmem>>, vector<16xf32>,
        %swap3A_1209 = arith.constant 1 : i32
        %swap3A_1210 = arith.constant 1 : i32
        %swap3A_1211 = arith.index_cast %swap3A_1209 : i32 to index
        %swap3A_1212 = arith.index_cast %swap3A_1210 : i32 to index
        %swap3A_1213 = arith.index_cast %scan3A_1018 : i32 to index
        %swap3A_1214 = arith.constant 224 : index
        %swap3A_1215 = tpu.vector_load %arg7[%swap3A_1211, %swap3A_1212, %swap3A_1213, %swap3A_1214] {strides = array<i32>} : memref<2x2x64x256xf32, #tpu.memory_space<vmem>>, vector<16xf32>,
        tpu.vector_store %arg7[%swap3A_1211, %swap3A_1212, %swap3A_1213, %swap3A_1214], %add3A_1201 {strides = array<i32>} : memref<2x2x64x256xf32, #tpu.memory_space<vmem>>, vector<16xf32>,
        %get3A_1216 = arith.constant 1 : i32
        %get3A_1217 = arith.index_cast %get3A_1216 : i32 to index
        %get3A_1218 = arith.index_cast %scan3A_1018 : i32 to index
        %get3A_1219 = arith.constant 240 : index
        %get3A_1220 = tpu.vector_load %arg6[%get3A_1217, %get3A_1218, %get3A_1219] {strides = array<i32>} : memref<2x64x256xf32, #tpu.memory_space<vmem>>, vector<16xf32>,
        %mul3A_1221 = arith.mulf %scan3A_1026, %get3A_891 : vector<16xf32>
        %mul3A_1222 = arith.mulf %scan3A_1034, %get3A_907 : vector<16xf32>
        %sub3A_1223 = arith.subf %mul3A_1221, %mul3A_1222 : vector<16xf32>
        %add3A_1224 = arith.addf %sub3A_1223, %get3A_1220 : vector<16xf32>
        %mul3A_1225 = arith.mulf %scan3A_1026, %get3A_907 : vector<16xf32>
        %mul3A_1226 = arith.mulf %scan3A_1034, %get3A_891 : vector<16xf32>
        %add3A_1227 = arith.addf %mul3A_1225, %mul3A_1226 : vector<16xf32>
        %swap3A_1228 = arith.constant 1 : i32
        %swap3A_1229 = arith.constant 0 : i32
        %swap3A_1230 = arith.index_cast %swap3A_1228 : i32 to index
        %swap3A_1231 = arith.index_cast %swap3A_1229 : i32 to index
        %swap3A_1232 = arith.index_cast %scan3A_1018 : i32 to index
        %swap3A_1233 = arith.constant 240 : index
        %swap3A_1234 = tpu.vector_load %arg7[%swap3A_1230, %swap3A_1231, %swap3A_1232, %swap3A_1233] {strides = array<i32>} : memref<2x2x64x256xf32, #tpu.memory_space<vmem>>, vector<16xf32>,
        tpu.vector_store %arg7[%swap3A_1230, %swap3A_1231, %swap3A_1232, %swap3A_1233], %add3A_1224 {strides = array<i32>} : memref<2x2x64x256xf32, #tpu.memory_space<vmem>>, vector<16xf32>,
        %swap3A_1235 = arith.constant 1 : i32
        %swap3A_1236 = arith.constant 1 : i32
        %swap3A_1237 = arith.index_cast %swap3A_1235 : i32 to index
        %swap3A_1238 = arith.index_cast %swap3A_1236 : i32 to index
        %swap3A_1239 = arith.index_cast %scan3A_1018 : i32 to index
        %swap3A_1240 = arith.constant 240 : index
        %swap3A_1241 = tpu.vector_load %arg7[%swap3A_1237, %swap3A_1238, %swap3A_1239, %swap3A_1240] {strides = array<i32>} : memref<2x2x64x256xf32, #tpu.memory_space<vmem>>, vector<16xf32>,
        tpu.vector_store %arg7[%swap3A_1237, %swap3A_1238, %swap3A_1239, %swap3A_1240], %add3A_1227 {strides = array<i32>} : memref<2x2x64x256xf32, #tpu.memory_space<vmem>>, vector<16xf32>,
        scf.yield %add3A_1042, %add3A_1068, %add3A_1094, %add3A_1120, %add3A_1146, %add3A_1172, %add3A_1198, %add3A_1224, %add3A_1045, %add3A_1071, %add3A_1097, %add3A_1123, %add3A_1149, %add3A_1175, %add3A_1201, %add3A_1227 : vector<16xf32>, vector<16xf32>, vector<16xf32>, vector<16xf32>, vector<16xf32>, vector<16xf32>, vector<16xf32>, vector<16xf32>, vector<16xf32>, vector<16xf32>, vector<16xf32>, vector<16xf32>, vector<16xf32>, vector<16xf32>, vector<16xf32>, vector<16xf32>
      }
      %scan3A_913 = arith.constant 64 : i32
      %swap3A_914 = arith.constant 0 : i32
      %swap3A_915 = arith.index_cast %swap3A_914 : i32 to index
      %swap3A_916 = arith.constant 128 : index
      %swap3A_917 = tpu.vector_load %arg10[%swap3A_915, %swap3A_916] {strides = array<i32>} : memref<2x256xf32, #tpu.memory_space<vmem>>, vector<16xf32>,
      tpu.vector_store %arg10[%swap3A_915, %swap3A_916], %scan3A_912#0 {strides = array<i32>} : memref<2x256xf32, #tpu.memory_space<vmem>>, vector<16xf32>,
      %swap3A_918 = arith.constant 1 : i32
      %swap3A_919 = arith.index_cast %swap3A_918 : i32 to index
      %swap3A_920 = arith.constant 128 : index
      %swap3A_921 = tpu.vector_load %arg10[%swap3A_919, %swap3A_920] {strides = array<i32>} : memref<2x256xf32, #tpu.memory_space<vmem>>, vector<16xf32>,
      tpu.vector_store %arg10[%swap3A_919, %swap3A_920], %scan3A_912#8 {strides = array<i32>} : memref<2x256xf32, #tpu.memory_space<vmem>>, vector<16xf32>,
      %swap3A_922 = arith.constant 0 : i32
      %swap3A_923 = arith.index_cast %swap3A_922 : i32 to index
      %swap3A_924 = arith.constant 144 : index
      %swap3A_925 = tpu.vector_load %arg10[%swap3A_923, %swap3A_924] {strides = array<i32>} : memref<2x256xf32, #tpu.memory_space<vmem>>, vector<16xf32>,
      tpu.vector_store %arg10[%swap3A_923, %swap3A_924], %scan3A_912#1 {strides = array<i32>} : memref<2x256xf32, #tpu.memory_space<vmem>>, vector<16xf32>,
      %swap3A_926 = arith.constant 1 : i32
      %swap3A_927 = arith.index_cast %swap3A_926 : i32 to index
      %swap3A_928 = arith.constant 144 : index
      %swap3A_929 = tpu.vector_load %arg10[%swap3A_927, %swap3A_928] {strides = array<i32>} : memref<2x256xf32, #tpu.memory_space<vmem>>, vector<16xf32>,
      tpu.vector_store %arg10[%swap3A_927, %swap3A_928], %scan3A_912#9 {strides = array<i32>} : memref<2x256xf32, #tpu.memory_space<vmem>>, vector<16xf32>,
      %swap3A_930 = arith.constant 0 : i32
      %swap3A_931 = arith.index_cast %swap3A_930 : i32 to index
      %swap3A_932 = arith.constant 160 : index
      %swap3A_933 = tpu.vector_load %arg10[%swap3A_931, %swap3A_932] {strides = array<i32>} : memref<2x256xf32, #tpu.memory_space<vmem>>, vector<16xf32>,
      tpu.vector_store %arg10[%swap3A_931, %swap3A_932], %scan3A_912#2 {strides = array<i32>} : memref<2x256xf32, #tpu.memory_space<vmem>>, vector<16xf32>,
      %swap3A_934 = arith.constant 1 : i32
      %swap3A_935 = arith.index_cast %swap3A_934 : i32 to index
      %swap3A_936 = arith.constant 160 : index
      %swap3A_937 = tpu.vector_load %arg10[%swap3A_935, %swap3A_936] {strides = array<i32>} : memref<2x256xf32, #tpu.memory_space<vmem>>, vector<16xf32>,
      tpu.vector_store %arg10[%swap3A_935, %swap3A_936], %scan3A_912#10 {strides = array<i32>} : memref<2x256xf32, #tpu.memory_space<vmem>>, vector<16xf32>,
      %swap3A_938 = arith.constant 0 : i32
      %swap3A_939 = arith.index_cast %swap3A_938 : i32 to index
      %swap3A_940 = arith.constant 176 : index
      %swap3A_941 = tpu.vector_load %arg10[%swap3A_939, %swap3A_940] {strides = array<i32>} : memref<2x256xf32, #tpu.memory_space<vmem>>, vector<16xf32>,
      tpu.vector_store %arg10[%swap3A_939, %swap3A_940], %scan3A_912#3 {strides = array<i32>} : memref<2x256xf32, #tpu.memory_space<vmem>>, vector<16xf32>,
      %swap3A_942 = arith.constant 1 : i32
      %swap3A_943 = arith.index_cast %swap3A_942 : i32 to index
      %swap3A_944 = arith.constant 176 : index
      %swap3A_945 = tpu.vector_load %arg10[%swap3A_943, %swap3A_944] {strides = array<i32>} : memref<2x256xf32, #tpu.memory_space<vmem>>, vector<16xf32>,
      tpu.vector_store %arg10[%swap3A_943, %swap3A_944], %scan3A_912#11 {strides = array<i32>} : memref<2x256xf32, #tpu.memory_space<vmem>>, vector<16xf32>,
      %swap3A_946 = arith.constant 0 : i32
      %swap3A_947 = arith.index_cast %swap3A_946 : i32 to index
      %swap3A_948 = arith.constant 192 : index
      %swap3A_949 = tpu.vector_load %arg10[%swap3A_947, %swap3A_948] {strides = array<i32>} : memref<2x256xf32, #tpu.memory_space<vmem>>, vector<16xf32>,
      tpu.vector_store %arg10[%swap3A_947, %swap3A_948], %scan3A_912#4 {strides = array<i32>} : memref<2x256xf32, #tpu.memory_space<vmem>>, vector<16xf32>,
      %swap3A_950 = arith.constant 1 : i32
      %swap3A_951 = arith.index_cast %swap3A_950 : i32 to index
      %swap3A_952 = arith.constant 192 : index
      %swap3A_953 = tpu.vector_load %arg10[%swap3A_951, %swap3A_952] {strides = array<i32>} : memref<2x256xf32, #tpu.memory_space<vmem>>, vector<16xf32>,
      tpu.vector_store %arg10[%swap3A_951, %swap3A_952], %scan3A_912#12 {strides = array<i32>} : memref<2x256xf32, #tpu.memory_space<vmem>>, vector<16xf32>,
      %swap3A_954 = arith.constant 0 : i32
      %swap3A_955 = arith.index_cast %swap3A_954 : i32 to index
      %swap3A_956 = arith.constant 208 : index
      %swap3A_957 = tpu.vector_load %arg10[%swap3A_955, %swap3A_956] {strides = array<i32>} : memref<2x256xf32, #tpu.memory_space<vmem>>, vector<16xf32>,
      tpu.vector_store %arg10[%swap3A_955, %swap3A_956], %scan3A_912#5 {strides = array<i32>} : memref<2x256xf32, #tpu.memory_space<vmem>>, vector<16xf32>,
      %swap3A_958 = arith.constant 1 : i32
      %swap3A_959 = arith.index_cast %swap3A_958 : i32 to index
      %swap3A_960 = arith.constant 208 : index
      %swap3A_961 = tpu.vector_load %arg10[%swap3A_959, %swap3A_960] {strides = array<i32>} : memref<2x256xf32, #tpu.memory_space<vmem>>, vector<16xf32>,
      tpu.vector_store %arg10[%swap3A_959, %swap3A_960], %scan3A_912#13 {strides = array<i32>} : memref<2x256xf32, #tpu.memory_space<vmem>>, vector<16xf32>,
      %swap3A_962 = arith.constant 0 : i32
      %swap3A_963 = arith.index_cast %swap3A_962 : i32 to index
      %swap3A_964 = arith.constant 224 : index
      %swap3A_965 = tpu.vector_load %arg10[%swap3A_963, %swap3A_964] {strides = array<i32>} : memref<2x256xf32, #tpu.memory_space<vmem>>, vector<16xf32>,
      tpu.vector_store %arg10[%swap3A_963, %swap3A_964], %scan3A_912#6 {strides = array<i32>} : memref<2x256xf32, #tpu.memory_space<vmem>>, vector<16xf32>,
      %swap3A_966 = arith.constant 1 : i32
      %swap3A_967 = arith.index_cast %swap3A_966 : i32 to index
      %swap3A_968 = arith.constant 224 : index
      %swap3A_969 = tpu.vector_load %arg10[%swap3A_967, %swap3A_968] {strides = array<i32>} : memref<2x256xf32, #tpu.memory_space<vmem>>, vector<16xf32>,
      tpu.vector_store %arg10[%swap3A_967, %swap3A_968], %scan3A_912#14 {strides = array<i32>} : memref<2x256xf32, #tpu.memory_space<vmem>>, vector<16xf32>,
      %swap3A_970 = arith.constant 0 : i32
      %swap3A_971 = arith.index_cast %swap3A_970 : i32 to index
      %swap3A_972 = arith.constant 240 : index
      %swap3A_973 = tpu.vector_load %arg10[%swap3A_971, %swap3A_972] {strides = array<i32>} : memref<2x256xf32, #tpu.memory_space<vmem>>, vector<16xf32>,
      tpu.vector_store %arg10[%swap3A_971, %swap3A_972], %scan3A_912#7 {strides = array<i32>} : memref<2x256xf32, #tpu.memory_space<vmem>>, vector<16xf32>,
      %swap3A_974 = arith.constant 1 : i32
      %swap3A_975 = arith.index_cast %swap3A_974 : i32 to index
      %swap3A_976 = arith.constant 240 : index
      %swap3A_977 = tpu.vector_load %arg10[%swap3A_975, %swap3A_976] {strides = array<i32>} : memref<2x256xf32, #tpu.memory_space<vmem>>, vector<16xf32>,
      tpu.vector_store %arg10[%swap3A_975, %swap3A_976], %scan3A_912#15 {strides = array<i32>} : memref<2x256xf32, #tpu.memory_space<vmem>>, vector<16xf32>,
      %mul3A_978 = arith.constant 64 : i32
      %mul3A_979 = arith.muli %add3A_625, %mul3A_978 : i32
      %mul3A_980 = arith.constant 64 : i32
      %mul3A_981 = arith.muli %add3A_625, %mul3A_980 : i32
      %dma_start3A_982 = arith.constant 1 : i32
      %dma_start3A_983 = arith.constant 0 : i32
      %dma_start3A_984 = arith.constant 0 : i32
      %dma_start3A_985 = arith.constant 0 : i32
      %dma_start3A_986 = arith.constant 0 : i32
      %dma_start3A_987 = tpu.memref_slice %arg7[%dma_start3A_982, %dma_start3A_983, %dma_start3A_985, %dma_start3A_986] : memref<2x2x64x256xf32, #tpu.memory_space<vmem>> -> memref<1x1x64x256xf32, #tpu.memory_space<vmem>>
      %dma_start3A_988 = tpu.memref_squeeze %dma_start3A_987 : memref<1x1x64x256xf32, #tpu.memory_space<vmem>> -> memref<64x256xf32, #tpu.memory_space<vmem>>
      %dma_start3A_989 = tpu.memref_slice %arg5[%arg1, %mul3A_979, %dma_start3A_984, %mul3A_0] : memref<16x2048x2x512xf32, #tpu.memory_space<hbm>> -> memref<1x64x1x256xf32, #tpu.memory_space<hbm>>
      %dma_start3A_990 = tpu.memref_squeeze %dma_start3A_989 : memref<1x64x1x256xf32, #tpu.memory_space<hbm>> -> memref<64x256xf32, #tpu.memory_space<hbm>>
      %dma_start3A_991 = tpu.memref_slice %arg5[%arg1, %mul3A_979, %dma_start3A_984, %mul3A_0] : memref<16x2048x2x512xf32, #tpu.memory_space<hbm>> -> memref<1x64x1x256xf32, #tpu.memory_space<hbm>>
      %dma_start3A_992 = tpu.memref_squeeze %dma_start3A_991 : memref<1x64x1x256xf32, #tpu.memory_space<hbm>> -> memref<64x256xf32, #tpu.memory_space<hbm>>
      %dma_start3A_993 = arith.constant 0 : i32
      %dma_start3A_994 = arith.constant 0 : i32
      %dma_start3A_995 = tpu.memref_slice %arg7[%dma_start3A_982, %dma_start3A_983, %dma_start3A_993, %dma_start3A_994] : memref<2x2x64x256xf32, #tpu.memory_space<vmem>> -> memref<1x1x64x256xf32, #tpu.memory_space<vmem>>
      %dma_start3A_996 = tpu.memref_squeeze %dma_start3A_995 : memref<1x1x64x256xf32, #tpu.memory_space<vmem>> -> memref<64x256xf32, #tpu.memory_space<vmem>>
      tpu.enqueue_dma source(%dma_start3A_996 : memref<64x256xf32, #tpu.memory_space<vmem>>) target(%dma_start3A_992 : memref<64x256xf32, #tpu.memory_space<hbm>>) target_semaphore(%arg14 : memref<!tpu.dma_semaphore, #tpu.memory_space<semaphore_mem>>)
      %dma_start3A_997 = arith.constant 1 : i32
      %dma_start3A_998 = arith.constant 1 : i32
      %dma_start3A_999 = arith.constant 1 : i32
      %dma_start3A_1000 = arith.constant 0 : i32
      %dma_start3A_1001 = arith.constant 0 : i32
      %dma_start3A_1002 = tpu.memref_slice %arg7[%dma_start3A_997, %dma_start3A_998, %dma_start3A_1000, %dma_start3A_1001] : memref<2x2x64x256xf32, #tpu.memory_space<vmem>> -> memref<1x1x64x256xf32, #tpu.memory_space<vmem>>
      %dma_start3A_1003 = tpu.memref_squeeze %dma_start3A_1002 : memref<1x1x64x256xf32, #tpu.memory_space<vmem>> -> memref<64x256xf32, #tpu.memory_space<vmem>>
      %dma_start3A_1004 = tpu.memref_slice %arg5[%arg1, %mul3A_981, %dma_start3A_999, %mul3A_0] : memref<16x2048x2x512xf32, #tpu.memory_space<hbm>> -> memref<1x64x1x256xf32, #tpu.memory_space<hbm>>
      %dma_start3A_1005 = tpu.memref_squeeze %dma_start3A_1004 : memref<1x64x1x256xf32, #tpu.memory_space<hbm>> -> memref<64x256xf32, #tpu.memory_space<hbm>>
      %dma_start3A_1006 = tpu.memref_slice %arg5[%arg1, %mul3A_981, %dma_start3A_999, %mul3A_0] : memref<16x2048x2x512xf32, #tpu.memory_space<hbm>> -> memref<1x64x1x256xf32, #tpu.memory_space<hbm>>
      %dma_start3A_1007 = tpu.memref_squeeze %dma_start3A_1006 : memref<1x64x1x256xf32, #tpu.memory_space<hbm>> -> memref<64x256xf32, #tpu.memory_space<hbm>>
      %dma_start3A_1008 = arith.constant 0 : i32
      %dma_start3A_1009 = arith.constant 0 : i32
      %dma_start3A_1010 = tpu.memref_slice %arg7[%dma_start3A_997, %dma_start3A_998, %dma_start3A_1008, %dma_start3A_1009] : memref<2x2x64x256xf32, #tpu.memory_space<vmem>> -> memref<1x1x64x256xf32, #tpu.memory_space<vmem>>
      %dma_start3A_1011 = tpu.memref_squeeze %dma_start3A_1010 : memref<1x1x64x256xf32, #tpu.memory_space<vmem>> -> memref<64x256xf32, #tpu.memory_space<vmem>>
      tpu.enqueue_dma source(%dma_start3A_1011 : memref<64x256xf32, #tpu.memory_space<vmem>>) target(%dma_start3A_1007 : memref<64x256xf32, #tpu.memory_space<hbm>>) target_semaphore(%arg14 : memref<!tpu.dma_semaphore, #tpu.memory_space<semaphore_mem>>)
      %lt3A_1012 = arith.constant 15 : i32
      %lt3A_1013 = arith.cmpi slt, %scan3A_231, %lt3A_1012 : i32
      %convert_element_type3A_1014 = arith.extui %lt3A_1013 : i1 to i32
      %cond3A_1015 = arith.constant 0 : i32
      %cond3A_1016 = arith.cmpi ne, %convert_element_type3A_1014, %cond3A_1015 : i32
      scf.if %cond3A_1016 {
        %add3A_1018 = arith.constant 2 : i32
        %add3A_1019 = arith.addi %add3A_625, %add3A_1018 : i32
        %mul3A_1020 = arith.constant 64 : i32
        %mul3A_1021 = arith.muli %add3A_1019, %mul3A_1020 : i32
        %dma_start3A_1022 = arith.constant 1 : i32
        %dma_start3A_1023 = arith.constant 0 : i32
        %dma_start3A_1024 = arith.constant 0 : i32
        %dma_start3A_1025 = tpu.memref_slice %arg6[%dma_start3A_1022, %dma_start3A_1023, %dma_start3A_1024] : memref<2x64x256xf32, #tpu.memory_space<vmem>> -> memref<1x64x256xf32, #tpu.memory_space<vmem>>
        %dma_start3A_1026 = tpu.memref_squeeze %dma_start3A_1025 : memref<1x64x256xf32, #tpu.memory_space<vmem>> -> memref<64x256xf32, #tpu.memory_space<vmem>>
        %dma_start3A_1027 = tpu.memref_slice %arg2[%arg1, %mul3A_1021, %mul3A_0] : memref<16x2048x512xf32, #tpu.memory_space<hbm>> -> memref<1x64x256xf32, #tpu.memory_space<hbm>>
        %dma_start3A_1028 = tpu.memref_squeeze %dma_start3A_1027 : memref<1x64x256xf32, #tpu.memory_space<hbm>> -> memref<64x256xf32, #tpu.memory_space<hbm>>
        %dma_start3A_1029 = arith.constant 0 : i32
        %dma_start3A_1030 = arith.constant 0 : i32
        %dma_start3A_1031 = tpu.memref_slice %arg6[%dma_start3A_1022, %dma_start3A_1029, %dma_start3A_1030] : memref<2x64x256xf32, #tpu.memory_space<vmem>> -> memref<1x64x256xf32, #tpu.memory_space<vmem>>
        %dma_start3A_1032 = tpu.memref_squeeze %dma_start3A_1031 : memref<1x64x256xf32, #tpu.memory_space<vmem>> -> memref<64x256xf32, #tpu.memory_space<vmem>>
        %dma_start3A_1033 = tpu.memref_slice %arg2[%arg1, %mul3A_1021, %mul3A_0] : memref<16x2048x512xf32, #tpu.memory_space<hbm>> -> memref<1x64x256xf32, #tpu.memory_space<hbm>>
        %dma_start3A_1034 = tpu.memref_squeeze %dma_start3A_1033 : memref<1x64x256xf32, #tpu.memory_space<hbm>> -> memref<64x256xf32, #tpu.memory_space<hbm>>
        tpu.enqueue_dma source(%dma_start3A_1034 : memref<64x256xf32, #tpu.memory_space<hbm>>) target(%dma_start3A_1032 : memref<64x256xf32, #tpu.memory_space<vmem>>) target_semaphore(%arg12 : memref<!tpu.dma_semaphore, #tpu.memory_space<semaphore_mem>>)
      } else {
      }
      %scan3A_1017 = arith.constant 0 : i32
      scf.yield %scan3A_1017 : i32
    }
    %scan3A_163 = arith.constant 16 : i32
    %dma_wait3A = arith.constant 0 : i32
    %dma_wait3A_164 = arith.constant 0 : i32
    %dma_wait3A_165 = arith.constant 0 : i32
    %dma_wait3A_166 = arith.constant 0 : i32
    %dma_wait3A_167 = arith.constant 0 : i32
    %dma_wait3A_168 = tpu.memref_slice %arg7[%dma_wait3A, %dma_wait3A_164, %dma_wait3A_166, %dma_wait3A_167] : memref<2x2x64x256xf32, #tpu.memory_space<vmem>> -> memref<1x1x64x256xf32, #tpu.memory_space<vmem>>
    %dma_wait3A_169 = tpu.memref_squeeze %dma_wait3A_168 : memref<1x1x64x256xf32, #tpu.memory_space<vmem>> -> memref<64x256xf32, #tpu.memory_space<vmem>>
    %dma_wait3A_170 = arith.constant 1920 : i32
    %dma_wait3A_171 = tpu.memref_slice %arg5[%arg1, %dma_wait3A_170, %dma_wait3A_165, %mul3A_0] : memref<16x2048x2x512xf32, #tpu.memory_space<hbm>> -> memref<1x64x1x256xf32, #tpu.memory_space<hbm>>
    %dma_wait3A_172 = tpu.memref_squeeze %dma_wait3A_171 : memref<1x64x1x256xf32, #tpu.memory_space<hbm>> -> memref<64x256xf32, #tpu.memory_space<hbm>>
    %dma_wait3A_173 = arith.constant 1920 : i32
    %dma_wait3A_174 = tpu.memref_slice %arg5[%arg1, %dma_wait3A_173, %dma_wait3A_165, %mul3A_0] : memref<16x2048x2x512xf32, #tpu.memory_space<hbm>> -> memref<1x64x1x256xf32, #tpu.memory_space<hbm>>
    %dma_wait3A_175 = tpu.memref_squeeze %dma_wait3A_174 : memref<1x64x1x256xf32, #tpu.memory_space<hbm>> -> memref<64x256xf32, #tpu.memory_space<hbm>>
    %dma_wait3A_176 = arith.constant 0 : i32
    %dma_wait3A_177 = arith.constant 0 : i32
    %dma_wait3A_178 = tpu.memref_slice %arg7[%dma_wait3A, %dma_wait3A_164, %dma_wait3A_176, %dma_wait3A_177] : memref<2x2x64x256xf32, #tpu.memory_space<vmem>> -> memref<1x1x64x256xf32, #tpu.memory_space<vmem>>
    %dma_wait3A_179 = tpu.memref_squeeze %dma_wait3A_178 : memref<1x1x64x256xf32, #tpu.memory_space<vmem>> -> memref<64x256xf32, #tpu.memory_space<vmem>>
    tpu.wait_dma2 semaphore(%arg13 : memref<!tpu.dma_semaphore, #tpu.memory_space<semaphore_mem>>) src(%dma_wait3A_179 : memref<64x256xf32, #tpu.memory_space<vmem>>) dst(%dma_wait3A_175 : memref<64x256xf32, #tpu.memory_space<hbm>>)
    %dma_wait3A_180 = arith.constant 0 : i32
    %dma_wait3A_181 = arith.constant 1 : i32
    %dma_wait3A_182 = arith.constant 1 : i32
    %dma_wait3A_183 = arith.constant 0 : i32
    %dma_wait3A_184 = arith.constant 0 : i32
    %dma_wait3A_185 = tpu.memref_slice %arg7[%dma_wait3A_180, %dma_wait3A_181, %dma_wait3A_183, %dma_wait3A_184] : memref<2x2x64x256xf32, #tpu.memory_space<vmem>> -> memref<1x1x64x256xf32, #tpu.memory_space<vmem>>
    %dma_wait3A_186 = tpu.memref_squeeze %dma_wait3A_185 : memref<1x1x64x256xf32, #tpu.memory_space<vmem>> -> memref<64x256xf32, #tpu.memory_space<vmem>>
    %dma_wait3A_187 = arith.constant 1920 : i32
    %dma_wait3A_188 = tpu.memref_slice %arg5[%arg1, %dma_wait3A_187, %dma_wait3A_182, %mul3A_0] : memref<16x2048x2x512xf32, #tpu.memory_space<hbm>> -> memref<1x64x1x256xf32, #tpu.memory_space<hbm>>
    %dma_wait3A_189 = tpu.memref_squeeze %dma_wait3A_188 : memref<1x64x1x256xf32, #tpu.memory_space<hbm>> -> memref<64x256xf32, #tpu.memory_space<hbm>>
    %dma_wait3A_190 = arith.constant 1920 : i32
    %dma_wait3A_191 = tpu.memref_slice %arg5[%arg1, %dma_wait3A_190, %dma_wait3A_182, %mul3A_0] : memref<16x2048x2x512xf32, #tpu.memory_space<hbm>> -> memref<1x64x1x256xf32, #tpu.memory_space<hbm>>
    %dma_wait3A_192 = tpu.memref_squeeze %dma_wait3A_191 : memref<1x64x1x256xf32, #tpu.memory_space<hbm>> -> memref<64x256xf32, #tpu.memory_space<hbm>>
    %dma_wait3A_193 = arith.constant 0 : i32
    %dma_wait3A_194 = arith.constant 0 : i32
    %dma_wait3A_195 = tpu.memref_slice %arg7[%dma_wait3A_180, %dma_wait3A_181, %dma_wait3A_193, %dma_wait3A_194] : memref<2x2x64x256xf32, #tpu.memory_space<vmem>> -> memref<1x1x64x256xf32, #tpu.memory_space<vmem>>
    %dma_wait3A_196 = tpu.memref_squeeze %dma_wait3A_195 : memref<1x1x64x256xf32, #tpu.memory_space<vmem>> -> memref<64x256xf32, #tpu.memory_space<vmem>>
    tpu.wait_dma2 semaphore(%arg13 : memref<!tpu.dma_semaphore, #tpu.memory_space<semaphore_mem>>) src(%dma_wait3A_196 : memref<64x256xf32, #tpu.memory_space<vmem>>) dst(%dma_wait3A_192 : memref<64x256xf32, #tpu.memory_space<hbm>>)
    %dma_wait3A_197 = arith.constant 1 : i32
    %dma_wait3A_198 = arith.constant 0 : i32
    %dma_wait3A_199 = arith.constant 0 : i32
    %dma_wait3A_200 = arith.constant 0 : i32
    %dma_wait3A_201 = arith.constant 0 : i32
    %dma_wait3A_202 = tpu.memref_slice %arg7[%dma_wait3A_197, %dma_wait3A_198, %dma_wait3A_200, %dma_wait3A_201] : memref<2x2x64x256xf32, #tpu.memory_space<vmem>> -> memref<1x1x64x256xf32, #tpu.memory_space<vmem>>
    %dma_wait3A_203 = tpu.memref_squeeze %dma_wait3A_202 : memref<1x1x64x256xf32, #tpu.memory_space<vmem>> -> memref<64x256xf32, #tpu.memory_space<vmem>>
    %dma_wait3A_204 = arith.constant 1984 : i32
    %dma_wait3A_205 = tpu.memref_slice %arg5[%arg1, %dma_wait3A_204, %dma_wait3A_199, %mul3A_0] : memref<16x2048x2x512xf32, #tpu.memory_space<hbm>> -> memref<1x64x1x256xf32, #tpu.memory_space<hbm>>
    %dma_wait3A_206 = tpu.memref_squeeze %dma_wait3A_205 : memref<1x64x1x256xf32, #tpu.memory_space<hbm>> -> memref<64x256xf32, #tpu.memory_space<hbm>>
    %dma_wait3A_207 = arith.constant 1984 : i32
    %dma_wait3A_208 = tpu.memref_slice %arg5[%arg1, %dma_wait3A_207, %dma_wait3A_199, %mul3A_0] : memref<16x2048x2x512xf32, #tpu.memory_space<hbm>> -> memref<1x64x1x256xf32, #tpu.memory_space<hbm>>
    %dma_wait3A_209 = tpu.memref_squeeze %dma_wait3A_208 : memref<1x64x1x256xf32, #tpu.memory_space<hbm>> -> memref<64x256xf32, #tpu.memory_space<hbm>>
    %dma_wait3A_210 = arith.constant 0 : i32
    %dma_wait3A_211 = arith.constant 0 : i32
    %dma_wait3A_212 = tpu.memref_slice %arg7[%dma_wait3A_197, %dma_wait3A_198, %dma_wait3A_210, %dma_wait3A_211] : memref<2x2x64x256xf32, #tpu.memory_space<vmem>> -> memref<1x1x64x256xf32, #tpu.memory_space<vmem>>
    %dma_wait3A_213 = tpu.memref_squeeze %dma_wait3A_212 : memref<1x1x64x256xf32, #tpu.memory_space<vmem>> -> memref<64x256xf32, #tpu.memory_space<vmem>>
    tpu.wait_dma2 semaphore(%arg14 : memref<!tpu.dma_semaphore, #tpu.memory_space<semaphore_mem>>) src(%dma_wait3A_213 : memref<64x256xf32, #tpu.memory_space<vmem>>) dst(%dma_wait3A_209 : memref<64x256xf32, #tpu.memory_space<hbm>>)
    %dma_wait3A_214 = arith.constant 1 : i32
    %dma_wait3A_215 = arith.constant 1 : i32
    %dma_wait3A_216 = arith.constant 1 : i32
    %dma_wait3A_217 = arith.constant 0 : i32
    %dma_wait3A_218 = arith.constant 0 : i32
    %dma_wait3A_219 = tpu.memref_slice %arg7[%dma_wait3A_214, %dma_wait3A_215, %dma_wait3A_217, %dma_wait3A_218] : memref<2x2x64x256xf32, #tpu.memory_space<vmem>> -> memref<1x1x64x256xf32, #tpu.memory_space<vmem>>
    %dma_wait3A_220 = tpu.memref_squeeze %dma_wait3A_219 : memref<1x1x64x256xf32, #tpu.memory_space<vmem>> -> memref<64x256xf32, #tpu.memory_space<vmem>>
    %dma_wait3A_221 = arith.constant 1984 : i32
    %dma_wait3A_222 = tpu.memref_slice %arg5[%arg1, %dma_wait3A_221, %dma_wait3A_216, %mul3A_0] : memref<16x2048x2x512xf32, #tpu.memory_space<hbm>> -> memref<1x64x1x256xf32, #tpu.memory_space<hbm>>
    %dma_wait3A_223 = tpu.memref_squeeze %dma_wait3A_222 : memref<1x64x1x256xf32, #tpu.memory_space<hbm>> -> memref<64x256xf32, #tpu.memory_space<hbm>>
    %dma_wait3A_224 = arith.constant 1984 : i32
    %dma_wait3A_225 = tpu.memref_slice %arg5[%arg1, %dma_wait3A_224, %dma_wait3A_216, %mul3A_0] : memref<16x2048x2x512xf32, #tpu.memory_space<hbm>> -> memref<1x64x1x256xf32, #tpu.memory_space<hbm>>
    %dma_wait3A_226 = tpu.memref_squeeze %dma_wait3A_225 : memref<1x64x1x256xf32, #tpu.memory_space<hbm>> -> memref<64x256xf32, #tpu.memory_space<hbm>>
    %dma_wait3A_227 = arith.constant 0 : i32
    %dma_wait3A_228 = arith.constant 0 : i32
    %dma_wait3A_229 = tpu.memref_slice %arg7[%dma_wait3A_214, %dma_wait3A_215, %dma_wait3A_227, %dma_wait3A_228] : memref<2x2x64x256xf32, #tpu.memory_space<vmem>> -> memref<1x1x64x256xf32, #tpu.memory_space<vmem>>
    %dma_wait3A_230 = tpu.memref_squeeze %dma_wait3A_229 : memref<1x1x64x256xf32, #tpu.memory_space<vmem>> -> memref<64x256xf32, #tpu.memory_space<vmem>>
    tpu.wait_dma2 semaphore(%arg14 : memref<!tpu.dma_semaphore, #tpu.memory_space<semaphore_mem>>) src(%dma_wait3A_230 : memref<64x256xf32, #tpu.memory_space<vmem>>) dst(%dma_wait3A_226 : memref<64x256xf32, #tpu.memory_space<hbm>>)
    return
  }
}

</mosaic_0001>

<sc_bundles>
// kernel: kernel.3.cloned.1.call-start
scs
__scs_entry_jumppad:
0x0: {  	(pc) =	sbr.rel $0x88, $3  }
0x1: {  	(tag) =	ssettag $0x0;
	lr =	simm.s32 $0x1  }
0x2: {  	[smem:$0x3F9E] =	sst lr;
	_ =	strace $0xD0000000  }
0x3: {  	_ = 	snop  }
0x4: {  	_ = 	snop  }
0x5: {  	_ = 	snop  }
0x6: {  	_ = 	snop  }
0x7: {  	_ = 	snop  }
__scs_overlays_trampoline_lowered:
0x8: {  	[smem:$0x3FAD] =	sst s0  }
0x9: {  	[smem:$0x3FAE] =	sst s1  }
0xa: {  	[smem:$0x3FAF] =	sst s2  }
0xb: {  	[smem:$0x3FB0] =	sst s3  }
0xc: {  	[smem:$0x3FB1] =	sst s4  }
0xd: {  	[smem:$0x3FB2] =	sst s5  }
0xe: {  	[smem:$0x3FB3] =	sst s6  }
0xf: {  	[smem:$0x3FB4] =	sst s7  }
0x10: {  	[smem:$0x3FB5] =	sst s8  }
0x11: {  	[smem:$0x3FB6] =	sst s9;
	s0 =	simm.s32 @!p0 $0x0  }
0x12: {  	s1 =	sld [smem:$0x3F9C];
	s0 =	simm.s32 @p0 $0x1  }
0x13: {  	[smem:$0x3FB7] =	sst s0;
	s0 =	simm.s32 @!p1 $0x0  }
0x14: {  	s2 =	sld [smem:$0x3F9B];
	s0 =	simm.s32 @p1 $0x1  }
0x15: {  	[smem:$0x3FB8] =	sst s0;
	s0 =	simm.s32 @!p2 $0x0  }
0x16: {  	s3 =	sld [smem:$0x3FDB];
	s0 =	simm.s32 @p2 $0x1  }
0x17: {  	s4 =	simm.s32 $0x1BF5;
	[smem:$0x3FBA] =	sst s0  }
0x18: {  	s0 =	sld [smem:$0x3F9D];
	_ =	swait.ge [sflag:s4], $0x0  }
0x19: {  	s7 =	sld [smem:$0x3F9E]  }
0x1a: {  	s8 =	sadd.s32 $0xFFFFE003, lr  }
0x1b: {  	s9 =	sadd.s32 $0xFFFFFEF7, lr;
	s5 =	simm.s32 $0xFFFFFFFF;
	p2 =	slt.u32 s8, $0xFFFFF086  }
0x1c: {  	p1 =	slt.u32 s9, $0xF7A;
	s5 =	simm.s32 @!p2 $0x0  }
0x1d: {  	s5 =	simm.s32 @p1 $0x1;
	p0 =	seq.s32 s7, s2  }
0x1e: {  	s7 =	smul.u32 @!p0 $0xF7A, s2;
	p2 =	seq.s32 @!p0 s5, $0x0  }
0x1f: {  	s9 =	smul.u32 $0xF7A, s1;
	s8 =	simm.s32 @!p0 $0x1BF5;
	p2 =	por !p2, p0  }
0x20: {  	[sflag:s8] =	ssyncset.s32 @!p0 $0xFFFFF086;
	s6 =	sadd.s32 @!p0 s3, s7;
	s7 =	simm.s32 @!p0 $0x108  }
0x21: {  	s3 =	sadd.s32 s3, s9;
	s6 =	sadd.s32 @!p0 $0x88, s6;
	s7 =	simm.s32 @p2 $0x1082  }
0x22: {  	[simem:s7], [sflag:s8] =	dma.local @!p0 [hbm:s6], $0xF7A  }
0x23: {  	s9 =	sor.u32 $0xD0000000, s2;
	s6 =	simm.s32 $0x108;
	_ =	swait.ge @!p0 [sflag:s8], $0x0  }
0x24: {  	s3 =	sadd.s32 $0x88, s3;
	s6 =	simm.s32 @!p1 $0x1082;
	[sflag:s4] =	ssyncset.s32 $0xFFFFF086  }
0x25: {  	[simem:s6], [sflag:s4] =	dma.local [hbm:s3], $0xF7A  }
0x26: {  	[smem:$0x3F9E] =	sst s1;
	(tag) =	ssettag s2;
	_ =	strace s9  }
0x27: {  	s1 =	sld [smem:$0x3FAE]  }
0x28: {  	s2 =	sld [smem:$0x3FAF]  }
0x29: {  	s4 =	sld [smem:$0x3FB1]  }
0x2a: {  	p0 =	seq.s32 s5, $0x0;
	s5 =	sld [smem:$0x3FB2]  }
0x2b: {  	s6 =	sld [smem:$0x3FB3]  }
0x2c: {  	s7 =	sld [smem:$0x3FB4]  }
0x2d: {  	s3 =	simm.s32 $0x108;
	s8 =	sld [smem:$0x3FB5]  }
0x2e: {  	s3 =	simm.s32 @!p0 $0x1082;
	s9 =	sld [smem:$0x3FB6]  }
0x2f: {  	lr =	sadd.s32 s0, s3;
	s0 =	sld [smem:$0x3FAD]  }
0x30: {  	s3 =	sld [smem:$0x3FB0]  }
0x31: {  	[smem:$0x3FB9] =	sst s10  }
0x32: {  	s10 =	sld [smem:$0x3FB7];
	_ =	sdelay $0x3  }
0x33: {  	p0 =	seq.s32 s10, $0x1;
	s10 =	sld [smem:$0x3FB9];
	_ =	sdelay $0x3  }
0x34: {  	[smem:$0x3FB9] =	sst s10  }
0x35: {  	s10 =	sld [smem:$0x3FB8];
	_ =	sdelay $0x3  }
0x36: {  	p1 =	seq.s32 s10, $0x1;
	s10 =	sld [smem:$0x3FB9];
	_ =	sdelay $0x3  }
0x37: {  	[smem:$0x3FB9] =	sst s10  }
0x38: {  	s10 =	sld [smem:$0x3FBA]  }
0x39: {  	_ = 	snop;
	(pc) =	sbr.ind lr, $3  }
0x3a: {  	_ = 	snop  }
0x3b: {  	_ = 	snop  }
0x3c: {  	p2 =	seq.s32 s10, $0x1;
	s10 =	sld [smem:$0x3FB9]  }
0x3d: {  	_ =	shalt  }
0x3e: {  	_ =	shalt  }
0x3f: {  	_ =	shalt  }
0x40: {  	_ =	shalt  }
0x41: {  	_ =	shalt  }
0x42: {  	_ =	shalt  }
0x43: {  	_ =	shalt  }
0x44: {  	_ =	shalt  }
0x45: {  	_ =	shalt  }
0x46: {  	_ =	shalt  }
0x47: {  	_ =	shalt  }
0x48: {  	_ =	shalt  }
0x49: {  	_ =	shalt  }
0x4a: {  	_ =	shalt  }
0x4b: {  	_ =	shalt  }
0x4c: {  	_ =	shalt  }
0x4d: {  	_ =	shalt  }
0x4e: {  	_ =	shalt  }
0x4f: {  	_ =	shalt  }
0x50: {  	_ =	shalt  }
0x51: {  	_ =	shalt  }
0x52: {  	_ =	shalt  }
0x53: {  	_ =	shalt  }
0x54: {  	_ =	shalt  }
0x55: {  	_ =	shalt  }
0x56: {  	_ =	shalt  }
0x57: {  	_ =	shalt  }
0x58: {  	_ =	shalt  }
0x59: {  	_ =	shalt  }
0x5a: {  	_ =	shalt  }
0x5b: {  	_ =	shalt  }
0x5c: {  	_ =	shalt  }
0x5d: {  	_ =	shalt  }
0x5e: {  	_ =	shalt  }
0x5f: {  	_ =	shalt  }
0x60: {  	_ =	shalt  }
0x61: {  	_ =	shalt  }
0x62: {  	_ =	shalt  }
0x63: {  	_ =	shalt  }
0x64: {  	_ =	shalt  }
0x65: {  	_ =	shalt  }
0x66: {  	_ =	shalt  }
0x67: {  	_ =	shalt  }
0x68: {  	_ =	shalt  }
0x69: {  	_ =	shalt  }
0x6a: {  	_ =	shalt  }
0x6b: {  	_ =	shalt  }
0x6c: {  	_ =	shalt  }
0x6d: {  	_ =	shalt  }
0x6e: {  	_ =	shalt  }
0x6f: {  	_ =	shalt  }
0x70: {  	_ =	shalt  }
0x71: {  	_ =	shalt  }
0x72: {  	_ =	shalt  }
0x73: {  	_ =	shalt  }
0x74: {  	_ =	shalt  }
0x75: {  	_ =	shalt  }
0x76: {  	_ =	shalt  }
0x77: {  	_ =	shalt  }
0x78: {  	_ =	shalt  }
0x79: {  	_ =	shalt  }
0x7a: {  	_ =	shalt  }
0x7b: {  	_ =	shalt  }
0x7c: {  	_ =	shalt  }
0x7d: {  	_ =	shalt  }
0x7e: {  	_ =	shalt  }
0x7f: {  	_ =	shalt  }
0x80: {  	_ =	shalt  }
0x81: {  	_ =	shalt  }
0x82: {  	_ =	shalt  }
0x83: {  	_ =	shalt  }
0x84: {  	_ =	shalt  }
0x85: {  	_ =	shalt  }
0x86: {  	_ =	shalt  }
0x87: {  	_ =	shalt  }
.Lfunc_end0:
.L_simem_size_0:
called_computation_lowered:
.L_overlay_start_0:
0x88: {  	s2 =	sld [smem:$0x3FD9]  }
0x89: {  	s3 =	sld [smem:$0x3FFE];
	_ =	sdelay $0x1  }
0x8a: {  	s1 =	srdreg.scid  }
0x8b: {  	s0 =	sand.u32 $0x1, s1  }
0x8c: {  	s18 =	sshll.u32 s0, $0xA;
	s2 =	sadd.s32 s3, s2  }
0x8d: {  	s2 =	sadd.s32 s2, s18  }
0x8e: {  	[smem:$0x3FC5] =	sst s2  }
0x8f: {  	_ = 	snop  }
0x90: {  	s2 =	sld [smem:$0x3FC9]  }
0x91: {  	s19 =	sld [smem:$0x3FC8]  }
0x92: {  	s4 =	sld [smem:$0x3FC7]  }
0x93: {  	s5 =	sld [smem:$0x3FD0];
	(tm) =	ssettm $0x1  }
0x94: {  	s6 =	sld [smem:$0x3FFB];
	_ =	sdelay $0x3  }
0x95: {  	_ =	strace s6  }
0x96: {  	s6 =	sld [smem:$0x3FFC];
	_ =	sdelay $0x3  }
0x97: {  	_ =	strace s6  }
0x98: {  	s6 =	sld [smem:$0x3FFD];
	_ =	sdelay $0x3  }
0x99: {  	_ =	strace s6  }
0x9a: {  	_ =	strace $0x8FFFFFFF  }
0x9b: {  	s20 =	sld [smem:$0x3FDB];
	_ =	sdelay $0x1  }
0x9c: {  	s7 =	simm.s32 $_scs_section_size  }
0x9d: {  	s8 =	simm.s32 $_size__tile_overlayer_lowered;
	s9 =	simm.s32 $_tile_overlayer_lowered  }
0x9e: {  	s23 =	simm.s32 $0x1BFF;
	s22 =	sshll.u32 s9, $0x1;
	s6 =	sadd.s32 s7, s20  }
0x9f: {  	s10 =	simm.s32 $0x0;
	s21 =	sshll.u32 s8, $0x1;
	s8 =	sadd.s32 s22, s6  }
0xa0: {  	[timem:s10], [sflag:s23] =	dma.local [hbm:s8], s21  }
0xa1: {  	_ =	swait.ge [sflag:s23], s21  }
0xa2: {  	s7 =	ssub.s32 $0x0, s21;
	[sflag:s23] =	ssyncset.done $0x0  }
0xa3: {  	[sflag:s23] =	ssyncadd.s32 s7;
	_ =	sdelay $0x1  }
0xa4: {  	s24 =	simm.s32 $0x1B8B  }
0xa5: {  	_ =	swait.ge [sflag:s24], $0x1  }
0xa6: {  	[sflag:s24] =	ssyncset.done $0x0  }
0xa7: {  	s25 =	simm.s32 $0x1B8E;
	[sflag:s24] =	ssyncadd.s32 $0xFFFFFFFF  }
0xa8: {  	s26 =	simm.s32 $execute0_lowered;
	[smem:$0x3FD2] =	sst s25  }
0xa9: {  	s7 =	sshll.u32 s26, $0x1;
	_ =	strace $0x80000046;
	[dreg:$0x1] =	wrdreg $0xFFFFFFFF  }
0xaa: {  	s28 =	simm.s32 $_size_execute0_lowered;
	s6 =	sadd.s32 s6, s7;
	[dreg:$0x0] =	wrdreg $0x0  }
0xab: {  	s7 =	sshll.u32 s28, $0x1;
	[dreg:$0x2] =	wrdreg s6  }
0xac: {  	[dreg:$0x3] =	wrdreg s7  }
0xad: {  	[dreg:$0x4] =	wrdreg $0xC0  }
0xae: {  	_ =	task [dreg:s10], $0x5FFFF  }
0xaf: {  	[dreg:$0x1] =	wrdreg $0xFFFFFFFF  }
0xb0: {  	[dreg:$0x0] =	wrdreg $0x60  }
0xb1: {  	[dreg:$0x2] =	wrdreg s2  }
0xb2: {  	[dreg:$0x3] =	wrdreg s19  }
0xb3: {  	[dreg:$0x4] =	wrdreg s4  }
0xb4: {  	[dreg:$0x5] =	wrdreg s5  }
0xb5: {  	[dreg:$0x6] =	wrdreg $0x9  }
0xb6: {  	_ =	task.clear_ibuf [dreg:s10], $0x7FFFF;
	_ =	strace $0x90000046  }
0xb7: {  	s29 =	simm.s32 $0x9;
	_ =	strace $0x80000048  }
0xb8: {  	_ =	swait.ge [sflag:s29], $0x1  }
0xb9: {  	[sflag:s29] =	ssyncadd.s32 $0xFFFFFFFF  }
0xba: {  	_ =	strace $0x90000048  }
0xbb: {  	_ =	sfence  }
0xbc: {  	s30 =	sld [smem:$0x0];
	_ =	sdelay $0x2  }
0xbd: {  	s31 =	sshll.u32 s1, $0xD;
	s1 =	sshrl.u32 s1, $0x2  }
0xbe: {  	s3 =	sand.u32 $0x4000, s31;
	s1 =	sadd.s32 s1, s30  }
0xbf: {  	s0 =	sor.u32 s3, s0;
	s1 =	sshll.u32 s1, $0x11  }
0xc0: {  	s0 =	sor.u32 s1, s0  }
0xc1: {  	s0 =	sadd.s32 $0x8F2B, s0  }
0xc2: {  	[sflag:s0] =	ssyncadd.remote.s32 $0x1  }
0xc3: {  	_ =	sfence.sel $0xFFFF  }
0xc4: {  	[dreg:$0x0] =	wrdreg $0xFFFFFFFF;
	(pc) =	sbr.abs _section_cstart, $3  }
0xc5: {  	[dreg:$0x1] =	wrdreg $0xFFFFFFFF  }
0xc6: {  	_ =	task.clear_ibuf [dreg:s10], $0x2FFFF;
	_ =	strace $0x9FFFFFFF  }
0xc7: {  	(tm) =	ssettm $0x7FFFFFFF  }
tec
execute0_lowered:
.L_overlay_start_1:
0x0: {  	(tag) =	ssettag $0x1  }
0x1: {  	s1 =	rddreg [dreg:$0x0]  }
0x2: {  	s0 =	rddreg [dreg:$0x1]  }
0x3: {  	s3 =	rddreg [dreg:$0x2]  }
0x4: {  	s2 =	rddreg [dreg:$0x3];
	s4 =	simm.s32 $0x0;
	s23 =	srdreg.scid  }
0x5: {  	s10 =	stileid.u32;
	s17 =	simm.s32 $0x800;
	s18 =	simm.s32 $0x1000  }
0x6: {  	s20 =	simm.s32 $0x1;
	s21 =	simm.s32 $0x80;
	s22 =	simm.s32 $0x400  }
0x7: {  	s16 =	simm.s32 $0x2;
	s15 =	simm.s32 $0x15C00;
	s11 =	simm.s32 $0x16400  }
0x8: {  	s19 =	simm.s32 $0x16800;
	s28 =	simm.s32 $0x17C00;
	[smem:$0x7FF] =	sst s4  }
0x9: {  	s4 =	sand.u32 $0x1, s23;
	s7 =	sshll.u32 s10, $0x14;
	s26 =	sshll.u32 s10, $0x15  }
0xa: {  	s10 =	sadd.s32 $0x10, s2;
	s23 =	simm.s32 $0x16C00;
	_ =	strace $0x80000047  }
0xb: {  	s5 =	ssub.s32 $0x2, s4;
	s6 =	sshll.u32 s4, $0xB;
	s9 =	sshll.u32 s4, $0x5  }
0xc: {  	s4 =	sshll.u32 s4, $0x9;
	s8 =	sshrl.u32 s5, $0x1;
	s6 =	sor.u32 s6, s7  }
0xd: {  	s0 =	sadd.s32 s0, s9;
	s3 =	sadd.s32 s3, s9;
	s9 =	sor.u32 s26, s4  }
0xe: {  	s4 =	simm.s32 $0x16000;
	s26 =	simm.s32 $0x17800;
	[dreg:$0x5] =	wrdreg s0  }
0xf: {  	s5 =	ssub.s32 s5, s8;
	s24 =	sshrl.u32 s6, $0x3;
	[dreg:$0x7] =	wrdreg s3  }
.Ltmp0:
0x10: {  	s30 =	sor.u32 $0x10000, s6;
	s12 =	sor.u32 $0x18000, s6;
	(pc) =	sbr.rel .LBB2_1-.Ltmp0, $4  }
0x11: {  	s6 =	simm.s32 $0x15800;
	s25 =	sadd.s32 s1, s24;
	[dreg:$0x9] =	wrdreg s30  }
0x12: {  	s3 =	simm.s32 $0x0;
	s31 =	smax.u32 s5, $0x1;
	[dreg:$0x6] =	wrdreg s25  }
0x13: {  	s5 =	simm.s32 $0x4;
	s29 =	sadd.s32 $0x1000, s25;
	[dreg:$0xa] =	wrdreg s31  }
0x14: {  	v0 =	vimm.f32 $0.0e+00;
	s24 =	simm.s32 $0x17000;
	s25 =	simm.s32 $0x17400;
	[dreg:$0x8] =	wrdreg s29  }
.LBB2_16:
0x15: {  	s0 =	simm.s32 $0x3  }
0x16: {  	_ =	swait.ge [sflag:s0], $0x4000  }
0x17: {  	[sflag:s0] =	ssyncset.done $0x0  }
0x18: {  	[sflag:s0] =	ssyncadd.s32 $0xFFFFC000  }
0x19: {  	_ =	swait.ge [sflag:s0], $0x4000  }
0x1a: {  	[sflag:s0] =	ssyncset.done $0x0  }
0x1b: {  	[sflag:s0] =	ssyncadd.s32 $0xFFFFC000  }
0x1c: {  	_ =	swait.ge [sflag:s5], $0x4000  }
0x1d: {  	[sflag:s5] =	ssyncset.done $0x0  }
0x1e: {  	[sflag:s5] =	ssyncadd.s32 $0xFFFFC000  }
0x1f: {  	_ =	swait.ge [sflag:s5], $0x4000  }
0x20: {  	s3 =	rddreg [dreg:$0xb]  }
0x21: {  	s31 =	rddreg [dreg:$0xa];
	s3 =	sadd.s32 $0x1, s3  }
0x22: {  	p0 =	sne.s32 s3, s31  }
.Ltmp1:
0x23: {  	_ = 	snop;
	(pc) =	sbr.rel @!p0 .LBB2_17-.Ltmp1, $3  }
0x24: {  	_ =	sdelay $0x1  }
0x25: {  	[sflag:s5] =	ssyncset.done $0x0  }
0x26: {  	[sflag:s5] =	ssyncadd.s32 $0xFFFFC000  }
.LBB2_1:
0x27: {  	[dreg:$0xb] =	wrdreg s3;
	s0 =	simm.s32 $0x0  }
0x28: {  	s30 =	rddreg [dreg:$0x5];
	s7 =	simm.s32 $0x18000;
	s31 =	simm.s32 $0x5  }
0x29: {  	[tilespmem:s7], [sflag:$0x5] =	stream.linear.gather [hbm4b:s30+s0], $0x100, $0x38;
	[tilespmem:$0x18400] =	vst v63  }
0x2a: {  	_ =	swait.ge [sflag:s31], $0x100  }
0x2b: {  	[sflag:s31] =	ssyncset.done $0x0  }
0x2c: {  	s8 =	simm.s32 $0x18100;
	s13 =	rddreg [dreg:$0x7];
	[sflag:s31] =	ssyncadd.s32 $0xFFFFFF00  }
0x2d: {  	[tilespmem:s8], [sflag:$0x5] =	stream.linear.gather [hbm4b:s13+s0], $0x100, $0x38;
	[tilespmem:$0x18400] =	vst v63  }
0x2e: {  	_ =	swait.ge [sflag:s31], $0x100  }
0x2f: {  	[sflag:s31] =	ssyncset.done $0x0  }
0x30: {  	[sflag:s31] =	ssyncadd.s32 $0xFFFFFF00  }
0x31: {  	[tilespmem:$0x18200] =	vst v0  }
0x32: {  	[tilespmem:$0x18280] =	vst v0  }
0x33: {  	[tilespmem:$0x18210] =	vst v0  }
0x34: {  	[tilespmem:$0x18290] =	vst v0  }
0x35: {  	[tilespmem:$0x18220] =	vst v0  }
0x36: {  	[tilespmem:$0x182A0] =	vst v0  }
0x37: {  	[tilespmem:$0x18230] =	vst v0  }
0x38: {  	[tilespmem:$0x182B0] =	vst v0  }
0x39: {  	[tilespmem:$0x18240] =	vst v0  }
0x3a: {  	[tilespmem:$0x182C0] =	vst v0  }
0x3b: {  	[tilespmem:$0x18250] =	vst v0  }
0x3c: {  	[tilespmem:$0x182D0] =	vst v0  }
0x3d: {  	[tilespmem:$0x18260] =	vst v0  }
0x3e: {  	[tilespmem:$0x182E0] =	vst v0  }
0x3f: {  	[tilespmem:$0x18270] =	vst v0  }
0x40: {  	[tilespmem:$0x182F0] =	vst v0  }
0x41: {  	[tilespmem:$0x18300] =	vst v0  }
0x42: {  	[tilespmem:$0x18380] =	vst v0  }
0x43: {  	[tilespmem:$0x18310] =	vst v0  }
0x44: {  	[tilespmem:$0x18390] =	vst v0  }
0x45: {  	[tilespmem:$0x18320] =	vst v0  }
0x46: {  	[tilespmem:$0x183A0] =	vst v0  }
0x47: {  	[tilespmem:$0x18330] =	vst v0  }
0x48: {  	[tilespmem:$0x183B0] =	vst v0  }
0x49: {  	[tilespmem:$0x18340] =	vst v0  }
0x4a: {  	[tilespmem:$0x183C0] =	vst v0  }
0x4b: {  	[tilespmem:$0x18350] =	vst v0  }
0x4c: {  	[tilespmem:$0x183D0] =	vst v0  }
0x4d: {  	[tilespmem:$0x18360] =	vst v0  }
0x4e: {  	[tilespmem:$0x183E0] =	vst v0  }
0x4f: {  	[tilespmem:$0x18370] =	vst v0  }
0x50: {  	s14 =	rddreg [dreg:$0x6];
	[tilespmem:$0x183F0] =	vst v0  }
0x51: {  	[tilespmem:s0], [sflag:$0x1] =	stream.strided.gather [hbm4b:s14+s17], $0x4000, s18, s17, $0x38;
	[tilespmem:$0x18400] =	vst v63  }
0x52: {  	s29 =	simm.s32 $0x0;
	s30 =	rddreg [dreg:$0x8];
	s31 =	simm.s32 $0x4000  }
0x53: {  	[tilespmem:s31], [sflag:$0x2] =	stream.strided.gather [hbm4b:s30+s17], $0x4000, s18, s17, $0x38;
	[tilespmem:$0x18400] =	vst v63  }
.LBB2_2:
0x54: {  	_ =	swait.ge [sflag:s20], $0x4000  }
0x55: {  	p0 =	seq.s32 s29, $0x0;
	[sflag:s20] =	ssyncset.done $0x0  }
0x56: {  	s0 =	simm.s32 @!p0 $0x3;
	[sflag:s20] =	ssyncadd.s32 $0xFFFFC000  }
0x57: {  	_ =	swait.ge @!p0 [sflag:s0], $0x4000  }
0x58: {  	[sflag:s0] =	ssyncset.done @!p0 $0x0  }
0x59: {  	[sflag:s0] =	ssyncadd.s32 @!p0 $0xFFFFC000  }
0x5a: {  	_ =	swait.ge @!p0 [sflag:s0], $0x4000  }
0x5b: {  	[sflag:s0] =	ssyncset.done @!p0 $0x0  }
0x5c: {  	[sflag:s0] =	ssyncadd.s32 @!p0 $0xFFFFC000  }
0x5d: {  	v23 =	vld [tilespmem:$0x18200]  }
0x5e: {  	v22 =	vld [tilespmem:$0x18210]  }
0x5f: {  	v19 =	vld [tilespmem:$0x18220]  }
0x60: {  	v18 =	vld [tilespmem:$0x18240]  }
0x61: {  	v33 =	vld [tilespmem:$0x18250]  }
0x62: {  	v26 =	vld [tilespmem:$0x18260]  }
0x63: {  	v2 =	vld [tilespmem:$0x18270]  }
0x64: {  	v29 =	vld [tilespmem:$0x18280]  }
0x65: {  	v25 =	vld [tilespmem:$0x18290]  }
0x66: {  	v28 =	vld [tilespmem:$0x182A0]  }
0x67: {  	v30 =	vld [tilespmem:$0x182B0]  }
0x68: {  	v31 =	vld [tilespmem:$0x182C0]  }
0x69: {  	v37 =	vld [tilespmem:$0x182D0]  }
0x6a: {  	v34 =	vld [tilespmem:$0x182E0]  }
0x6b: {  	v32 =	vld [tilespmem:$0x182F0]  }
0x6c: {  	v1 =	vld [tilespmem:$0x18000]  }
0x6d: {  	v4 =	vld [tilespmem:$0x18020]  }
0x6e: {  	v7 =	vld [tilespmem:$0x18060]  }
0x6f: {  	v8 =	vld [tilespmem:$0x18110]  }
0x70: {  	v9 =	vld [tilespmem:$0x18140]  }
0x71: {  	v10 =	vld [tilespmem:$0x18130]  }
0x72: {  	v11 =	vld [tilespmem:$0x18070]  }
0x73: {  	v12 =	vld [tilespmem:$0x18100]  }
0x74: {  	v13 =	vld [tilespmem:$0x18170]  }
0x75: {  	v14 =	vld [tilespmem:$0x18050];
	v35 =	vmul.f32 v25, v8  }
0x76: {  	v15 =	vld [tilespmem:$0x18150];
	v36 =	vmul.f32 v31, v9;
	v38 =	vmul.f32 v28, v4  }
0x77: {  	v16 =	vld [tilespmem:$0x18120];
	v39 =	vmul.f32 v30, v10;
	v40 =	vmul.f32 v23, v1  }
0x78: {  	v6 =	vld [tilespmem:$0x18040];
	v21 =	vmul.f32 v34, v7;
	v41 =	vmul.f32 v29, v12  }
0x79: {  	v3 =	vld [tilespmem:$0x18010];
	v42 =	vmul.f32 v32, v11;
	v44 =	vmul.f32 v19, v4  }
0x7a: {  	v5 =	vld [tilespmem:$0x18030];
	v45 =	vmul.f32 v2, v13;
	v46 =	vmul.f32 v33, v14  }
0x7b: {  	v24 =	vld [tilespmem:$0x18230];
	v47 =	vmul.f32 v2, v11;
	v53 =	vmul.f32 v37, v15  }
0x7c: {  	s14 =	simm.s32 $0x0;
	v48 =	vmul.f32 v26, v7;
	v28 =	vmul.f32 v28, v16  }
0x7d: {  	s3 =	sand.u32 $0x3800, s14;
	s0 =	sand.u32 $0x380, s14;
	v55 =	vmul.f32 v18, v6;
	v31 =	vmul.f32 v31, v6  }
0x7e: {  	v17 =	vld [tilespmem:$0x18160];
	s31 =	sor.u32 s0, s3;
	v32 =	vmul.f32 v32, v13;
	v56 =	vmul.f32 v22, v3  }
0x7f: {  	v54 =	vld [tilespmem:s31+$0x40];
	v18 =	vmul.f32 v18, v9;
	v51 =	vmul.f32 v30, v5  }
0x80: {  	v49 =	vld [tilespmem:s31+$0x0];
	v59 =	vmul.f32 v24, v10;
	v60 =	vmul.f32 v19, v16;
	v40 =	vsub.f32 v40, v41  }
0x81: {  	v43 =	vld [tilespmem:s31+$0x70];
	v61 =	vmul.f32 v24, v5;
	v2 =	vadd.f32 v42, v45;
	v41 =	vsub.f32 v46, v53  }
0x82: {  	v24 =	vmul.f32 v25, v3;
	v30 =	vsub.f32 v55, v36;
	v18 =	vadd.f32 v31, v18  }
0x83: {  	v50 =	vld [tilespmem:s31+$0x20];
	v63 =	vmul.f32 v29, v1;
	v44 =	vsub.f32 v44, v28;
	v29 =	vadd.f32 v51, v59;
	[tilespmem:s31+$0xC070] =	vst v2  }
0x84: {  	v58 =	vld [tilespmem:s31+$0x50];
	v62 =	vmul.f32 v22, v8;
	v57 =	vsub.f32 v47, v32;
	v19 =	vadd.f32 v54, v30;
	[tilespmem:s31+$0xC040] =	vst v18  }
0x85: {  	v23 =	vmul.f32 v23, v12;
	v32 =	vsub.f32 v56, v35;
	v31 =	vadd.f32 v49, v40;
	[tilespmem:s31+$0xC030] =	vst v29  }
0x86: {  	v34 =	vmul.f32 v34, v17;
	v24 =	vadd.f32 v24, v62;
	v25 =	vadd.f32 v43, v57;
	[tilespmem:s31+$0x8040] =	vst v19  }
0x87: {  	v27 =	vld [tilespmem:s31+$0x60];
	v36 =	vmul.f32 v26, v17;
	v26 =	vadd.f32 v63, v23;
	v30 =	vadd.f32 v38, v60;
	[tilespmem:s31+$0x8000] =	vst v31  }
0x88: {  	v28 =	vld [tilespmem:s31+$0x30];
	v35 =	vmul.f32 v33, v15;
	v33 =	vsub.f32 v48, v34;
	v34 =	vsub.f32 v61, v39;
	[tilespmem:s31+$0x8070] =	vst v25  }
0x89: {  	s30 =	sshll.u32 s29, $0x10;
	s14 =	simm.s32 $0x100;
	s0 =	simm.s32 $0x80;
	v20 =	vld [tilespmem:s31+$0x10];
	v37 =	vmul.f32 v37, v14;
	v22 =	vadd.f32 v50, v44;
	v23 =	vadd.f32 v58, v41;
	[tilespmem:s31+$0xC020] =	vst v30  }
.LBB2_3:
0x8a: {  	v38 =	vmul.f32 v24, v8;
	s3 =	smov.u32 s14  }
0x8b: {  	s7 =	sand.u32 $0x3800, s14;
	s8 =	sand.u32 $0x380, s0;
	v39 =	vmul.f32 v18, v9;
	[tilespmem:s31+$0xC000] =	vst v26;
	v36 =	vadd.f32 v21, v36;
	v40 =	vmovc v2;
	v41 =	vmov v31;
	s3 =	sadd.s32 $0x100, s14  }
0x8c: {  	v42 =	vmul.f32 v30, v4;
	v43 =	vmul.f32 v29, v10;
	p1 =	sne.s32 s14, $0x3F00;
	s7 =	sor.u32 s8, s7;
	v37 =	vadd.f32 v37, v35;
	[tilespmem:s31+$0x8050] =	vst v23  }
0x8d: {  	v31 =	vmul.f32 v31, v1;
	v34 =	vadd.f32 v28, v34;
	v21 =	vmul.f32 v36, v7;
	v35 =	vld [tilespmem:s7+$0x70];
	[tilespmem:s31+$0x8020] =	vst v22  }
0x8e: {  	v2 =	vmul.f32 v2, v11;
	v45 =	vadd.f32 v20, v32;
	v28 =	vmul.f32 v26, v12;
	v44 =	vld [tilespmem:s7+$0x60];
	[tilespmem:s31+$0xC060] =	vst v36  }
0x8f: {  	v32 =	vmul.f32 v22, v4;
	v46 =	vmul.f32 v25, v13;
	v33 =	vadd.f32 v27, v33;
	v20 =	vld [tilespmem:s7+$0x10];
	[tilespmem:s31+$0xC050] =	vst v37  }
0x90: {  	v25 =	vmul.f32 v25, v11;
	v27 =	vmul.f32 v23, v14;
	v31 =	vsub.f32 v31, v28;
	v28 =	vld [tilespmem:s7+$0x30];
	[tilespmem:s31+$0x8010] =	vst v45  }
0x91: {  	v49 =	vmul.f32 v33, v7;
	v2 =	vadd.f32 v2, v46;
	v48 =	vmul.f32 v37, v15;
	v47 =	vld [tilespmem:s7+$0x50];
	[tilespmem:s31+$0xC010] =	vst v24  }
0x92: {  	v30 =	vmul.f32 v30, v16;
	v50 =	vmul.f32 v19, v6;
	v46 =	vld [tilespmem:s7+$0x40];
	[tilespmem:s31+$0x8030] =	vst v34  }
0x93: {  	v18 =	vmul.f32 v18, v6;
	v53 =	vmul.f32 v40, v13;
	v48 =	vsub.f32 v27, v48;
	v51 =	vld [tilespmem:s7+$0x0];
	[tilespmem:s31+$0x8060] =	vst v33;
	s31 =	smov.u32 s7  }
0x94: {  	v19 =	vmul.f32 v19, v9;
	v40 =	vmul.f32 v45, v3;
	v30 =	vsub.f32 v32, v30;
	v52 =	vld [tilespmem:s31+$0x20];
	[tilespmem:s31+$0xC070] =	vst v2  }
0x95: {  	v29 =	vmul.f32 v29, v5;
	v39 =	vsub.f32 v50, v39;
	v25 =	vsub.f32 v25, v53;
	v27 =	vmovc v44  }
0x96: {  	v18 =	vadd.f32 v18, v19;
	v32 =	vsub.f32 v40, v38;
	v38 =	vmul.f32 v34, v10  }
0x97: {  	v40 =	vmul.f32 v22, v16;
	v34 =	vmul.f32 v34, v5;
	v19 =	vadd.f32 v46, v39  }
0x98: {  	v24 =	vmul.f32 v24, v3;
	v39 =	vmul.f32 v36, v17;
	v31 =	vadd.f32 v51, v31;
	[tilespmem:s31+$0xC040] =	vst v18  }
.Ltmp2:
0x99: {  	v25 =	vadd.f32 v35, v25;
	v36 =	vmul.f32 v45, v8;
	v22 =	vadd.f32 v52, v30;
	[tilespmem:s31+$0x8040] =	vst v19;
	(pc) =	sbr.rel @p1 .LBB2_3-.Ltmp2, $4  }
0x9a: {  	v26 =	vmul.f32 v26, v1;
	v35 =	vmul.f32 v41, v12;
	v30 =	vadd.f32 v42, v40;
	[tilespmem:s31+$0x8000] =	vst v31  }
0x9b: {  	v29 =	vadd.f32 v29, v38;
	v24 =	vadd.f32 v24, v36;
	v36 =	vmul.f32 v33, v17;
	[tilespmem:s31+$0x8070] =	vst v25  }
0x9c: {  	v26 =	vadd.f32 v26, v35;
	v35 =	vmul.f32 v23, v15;
	v33 =	vsub.f32 v49, v39;
	[tilespmem:s31+$0xC020] =	vst v30  }
0x9d: {  	s0 =	sadd.s32 $0x80, s0;
	s14 =	smov.u32 s3;
	v37 =	vmul.f32 v37, v14;
	v34 =	vsub.f32 v34, v43;
	v23 =	vadd.f32 v47, v48;
	[tilespmem:s31+$0xC030] =	vst v29  }
0x9e: {  	[tilespmem:s31+$0xC000] =	vst v26  }
0x9f: {  	[tilespmem:s31+$0x8020] =	vst v22  }
0xa0: {  	v15 =	vadd.f32 v21, v36;
	[tilespmem:s31+$0xC010] =	vst v24  }
0xa1: {  	v4 =	vadd.f32 v20, v32;
	[tilespmem:s31+$0x8050] =	vst v23  }
0xa2: {  	v14 =	vadd.f32 v27, v33;
	[tilespmem:s31+$0xC060] =	vst v15  }
0xa3: {  	v13 =	vadd.f32 v37, v35;
	[tilespmem:s31+$0x8010] =	vst v4  }
0xa4: {  	v8 =	vadd.f32 v28, v34;
	[tilespmem:s31+$0x8060] =	vst v14  }
0xa5: {  	[tilespmem:s31+$0xC050] =	vst v13  }
0xa6: {  	[tilespmem:s31+$0x8030] =	vst v8  }
0xa7: {  	v27 =	vld [tilespmem:$0x18300]  }
0xa8: {  	v28 =	vld [tilespmem:$0x18310]  }
0xa9: {  	v21 =	vld [tilespmem:$0x18320]  }
0xaa: {  	v63 =	vld [tilespmem:$0x18330]  }
0xab: {  	v20 =	vld [tilespmem:$0x18340]  }
0xac: {  	v33 =	vld [tilespmem:$0x18350]  }
0xad: {  	v34 =	vld [tilespmem:$0x18360]  }
0xae: {  	v54 =	vld [tilespmem:$0x18370]  }
0xaf: {  	v55 =	vld [tilespmem:$0x18380]  }
0xb0: {  	v56 =	vld [tilespmem:$0x18390]  }
0xb1: {  	v38 =	vld [tilespmem:$0x183A0]  }
0xb2: {  	v39 =	vld [tilespmem:$0x183B0]  }
0xb3: {  	v40 =	vld [tilespmem:$0x183C0]  }
0xb4: {  	v42 =	vld [tilespmem:$0x183E0]  }
0xb5: {  	v43 =	vld [tilespmem:$0x183F0]  }
0xb6: {  	v1 =	vld [tilespmem:$0x18080]  }
0xb7: {  	[tilespmem:$0x18210] =	vst v4;
	v4 =	vld [tilespmem:$0x180A0]  }
0xb8: {  	v7 =	vld [tilespmem:$0x180E0]  }
0xb9: {  	[tilespmem:$0x18230] =	vst v8;
	v8 =	vld [tilespmem:$0x18190]  }
0xba: {  	[tilespmem:$0x18200] =	vst v31;
	v9 =	vld [tilespmem:$0x181C0]  }
0xbb: {  	[tilespmem:$0x18280] =	vst v26;
	v10 =	vld [tilespmem:$0x181B0]  }
0xbc: {  	[tilespmem:$0x18290] =	vst v24;
	v11 =	vld [tilespmem:$0x180F0]  }
0xbd: {  	[tilespmem:$0x182A0] =	vst v30;
	v12 =	vld [tilespmem:$0x18180]  }
0xbe: {  	[tilespmem:$0x182D0] =	vst v13;
	v13 =	vld [tilespmem:$0x181F0]  }
0xbf: {  	[tilespmem:$0x18260] =	vst v14;
	v14 =	vld [tilespmem:$0x180D0];
	v24 =	vmul.f32 v56, v8  }
0xc0: {  	v41 =	vld [tilespmem:$0x183D0];
	[tilespmem:$0x18240] =	vst v19;
	v26 =	vmul.f32 v40, v9;
	v31 =	vmul.f32 v38, v4  }
0xc1: {  	v6 =	vld [tilespmem:$0x180C0];
	[tilespmem:$0x18250] =	vst v23;
	v44 =	vmul.f32 v39, v10;
	v23 =	vmul.f32 v27, v1  }
0xc2: {  	v3 =	vld [tilespmem:$0x18090];
	[tilespmem:$0x182F0] =	vst v2;
	v19 =	vmul.f32 v42, v7;
	v2 =	vmul.f32 v55, v12  }
0xc3: {  	v5 =	vld [tilespmem:$0x180B0];
	[tilespmem:$0x18270] =	vst v25;
	v25 =	vmul.f32 v43, v11;
	v30 =	vmul.f32 v21, v4  }
0xc4: {  	[tilespmem:$0x18220] =	vst v22;
	v16 =	vld [tilespmem:$0x181A0];
	v45 =	vmul.f32 v54, v13;
	v46 =	vmul.f32 v33, v14  }
0xc5: {  	s0 =	simm.s32 $0x0;
	[tilespmem:$0x182B0] =	vst v29;
	v17 =	vld [tilespmem:$0x181E0];
	v35 =	vmul.f32 v54, v11;
	v48 =	vmul.f32 v34, v7  }
0xc6: {  	s3 =	sand.u32 $0x3800, s0;
	s0 =	sand.u32 $0x380, s0;
	[tilespmem:$0x182E0] =	vst v15;
	v15 =	vld [tilespmem:$0x181D0];
	v58 =	vmul.f32 v20, v6;
	v40 =	vmul.f32 v40, v6  }
0xc7: {  	s31 =	sor.u32 s0, s3;
	[tilespmem:$0x182C0] =	vst v18;
	v43 =	vmul.f32 v43, v13;
	v50 =	vmul.f32 v28, v3  }
0xc8: {  	v29 =	vld [tilespmem:s31+$0x470];
	v20 =	vmul.f32 v20, v9;
	v39 =	vmul.f32 v39, v5  }
0xc9: {  	v57 =	vld [tilespmem:s31+$0x440];
	v60 =	vmul.f32 v63, v10;
	v61 =	vmul.f32 v21, v16  }
0xca: {  	v49 =	vld [tilespmem:s31+$0x400];
	v62 =	vmul.f32 v63, v5;
	v63 =	vmul.f32 v42, v17;
	v47 =	vsub.f32 v23, v2  }
0xcb: {  	v51 =	vld [tilespmem:s31+$0x420];
	v23 =	vmul.f32 v41, v15;
	v2 =	vadd.f32 v25, v45;
	v26 =	vsub.f32 v58, v26  }
0xcc: {  	v25 =	vmul.f32 v38, v16;
	v35 =	vsub.f32 v35, v43;
	v20 =	vadd.f32 v40, v20  }
0xcd: {  	v28 =	vmul.f32 v28, v8;
	v31 =	vadd.f32 v31, v61;
	v46 =	vsub.f32 v46, v23;
	[tilespmem:s31+$0xC470] =	vst v2  }
0xce: {  	v59 =	vld [tilespmem:s31+$0x450];
	v36 =	vmul.f32 v34, v17;
	v25 =	vsub.f32 v30, v25;
	v21 =	vadd.f32 v57, v26;
	[tilespmem:s31+$0xC440] =	vst v20  }
0xcf: {  	v30 =	vsub.f32 v50, v24;
	v32 =	vadd.f32 v49, v47;
	v26 =	vmul.f32 v56, v3;
	[tilespmem:s31+$0xC420] =	vst v31  }
0xd0: {  	v29 =	vadd.f32 v29, v35;
	v24 =	vadd.f32 v51, v25;
	[tilespmem:s31+$0x8440] =	vst v21;
	v25 =	vmul.f32 v27, v12  }
0xd1: {  	v22 =	vld [tilespmem:s31+$0x460];
	v27 =	vmul.f32 v55, v1;
	[tilespmem:s31+$0x8400] =	vst v32;
	v26 =	vadd.f32 v26, v28;
	v28 =	vadd.f32 v39, v60  }
0xd2: {  	v34 =	vsub.f32 v62, v44;
	v23 =	vld [tilespmem:s31+$0x430];
	v35 =	vmul.f32 v33, v15;
	v33 =	vsub.f32 v48, v63;
	[tilespmem:s31+$0x8470] =	vst v29  }
0xd3: {  	s14 =	simm.s32 $0x100;
	s0 =	simm.s32 $0x80;
	v18 =	vld [tilespmem:s31+$0x410];
	v37 =	vmul.f32 v41, v14;
	v27 =	vadd.f32 v27, v25;
	[tilespmem:s31+$0xC430] =	vst v28;
	v25 =	vadd.f32 v59, v46  }
.LBB2_5:
0xd4: {  	v38 =	vmul.f32 v26, v8;
	s3 =	smov.u32 s14  }
0xd5: {  	s7 =	sand.u32 $0x3800, s14;
	s8 =	sand.u32 $0x380, s0;
	v39 =	vmul.f32 v20, v9;
	[tilespmem:s31+$0xC400] =	vst v27;
	v36 =	vadd.f32 v19, v36;
	v40 =	vmovc v2;
	v41 =	vmov v32;
	s3 =	sadd.s32 $0x100, s14  }
0xd6: {  	v42 =	vmul.f32 v31, v4;
	v43 =	vmul.f32 v28, v10;
	p1 =	sne.s32 s14, $0x3F00;
	s7 =	sor.u32 s8, s7;
	v37 =	vadd.f32 v37, v35;
	[tilespmem:s31+$0x8450] =	vst v25  }
0xd7: {  	v32 =	vmul.f32 v32, v1;
	v34 =	vadd.f32 v23, v34;
	v19 =	vmul.f32 v36, v7;
	v35 =	vld [tilespmem:s7+$0x470];
	[tilespmem:s31+$0x8420] =	vst v24  }
0xd8: {  	v2 =	vmul.f32 v2, v11;
	v45 =	vadd.f32 v18, v30;
	v23 =	vmul.f32 v27, v12;
	v44 =	vld [tilespmem:s7+$0x460];
	[tilespmem:s31+$0xC460] =	vst v36  }
0xd9: {  	v30 =	vmul.f32 v24, v4;
	v46 =	vmul.f32 v29, v13;
	v33 =	vadd.f32 v22, v33;
	v18 =	vld [tilespmem:s7+$0x410];
	[tilespmem:s31+$0xC450] =	vst v37  }
0xda: {  	v29 =	vmul.f32 v29, v11;
	v22 =	vmul.f32 v25, v14;
	v32 =	vsub.f32 v32, v23;
	v23 =	vld [tilespmem:s7+$0x430];
	[tilespmem:s31+$0x8410] =	vst v45  }
0xdb: {  	v49 =	vmul.f32 v33, v7;
	v2 =	vadd.f32 v2, v46;
	v48 =	vmul.f32 v37, v15;
	v47 =	vld [tilespmem:s7+$0x450];
	[tilespmem:s31+$0xC410] =	vst v26  }
0xdc: {  	v31 =	vmul.f32 v31, v16;
	v50 =	vmul.f32 v21, v6;
	v46 =	vld [tilespmem:s7+$0x440];
	[tilespmem:s31+$0x8430] =	vst v34  }
0xdd: {  	v20 =	vmul.f32 v20, v6;
	v53 =	vmul.f32 v40, v13;
	v48 =	vsub.f32 v22, v48;
	v51 =	vld [tilespmem:s7+$0x400];
	[tilespmem:s31+$0x8460] =	vst v33;
	s31 =	smov.u32 s7  }
0xde: {  	v21 =	vmul.f32 v21, v9;
	v40 =	vmul.f32 v45, v3;
	v31 =	vsub.f32 v30, v31;
	v52 =	vld [tilespmem:s31+$0x420];
	[tilespmem:s31+$0xC470] =	vst v2  }
0xdf: {  	v28 =	vmul.f32 v28, v5;
	v39 =	vsub.f32 v50, v39;
	v29 =	vsub.f32 v29, v53;
	v22 =	vmovc v44  }
0xe0: {  	v20 =	vadd.f32 v20, v21;
	v30 =	vsub.f32 v40, v38;
	v38 =	vmul.f32 v34, v10  }
0xe1: {  	v40 =	vmul.f32 v24, v16;
	v34 =	vmul.f32 v34, v5;
	v21 =	vadd.f32 v46, v39  }
0xe2: {  	v26 =	vmul.f32 v26, v3;
	v39 =	vmul.f32 v36, v17;
	v32 =	vadd.f32 v51, v32;
	[tilespmem:s31+$0xC440] =	vst v20  }
.Ltmp3:
0xe3: {  	v29 =	vadd.f32 v35, v29;
	v36 =	vmul.f32 v45, v8;
	v24 =	vadd.f32 v52, v31;
	[tilespmem:s31+$0x8440] =	vst v21;
	(pc) =	sbr.rel @p1 .LBB2_5-.Ltmp3, $4  }
0xe4: {  	v27 =	vmul.f32 v27, v1;
	v35 =	vmul.f32 v41, v12;
	v31 =	vadd.f32 v42, v40;
	[tilespmem:s31+$0x8400] =	vst v32  }
0xe5: {  	v28 =	vadd.f32 v28, v38;
	v26 =	vadd.f32 v26, v36;
	v36 =	vmul.f32 v33, v17;
	[tilespmem:s31+$0x8470] =	vst v29  }
0xe6: {  	v27 =	vadd.f32 v27, v35;
	v35 =	vmul.f32 v25, v15;
	v33 =	vsub.f32 v49, v39;
	[tilespmem:s31+$0xC420] =	vst v31  }
0xe7: {  	s0 =	sadd.s32 $0x80, s0;
	s14 =	smov.u32 s3;
	v37 =	vmul.f32 v37, v14;
	v34 =	vsub.f32 v34, v43;
	v25 =	vadd.f32 v47, v48;
	[tilespmem:s31+$0xC430] =	vst v28  }
0xe8: {  	[tilespmem:s31+$0xC400] =	vst v27  }
0xe9: {  	[tilespmem:s31+$0x8420] =	vst v24  }
0xea: {  	v1 =	vadd.f32 v19, v36;
	[tilespmem:s31+$0xC410] =	vst v26  }
0xeb: {  	v4 =	vadd.f32 v18, v30;
	[tilespmem:s31+$0x8450] =	vst v25  }
0xec: {  	v6 =	vadd.f32 v22, v33;
	[tilespmem:s31+$0xC460] =	vst v1  }
0xed: {  	v3 =	vadd.f32 v37, v35;
	[tilespmem:s31+$0x8410] =	vst v4  }
0xee: {  	v5 =	vadd.f32 v23, v34;
	[tilespmem:s31+$0x8460] =	vst v6  }
0xef: {  	[tilespmem:s31+$0xC450] =	vst v3  }
0xf0: {  	[tilespmem:s31+$0x8430] =	vst v5  }
0xf1: {  	[tilespmem:$0x18300] =	vst v32  }
0xf2: {  	[tilespmem:$0x18380] =	vst v27  }
0xf3: {  	[tilespmem:$0x18310] =	vst v4  }
0xf4: {  	[tilespmem:$0x18390] =	vst v26  }
0xf5: {  	[tilespmem:$0x18320] =	vst v24  }
0xf6: {  	[tilespmem:$0x183A0] =	vst v31  }
0xf7: {  	[tilespmem:$0x18330] =	vst v5  }
0xf8: {  	[tilespmem:$0x183B0] =	vst v28  }
0xf9: {  	[tilespmem:$0x18340] =	vst v21  }
0xfa: {  	[tilespmem:$0x183C0] =	vst v20  }
0xfb: {  	[tilespmem:$0x18350] =	vst v25  }
0xfc: {  	[tilespmem:$0x183D0] =	vst v3  }
0xfd: {  	s0 =	sshll.u32 s29, $0x11;
	[tilespmem:$0x18360] =	vst v6  }
0xfe: {  	s0 =	sor.u32 s0, s9;
	[tilespmem:$0x183E0] =	vst v1  }
0xff: {  	s31 =	sshrl.u32 s0, $0x3;
	[tilespmem:$0x18370] =	vst v29  }
0x100: {  	s3 =	simm.s32 $0x8000;
	[tilespmem:$0x183F0] =	vst v2;
	s0 =	sadd.s32 s2, s31  }
0x101: {  	[hbm4b:s0+s21] =	stream.strided.scatter [tilespmem:s3], [sflag:$0x3], $0x400, s22, s21, $0x38;
	[tilespmem:$0x18400] =	vst v63  }
0x102: {  	s7 =	simm.s32 $0x8400;
	s8 =	sadd.s32 $0x20, s0  }
0x103: {  	[hbm4b:s8+s21] =	stream.strided.scatter [tilespmem:s7], [sflag:$0x3], $0x400, s22, s21, $0x38;
	[tilespmem:$0x18400] =	vst v63  }
0x104: {  	s14 =	simm.s32 $0x8800;
	s13 =	sadd.s32 $0x400, s0  }
0x105: {  	[hbm4b:s13+s21] =	stream.strided.scatter [tilespmem:s14], [sflag:$0x3], $0x400, s22, s21, $0x38;
	[tilespmem:$0x18400] =	vst v63  }
0x106: {  	s7 =	sadd.s32 $0x420, s0;
	s8 =	simm.s32 $0x8C00  }
0x107: {  	[hbm4b:s7+s21] =	stream.strided.scatter [tilespmem:s8], [sflag:$0x3], $0x400, s22, s21, $0x38;
	[tilespmem:$0x18400] =	vst v63  }
0x108: {  	s13 =	sadd.s32 $0x800, s0;
	s14 =	simm.s32 $0x9000  }
0x109: {  	[hbm4b:s13+s21] =	stream.strided.scatter [tilespmem:s14], [sflag:$0x3], $0x400, s22, s21, $0x38;
	[tilespmem:$0x18400] =	vst v63  }
0x10a: {  	s7 =	sadd.s32 $0x820, s0;
	s8 =	simm.s32 $0x9400  }
0x10b: {  	[hbm4b:s7+s21] =	stream.strided.scatter [tilespmem:s8], [sflag:$0x3], $0x400, s22, s21, $0x38;
	[tilespmem:$0x18400] =	vst v63  }
0x10c: {  	s13 =	sadd.s32 $0xC00, s0;
	s14 =	simm.s32 $0x9800  }
0x10d: {  	[hbm4b:s13+s21] =	stream.strided.scatter [tilespmem:s14], [sflag:$0x3], $0x400, s22, s21, $0x38;
	[tilespmem:$0x18400] =	vst v63  }
0x10e: {  	s7 =	sadd.s32 $0xC20, s0;
	s8 =	simm.s32 $0x9C00  }
0x10f: {  	[hbm4b:s7+s21] =	stream.strided.scatter [tilespmem:s8], [sflag:$0x3], $0x400, s22, s21, $0x38;
	[tilespmem:$0x18400] =	vst v63  }
0x110: {  	s13 =	sadd.s32 $0x1000, s0;
	s14 =	simm.s32 $0xA000  }
0x111: {  	[hbm4b:s13+s21] =	stream.strided.scatter [tilespmem:s14], [sflag:$0x3], $0x400, s22, s21, $0x38;
	[tilespmem:$0x18400] =	vst v63  }
0x112: {  	s7 =	sadd.s32 $0x1020, s0;
	s8 =	simm.s32 $0xA400  }
0x113: {  	[hbm4b:s7+s21] =	stream.strided.scatter [tilespmem:s8], [sflag:$0x3], $0x400, s22, s21, $0x38;
	[tilespmem:$0x18400] =	vst v63  }
0x114: {  	s13 =	sadd.s32 $0x1400, s0;
	s14 =	simm.s32 $0xA800  }
0x115: {  	[hbm4b:s13+s21] =	stream.strided.scatter [tilespmem:s14], [sflag:$0x3], $0x400, s22, s21, $0x38;
	[tilespmem:$0x18400] =	vst v63  }
0x116: {  	s7 =	sadd.s32 $0x1420, s0;
	s8 =	simm.s32 $0xAC00  }
0x117: {  	[hbm4b:s7+s21] =	stream.strided.scatter [tilespmem:s8], [sflag:$0x3], $0x400, s22, s21, $0x38;
	[tilespmem:$0x18400] =	vst v63  }
0x118: {  	s13 =	sadd.s32 $0x1800, s0;
	s14 =	simm.s32 $0xB000  }
0x119: {  	[hbm4b:s13+s21] =	stream.strided.scatter [tilespmem:s14], [sflag:$0x3], $0x400, s22, s21, $0x38;
	[tilespmem:$0x18400] =	vst v63  }
0x11a: {  	s7 =	sadd.s32 $0x1820, s0;
	s8 =	simm.s32 $0xB400  }
0x11b: {  	[hbm4b:s7+s21] =	stream.strided.scatter [tilespmem:s8], [sflag:$0x3], $0x400, s22, s21, $0x38;
	[tilespmem:$0x18400] =	vst v63  }
0x11c: {  	s13 =	sadd.s32 $0x1C00, s0;
	s14 =	simm.s32 $0xB800  }
0x11d: {  	[hbm4b:s13+s21] =	stream.strided.scatter [tilespmem:s14], [sflag:$0x3], $0x400, s22, s21, $0x38;
	[tilespmem:$0x18400] =	vst v63  }
0x11e: {  	s0 =	sadd.s32 $0x1C20, s0;
	s7 =	simm.s32 $0xBC00  }
0x11f: {  	[hbm4b:s0+s21] =	stream.strided.scatter [tilespmem:s7], [sflag:$0x3], $0x400, s22, s21, $0x38;
	[tilespmem:$0x18400] =	vst v63  }
0x120: {  	s8 =	simm.s32 $0xC000;
	s0 =	sadd.s32 s31, s10  }
0x121: {  	[hbm4b:s0+s21] =	stream.strided.scatter [tilespmem:s8], [sflag:$0x3], $0x400, s22, s21, $0x38;
	[tilespmem:$0x18400] =	vst v63  }
0x122: {  	s14 =	simm.s32 $0xC400;
	s13 =	sadd.s32 $0x20, s0  }
0x123: {  	[hbm4b:s13+s21] =	stream.strided.scatter [tilespmem:s14], [sflag:$0x3], $0x400, s22, s21, $0x38;
	[tilespmem:$0x18400] =	vst v63  }
0x124: {  	s7 =	sadd.s32 $0x400, s0;
	s8 =	simm.s32 $0xC800  }
0x125: {  	[hbm4b:s7+s21] =	stream.strided.scatter [tilespmem:s8], [sflag:$0x3], $0x400, s22, s21, $0x38;
	[tilespmem:$0x18400] =	vst v63  }
0x126: {  	s13 =	sadd.s32 $0x420, s0;
	s14 =	simm.s32 $0xCC00  }
0x127: {  	[hbm4b:s13+s21] =	stream.strided.scatter [tilespmem:s14], [sflag:$0x3], $0x400, s22, s21, $0x38;
	[tilespmem:$0x18400] =	vst v63  }
0x128: {  	s7 =	sadd.s32 $0x800, s0;
	s8 =	simm.s32 $0xD000  }
0x129: {  	[hbm4b:s7+s21] =	stream.strided.scatter [tilespmem:s8], [sflag:$0x3], $0x400, s22, s21, $0x38;
	[tilespmem:$0x18400] =	vst v63  }
0x12a: {  	s13 =	sadd.s32 $0x820, s0;
	s14 =	simm.s32 $0xD400  }
0x12b: {  	[hbm4b:s13+s21] =	stream.strided.scatter [tilespmem:s14], [sflag:$0x3], $0x400, s22, s21, $0x38;
	[tilespmem:$0x18400] =	vst v63  }
0x12c: {  	s7 =	sadd.s32 $0xC00, s0;
	s8 =	simm.s32 $0xD800  }
0x12d: {  	[hbm4b:s7+s21] =	stream.strided.scatter [tilespmem:s8], [sflag:$0x3], $0x400, s22, s21, $0x38;
	[tilespmem:$0x18400] =	vst v63  }
0x12e: {  	s13 =	sadd.s32 $0xC20, s0;
	s14 =	simm.s32 $0xDC00  }
0x12f: {  	[hbm4b:s13+s21] =	stream.strided.scatter [tilespmem:s14], [sflag:$0x3], $0x400, s22, s21, $0x38;
	[tilespmem:$0x18400] =	vst v63  }
0x130: {  	s7 =	sadd.s32 $0x1000, s0;
	s8 =	simm.s32 $0xE000  }
0x131: {  	[hbm4b:s7+s21] =	stream.strided.scatter [tilespmem:s8], [sflag:$0x3], $0x400, s22, s21, $0x38;
	[tilespmem:$0x18400] =	vst v63  }
0x132: {  	s13 =	sadd.s32 $0x1020, s0;
	s14 =	simm.s32 $0xE400  }
0x133: {  	[hbm4b:s13+s21] =	stream.strided.scatter [tilespmem:s14], [sflag:$0x3], $0x400, s22, s21, $0x38;
	[tilespmem:$0x18400] =	vst v63  }
0x134: {  	s7 =	sadd.s32 $0x1400, s0;
	s8 =	simm.s32 $0xE800  }
0x135: {  	[hbm4b:s7+s21] =	stream.strided.scatter [tilespmem:s8], [sflag:$0x3], $0x400, s22, s21, $0x38;
	[tilespmem:$0x18400] =	vst v63  }
0x136: {  	s13 =	sadd.s32 $0x1420, s0;
	s14 =	simm.s32 $0xEC00  }
0x137: {  	[hbm4b:s13+s21] =	stream.strided.scatter [tilespmem:s14], [sflag:$0x3], $0x400, s22, s21, $0x38;
	[tilespmem:$0x18400] =	vst v63  }
0x138: {  	s7 =	sadd.s32 $0x1800, s0;
	s8 =	simm.s32 $0xF000  }
0x139: {  	[hbm4b:s7+s21] =	stream.strided.scatter [tilespmem:s8], [sflag:$0x3], $0x400, s22, s21, $0x38;
	[tilespmem:$0x18400] =	vst v63  }
0x13a: {  	p1 =	sne.s32 s29, $0xF;
	s13 =	sadd.s32 $0x1820, s0;
	s14 =	simm.s32 $0xF400  }
0x13b: {  	[hbm4b:s13+s21] =	stream.strided.scatter [tilespmem:s14], [sflag:$0x3], $0x400, s22, s21, $0x38;
	[tilespmem:$0x18400] =	vst v63  }
.Ltmp4:
0x13c: {  	_ = 	snop;
	(pc) =	sbr.rel @p1 .LBB2_8-.Ltmp4, $4  }
0x13d: {  	s8 =	sadd.s32 $0x1C00, s0;
	s13 =	simm.s32 $0xF800  }
0x13e: {  	[hbm4b:s8+s21] =	stream.strided.scatter [tilespmem:s13], [sflag:$0x3], $0x400, s22, s21, $0x38;
	[tilespmem:$0x18400] =	vst v63  }
0x13f: {  	s0 =	sadd.s32 $0x1C20, s0;
	s14 =	simm.s32 $0xFC00  }
0x140: {  	[hbm4b:s0+s21] =	stream.strided.scatter [tilespmem:s14], [sflag:$0x3], $0x400, s22, s21, $0x38;
	[tilespmem:$0x18400] =	vst v63  }
.Ltmp5:
0x141: {  	(pc) =	sbr.rel .LBB2_9-.Ltmp5, $4  }
0x142: {  	_ = 	snop  }
0x143: {  	_ =	swait.ge [sflag:s16], $0x4000  }
0x144: {  	[sflag:s16] =	ssyncset.done $0x0  }
0x145: {  	[sflag:s16] =	ssyncadd.s32 $0xFFFFC000  }
.LBB2_8:
0x146: {  	s0 =	rddreg [dreg:$0x9]  }
0x147: {  	s0 =	sadd.s32 s30, s0  }
0x148: {  	s0 =	sshrl.u32 s0, $0x3  }
.Ltmp6:
0x149: {  	s3 =	simm.s32 $0x0;
	s0 =	sadd.s32 s1, s0;
	(pc) =	sbr.rel @p0 .LBB2_10-.Ltmp6, $4  }
0x14a: {  	[tilespmem:s3], [sflag:$0x1] =	stream.strided.gather [hbm4b:s0+s17], $0x4000, s18, s17, $0x38;
	[tilespmem:$0x18400] =	vst v63  }
0x14b: {  	_ =	swait.ge [sflag:s16], $0x4000  }
0x14c: {  	[sflag:s16] =	ssyncset.done $0x0  }
0x14d: {  	[sflag:s16] =	ssyncadd.s32 $0xFFFFC000  }
.LBB2_9:
0x14e: {  	_ =	swait.ge [sflag:s5], $0x4000  }
0x14f: {  	[sflag:s5] =	ssyncset.done $0x0  }
0x150: {  	[sflag:s5] =	ssyncadd.s32 $0xFFFFC000  }
0x151: {  	_ =	swait.ge [sflag:s5], $0x4000  }
0x152: {  	[sflag:s5] =	ssyncset.done $0x0  }
0x153: {  	[sflag:s5] =	ssyncadd.s32 $0xFFFFC000  }
.LBB2_10:
0x154: {  	v23 =	vld [tilespmem:$0x18200]  }
0x155: {  	v22 =	vld [tilespmem:$0x18210]  }
0x156: {  	v19 =	vld [tilespmem:$0x18220]  }
0x157: {  	v18 =	vld [tilespmem:$0x18240]  }
0x158: {  	v33 =	vld [tilespmem:$0x18250]  }
0x159: {  	v26 =	vld [tilespmem:$0x18260]  }
0x15a: {  	v2 =	vld [tilespmem:$0x18270]  }
0x15b: {  	v29 =	vld [tilespmem:$0x18280]  }
0x15c: {  	v25 =	vld [tilespmem:$0x18290]  }
0x15d: {  	v28 =	vld [tilespmem:$0x182A0]  }
0x15e: {  	v30 =	vld [tilespmem:$0x182B0]  }
0x15f: {  	v31 =	vld [tilespmem:$0x182C0]  }
0x160: {  	v37 =	vld [tilespmem:$0x182D0]  }
0x161: {  	v34 =	vld [tilespmem:$0x182E0]  }
0x162: {  	v32 =	vld [tilespmem:$0x182F0]  }
0x163: {  	v1 =	vld [tilespmem:$0x18000]  }
0x164: {  	v4 =	vld [tilespmem:$0x18020]  }
0x165: {  	v7 =	vld [tilespmem:$0x18060]  }
0x166: {  	v8 =	vld [tilespmem:$0x18110]  }
0x167: {  	v9 =	vld [tilespmem:$0x18140]  }
0x168: {  	v10 =	vld [tilespmem:$0x18130]  }
0x169: {  	v11 =	vld [tilespmem:$0x18070]  }
0x16a: {  	v12 =	vld [tilespmem:$0x18100]  }
0x16b: {  	v13 =	vld [tilespmem:$0x18170]  }
0x16c: {  	v14 =	vld [tilespmem:$0x18050];
	v35 =	vmul.f32 v25, v8  }
0x16d: {  	v15 =	vld [tilespmem:$0x18150];
	v36 =	vmul.f32 v31, v9;
	v38 =	vmul.f32 v28, v4  }
0x16e: {  	v16 =	vld [tilespmem:$0x18120];
	v39 =	vmul.f32 v30, v10;
	v40 =	vmul.f32 v23, v1  }
0x16f: {  	v6 =	vld [tilespmem:$0x18040];
	v21 =	vmul.f32 v34, v7;
	v41 =	vmul.f32 v29, v12  }
0x170: {  	v3 =	vld [tilespmem:$0x18010];
	v42 =	vmul.f32 v32, v11;
	v44 =	vmul.f32 v19, v4  }
0x171: {  	v5 =	vld [tilespmem:$0x18030];
	v45 =	vmul.f32 v2, v13;
	v46 =	vmul.f32 v33, v14  }
0x172: {  	v24 =	vld [tilespmem:$0x18230];
	v47 =	vmul.f32 v2, v11;
	v53 =	vmul.f32 v37, v15  }
0x173: {  	s0 =	simm.s32 $0x0;
	v48 =	vmul.f32 v26, v7;
	v28 =	vmul.f32 v28, v16  }
0x174: {  	s3 =	sand.u32 $0x3800, s0;
	s0 =	sand.u32 $0x380, s0;
	v55 =	vmul.f32 v18, v6;
	v31 =	vmul.f32 v31, v6  }
0x175: {  	v17 =	vld [tilespmem:$0x18160];
	s0 =	sor.u32 s0, s3;
	v32 =	vmul.f32 v32, v13;
	v56 =	vmul.f32 v22, v3  }
0x176: {  	v54 =	vld [tilespmem:s0+$0x4040];
	v18 =	vmul.f32 v18, v9;
	v51 =	vmul.f32 v30, v5  }
0x177: {  	v49 =	vld [tilespmem:s0+$0x4000];
	v59 =	vmul.f32 v24, v10;
	v60 =	vmul.f32 v19, v16;
	v40 =	vsub.f32 v40, v41  }
0x178: {  	v43 =	vld [tilespmem:s0+$0x4070];
	v61 =	vmul.f32 v24, v5;
	v2 =	vadd.f32 v42, v45;
	v41 =	vsub.f32 v46, v53  }
0x179: {  	v24 =	vmul.f32 v25, v3;
	v30 =	vsub.f32 v55, v36;
	v18 =	vadd.f32 v31, v18  }
0x17a: {  	v50 =	vld [tilespmem:s0+$0x4020];
	v63 =	vmul.f32 v29, v1;
	v44 =	vsub.f32 v44, v28;
	v29 =	vadd.f32 v51, v59;
	[tilespmem:s0+$0x14070] =	vst v2  }
0x17b: {  	v58 =	vld [tilespmem:s0+$0x4050];
	v62 =	vmul.f32 v22, v8;
	v57 =	vsub.f32 v47, v32;
	v19 =	vadd.f32 v54, v30;
	[tilespmem:s0+$0x14040] =	vst v18  }
0x17c: {  	v23 =	vmul.f32 v23, v12;
	v32 =	vsub.f32 v56, v35;
	v31 =	vadd.f32 v49, v40;
	[tilespmem:s0+$0x14030] =	vst v29  }
0x17d: {  	v34 =	vmul.f32 v34, v17;
	v24 =	vadd.f32 v24, v62;
	v25 =	vadd.f32 v43, v57;
	[tilespmem:s0+$0x10040] =	vst v19  }
0x17e: {  	v27 =	vld [tilespmem:s0+$0x4060];
	v36 =	vmul.f32 v26, v17;
	v26 =	vadd.f32 v63, v23;
	v30 =	vadd.f32 v38, v60;
	[tilespmem:s0+$0x10000] =	vst v31  }
0x17f: {  	v28 =	vld [tilespmem:s0+$0x4030];
	v35 =	vmul.f32 v33, v15;
	v33 =	vsub.f32 v48, v34;
	v34 =	vsub.f32 v61, v39;
	[tilespmem:s0+$0x10070] =	vst v25  }
0x180: {  	s14 =	simm.s32 $0x100;
	s3 =	simm.s32 $0x80;
	v20 =	vld [tilespmem:s0+$0x4010];
	v37 =	vmul.f32 v37, v14;
	v22 =	vadd.f32 v50, v44;
	v23 =	vadd.f32 v58, v41;
	[tilespmem:s0+$0x14020] =	vst v30  }
.LBB2_11:
0x181: {  	v38 =	vmul.f32 v24, v8;
	s7 =	smov.u32 s14  }
0x182: {  	s8 =	sand.u32 $0x3800, s14;
	s13 =	sand.u32 $0x380, s3;
	v39 =	vmul.f32 v18, v9;
	[tilespmem:s0+$0x14000] =	vst v26;
	v36 =	vadd.f32 v21, v36;
	v40 =	vmovc v2;
	v41 =	vmov v31;
	s7 =	sadd.s32 $0x100, s14  }
0x183: {  	v42 =	vmul.f32 v30, v4;
	v43 =	vmul.f32 v29, v10;
	p0 =	sne.s32 s14, $0x3F00;
	s8 =	sor.u32 s13, s8;
	v37 =	vadd.f32 v37, v35;
	[tilespmem:s0+$0x10050] =	vst v23  }
0x184: {  	v31 =	vmul.f32 v31, v1;
	v34 =	vadd.f32 v28, v34;
	v21 =	vmul.f32 v36, v7;
	v35 =	vld [tilespmem:s8+$0x4070];
	[tilespmem:s0+$0x10020] =	vst v22  }
0x185: {  	v2 =	vmul.f32 v2, v11;
	v45 =	vadd.f32 v20, v32;
	v28 =	vmul.f32 v26, v12;
	v44 =	vld [tilespmem:s8+$0x4060];
	[tilespmem:s0+$0x14060] =	vst v36  }
0x186: {  	v32 =	vmul.f32 v22, v4;
	v46 =	vmul.f32 v25, v13;
	v33 =	vadd.f32 v27, v33;
	v20 =	vld [tilespmem:s8+$0x4010];
	[tilespmem:s0+$0x14050] =	vst v37  }
0x187: {  	v25 =	vmul.f32 v25, v11;
	v27 =	vmul.f32 v23, v14;
	v31 =	vsub.f32 v31, v28;
	v28 =	vld [tilespmem:s8+$0x4030];
	[tilespmem:s0+$0x10010] =	vst v45  }
0x188: {  	v49 =	vmul.f32 v33, v7;
	v2 =	vadd.f32 v2, v46;
	v48 =	vmul.f32 v37, v15;
	v47 =	vld [tilespmem:s8+$0x4050];
	[tilespmem:s0+$0x14010] =	vst v24  }
0x189: {  	v30 =	vmul.f32 v30, v16;
	v50 =	vmul.f32 v19, v6;
	v46 =	vld [tilespmem:s8+$0x4040];
	[tilespmem:s0+$0x10030] =	vst v34  }
0x18a: {  	v18 =	vmul.f32 v18, v6;
	v53 =	vmul.f32 v40, v13;
	v48 =	vsub.f32 v27, v48;
	v51 =	vld [tilespmem:s8+$0x4000];
	[tilespmem:s0+$0x10060] =	vst v33;
	s0 =	smov.u32 s8  }
0x18b: {  	v19 =	vmul.f32 v19, v9;
	v40 =	vmul.f32 v45, v3;
	v30 =	vsub.f32 v32, v30;
	v52 =	vld [tilespmem:s0+$0x4020];
	[tilespmem:s0+$0x14070] =	vst v2  }
0x18c: {  	v29 =	vmul.f32 v29, v5;
	v39 =	vsub.f32 v50, v39;
	v25 =	vsub.f32 v25, v53;
	v27 =	vmovc v44  }
0x18d: {  	v18 =	vadd.f32 v18, v19;
	v32 =	vsub.f32 v40, v38;
	v38 =	vmul.f32 v34, v10  }
0x18e: {  	v40 =	vmul.f32 v22, v16;
	v34 =	vmul.f32 v34, v5;
	v19 =	vadd.f32 v46, v39  }
0x18f: {  	v24 =	vmul.f32 v24, v3;
	v39 =	vmul.f32 v36, v17;
	v31 =	vadd.f32 v51, v31;
	[tilespmem:s0+$0x14040] =	vst v18  }
.Ltmp7:
0x190: {  	v25 =	vadd.f32 v35, v25;
	v36 =	vmul.f32 v45, v8;
	v22 =	vadd.f32 v52, v30;
	[tilespmem:s0+$0x10040] =	vst v19;
	(pc) =	sbr.rel @p0 .LBB2_11-.Ltmp7, $4  }
0x191: {  	v26 =	vmul.f32 v26, v1;
	v35 =	vmul.f32 v41, v12;
	v30 =	vadd.f32 v42, v40;
	[tilespmem:s0+$0x10000] =	vst v31  }
0x192: {  	v29 =	vadd.f32 v29, v38;
	v24 =	vadd.f32 v24, v36;
	v36 =	vmul.f32 v33, v17;
	[tilespmem:s0+$0x10070] =	vst v25  }
0x193: {  	v26 =	vadd.f32 v26, v35;
	v35 =	vmul.f32 v23, v15;
	v33 =	vsub.f32 v49, v39;
	[tilespmem:s0+$0x14020] =	vst v30  }
0x194: {  	s3 =	sadd.s32 $0x80, s3;
	s14 =	smov.u32 s7;
	v37 =	vmul.f32 v37, v14;
	v34 =	vsub.f32 v34, v43;
	v23 =	vadd.f32 v47, v48;
	[tilespmem:s0+$0x14030] =	vst v29  }
0x195: {  	[tilespmem:s0+$0x14000] =	vst v26  }
0x196: {  	[tilespmem:s0+$0x10020] =	vst v22  }
0x197: {  	v15 =	vadd.f32 v21, v36;
	[tilespmem:s0+$0x14010] =	vst v24  }
0x198: {  	v4 =	vadd.f32 v20, v32;
	[tilespmem:s0+$0x10050] =	vst v23  }
0x199: {  	v14 =	vadd.f32 v27, v33;
	[tilespmem:s0+$0x14060] =	vst v15  }
0x19a: {  	v13 =	vadd.f32 v37, v35;
	[tilespmem:s0+$0x10010] =	vst v4  }
0x19b: {  	v8 =	vadd.f32 v28, v34;
	[tilespmem:s0+$0x10060] =	vst v14  }
0x19c: {  	[tilespmem:s0+$0x14050] =	vst v13  }
0x19d: {  	[tilespmem:s0+$0x10030] =	vst v8  }
0x19e: {  	v27 =	vld [tilespmem:$0x18300]  }
0x19f: {  	v28 =	vld [tilespmem:$0x18310]  }
0x1a0: {  	v21 =	vld [tilespmem:$0x18320]  }
0x1a1: {  	v20 =	vld [tilespmem:$0x18340]  }
0x1a2: {  	v33 =	vld [tilespmem:$0x18350]  }
0x1a3: {  	v17 =	vld [tilespmem:$0x18370]  }
0x1a4: {  	v54 =	vld [tilespmem:$0x18380]  }
0x1a5: {  	v55 =	vld [tilespmem:$0x18390]  }
0x1a6: {  	v56 =	vld [tilespmem:$0x183A0]  }
0x1a7: {  	v38 =	vld [tilespmem:$0x183B0]  }
0x1a8: {  	v39 =	vld [tilespmem:$0x183C0]  }
0x1a9: {  	v41 =	vld [tilespmem:$0x183E0]  }
0x1aa: {  	v42 =	vld [tilespmem:$0x183F0]  }
0x1ab: {  	v1 =	vld [tilespmem:$0x18080]  }
0x1ac: {  	[tilespmem:$0x18210] =	vst v4;
	v4 =	vld [tilespmem:$0x180A0]  }
0x1ad: {  	v7 =	vld [tilespmem:$0x180E0]  }
0x1ae: {  	[tilespmem:$0x18230] =	vst v8;
	v8 =	vld [tilespmem:$0x18190]  }
0x1af: {  	[tilespmem:$0x18200] =	vst v31;
	v9 =	vld [tilespmem:$0x181C0]  }
0x1b0: {  	[tilespmem:$0x18280] =	vst v26;
	v10 =	vld [tilespmem:$0x181B0]  }
0x1b1: {  	[tilespmem:$0x18290] =	vst v24;
	v11 =	vld [tilespmem:$0x180F0]  }
0x1b2: {  	[tilespmem:$0x182A0] =	vst v30;
	v12 =	vld [tilespmem:$0x18180]  }
0x1b3: {  	[tilespmem:$0x182D0] =	vst v13;
	v13 =	vld [tilespmem:$0x181F0]  }
0x1b4: {  	[tilespmem:$0x18260] =	vst v14;
	v14 =	vld [tilespmem:$0x180D0];
	v24 =	vmul.f32 v55, v8  }
0x1b5: {  	v34 =	vld [tilespmem:$0x18360];
	[tilespmem:$0x18240] =	vst v19;
	v26 =	vmul.f32 v39, v9;
	v31 =	vmul.f32 v56, v4  }
0x1b6: {  	v6 =	vld [tilespmem:$0x180C0];
	[tilespmem:$0x18250] =	vst v23;
	v43 =	vmul.f32 v38, v10;
	v23 =	vmul.f32 v27, v1  }
0x1b7: {  	v3 =	vld [tilespmem:$0x18090];
	[tilespmem:$0x18270] =	vst v25;
	v19 =	vmul.f32 v41, v7;
	v25 =	vmul.f32 v54, v12  }
0x1b8: {  	v5 =	vld [tilespmem:$0x180B0];
	[tilespmem:$0x182B0] =	vst v29;
	v29 =	vmul.f32 v42, v11;
	v30 =	vmul.f32 v21, v4  }
0x1b9: {  	v16 =	vld [tilespmem:$0x181A0];
	v45 =	vmul.f32 v17, v13;
	v46 =	vmul.f32 v33, v14  }
0x1ba: {  	v40 =	vld [tilespmem:$0x183D0];
	[tilespmem:$0x18220] =	vst v22;
	v47 =	vmul.f32 v17, v11;
	v48 =	vmul.f32 v34, v7  }
0x1bb: {  	s14 =	simm.s32 $0x0;
	[tilespmem:$0x182E0] =	vst v15;
	v15 =	vld [tilespmem:$0x181D0];
	v58 =	vmul.f32 v20, v6;
	v39 =	vmul.f32 v39, v6  }
0x1bc: {  	s3 =	sand.u32 $0x3800, s14;
	s0 =	sand.u32 $0x380, s14;
	v63 =	vld [tilespmem:$0x18330];
	[tilespmem:$0x182C0] =	vst v18;
	v42 =	vmul.f32 v42, v13;
	v50 =	vmul.f32 v28, v3  }
0x1bd: {  	[tilespmem:$0x182F0] =	vst v2;
	v2 =	vld [tilespmem:$0x181E0];
	s0 =	sor.u32 s0, s3;
	v20 =	vmul.f32 v20, v9;
	v38 =	vmul.f32 v38, v5  }
0x1be: {  	v57 =	vld [tilespmem:s0+$0x4440];
	v61 =	vmul.f32 v21, v16;
	v27 =	vmul.f32 v27, v12  }
0x1bf: {  	v49 =	vld [tilespmem:s0+$0x4400];
	v35 =	vmul.f32 v54, v1;
	v25 =	vsub.f32 v23, v25;
	v17 =	vadd.f32 v29, v45  }
0x1c0: {  	v44 =	vld [tilespmem:s0+$0x4470];
	v23 =	vmul.f32 v40, v15;
	v26 =	vsub.f32 v58, v26;
	v42 =	vsub.f32 v47, v42  }
0x1c1: {  	v51 =	vld [tilespmem:s0+$0x4420];
	v29 =	vmul.f32 v56, v16;
	v20 =	vadd.f32 v39, v20;
	v31 =	vadd.f32 v31, v61  }
0x1c2: {  	v60 =	vmul.f32 v63, v10;
	v27 =	vadd.f32 v35, v27;
	v46 =	vsub.f32 v46, v23;
	[tilespmem:s0+$0x14470] =	vst v17  }
0x1c3: {  	v59 =	vld [tilespmem:s0+$0x4450];
	v62 =	vmul.f32 v63, v5;
	v29 =	vsub.f32 v30, v29;
	v21 =	vadd.f32 v57, v26;
	[tilespmem:s0+$0x14440] =	vst v20  }
0x1c4: {  	v63 =	vmul.f32 v41, v2;
	v30 =	vsub.f32 v50, v24;
	v32 =	vadd.f32 v49, v25;
	[tilespmem:s0+$0x14420] =	vst v31  }
0x1c5: {  	v25 =	vmul.f32 v55, v3;
	v26 =	vmul.f32 v28, v8;
	v28 =	vadd.f32 v38, v60;
	[tilespmem:s0+$0x10440] =	vst v21  }
0x1c6: {  	v22 =	vld [tilespmem:s0+$0x4460];
	v36 =	vmul.f32 v34, v2;
	v24 =	vadd.f32 v51, v29;
	v29 =	vadd.f32 v44, v42;
	[tilespmem:s0+$0x10400] =	vst v32  }
0x1c7: {  	v35 =	vmul.f32 v33, v15;
	v33 =	vsub.f32 v48, v63;
	v23 =	vld [tilespmem:s0+$0x4430];
	v26 =	vadd.f32 v25, v26;
	[tilespmem:s0+$0x14430] =	vst v28  }
0x1c8: {  	s7 =	simm.s32 $0x100;
	s3 =	simm.s32 $0x80;
	v18 =	vld [tilespmem:s0+$0x4410];
	v37 =	vmul.f32 v40, v14;
	v34 =	vsub.f32 v62, v43;
	v25 =	vadd.f32 v59, v46;
	[tilespmem:s0+$0x10470] =	vst v29  }
.LBB2_13:
0x1c9: {  	v38 =	vmul.f32 v26, v8;
	s14 =	smov.u32 s7  }
0x1ca: {  	s8 =	sand.u32 $0x3800, s7;
	s13 =	sand.u32 $0x380, s3;
	v39 =	vmul.f32 v20, v9;
	[tilespmem:s0+$0x14400] =	vst v27;
	v36 =	vadd.f32 v19, v36;
	v40 =	vmovc v17;
	v41 =	vmov v32;
	s14 =	sadd.s32 $0x100, s7  }
0x1cb: {  	v42 =	vmul.f32 v31, v4;
	v43 =	vmul.f32 v28, v10;
	p0 =	sne.s32 s7, $0x3F00;
	s8 =	sor.u32 s13, s8;
	v37 =	vadd.f32 v37, v35;
	[tilespmem:s0+$0x10450] =	vst v25  }
0x1cc: {  	v32 =	vmul.f32 v32, v1;
	v34 =	vadd.f32 v23, v34;
	v19 =	vmul.f32 v36, v7;
	v35 =	vld [tilespmem:s8+$0x4470];
	[tilespmem:s0+$0x10420] =	vst v24  }
0x1cd: {  	v17 =	vmul.f32 v17, v11;
	v45 =	vadd.f32 v18, v30;
	v23 =	vmul.f32 v27, v12;
	v44 =	vld [tilespmem:s8+$0x4460];
	[tilespmem:s0+$0x14460] =	vst v36  }
0x1ce: {  	v30 =	vmul.f32 v24, v4;
	v46 =	vmul.f32 v29, v13;
	v33 =	vadd.f32 v22, v33;
	v18 =	vld [tilespmem:s8+$0x4410];
	[tilespmem:s0+$0x14450] =	vst v37  }
0x1cf: {  	v29 =	vmul.f32 v29, v11;
	v22 =	vmul.f32 v25, v14;
	v32 =	vsub.f32 v32, v23;
	v23 =	vld [tilespmem:s8+$0x4430];
	[tilespmem:s0+$0x10410] =	vst v45  }
0x1d0: {  	v49 =	vmul.f32 v33, v7;
	v17 =	vadd.f32 v17, v46;
	v48 =	vmul.f32 v37, v15;
	v47 =	vld [tilespmem:s8+$0x4450];
	[tilespmem:s0+$0x14410] =	vst v26  }
0x1d1: {  	v31 =	vmul.f32 v31, v16;
	v50 =	vmul.f32 v21, v6;
	v46 =	vld [tilespmem:s8+$0x4440];
	[tilespmem:s0+$0x10430] =	vst v34  }
0x1d2: {  	v20 =	vmul.f32 v20, v6;
	v53 =	vmul.f32 v40, v13;
	v48 =	vsub.f32 v22, v48;
	v51 =	vld [tilespmem:s8+$0x4400];
	[tilespmem:s0+$0x10460] =	vst v33;
	s0 =	smov.u32 s8  }
0x1d3: {  	v21 =	vmul.f32 v21, v9;
	v40 =	vmul.f32 v45, v3;
	v31 =	vsub.f32 v30, v31;
	v52 =	vld [tilespmem:s0+$0x4420];
	[tilespmem:s0+$0x14470] =	vst v17  }
0x1d4: {  	v28 =	vmul.f32 v28, v5;
	v39 =	vsub.f32 v50, v39;
	v29 =	vsub.f32 v29, v53;
	v22 =	vmovc v44  }
0x1d5: {  	v20 =	vadd.f32 v20, v21;
	v30 =	vsub.f32 v40, v38;
	v38 =	vmul.f32 v34, v10  }
0x1d6: {  	v40 =	vmul.f32 v24, v16;
	v34 =	vmul.f32 v34, v5;
	v21 =	vadd.f32 v46, v39  }
0x1d7: {  	v26 =	vmul.f32 v26, v3;
	v39 =	vmul.f32 v36, v2;
	v32 =	vadd.f32 v51, v32;
	[tilespmem:s0+$0x14440] =	vst v20  }
.Ltmp8:
0x1d8: {  	v29 =	vadd.f32 v35, v29;
	v36 =	vmul.f32 v45, v8;
	v24 =	vadd.f32 v52, v31;
	[tilespmem:s0+$0x10440] =	vst v21;
	(pc) =	sbr.rel @p0 .LBB2_13-.Ltmp8, $4  }
0x1d9: {  	v27 =	vmul.f32 v27, v1;
	v35 =	vmul.f32 v41, v12;
	v31 =	vadd.f32 v42, v40;
	[tilespmem:s0+$0x10400] =	vst v32  }
0x1da: {  	v28 =	vadd.f32 v28, v38;
	v26 =	vadd.f32 v26, v36;
	v36 =	vmul.f32 v33, v2;
	[tilespmem:s0+$0x10470] =	vst v29  }
0x1db: {  	v27 =	vadd.f32 v27, v35;
	v35 =	vmul.f32 v25, v15;
	v33 =	vsub.f32 v49, v39;
	[tilespmem:s0+$0x14420] =	vst v31  }
0x1dc: {  	s3 =	sadd.s32 $0x80, s3;
	s7 =	smov.u32 s14;
	v37 =	vmul.f32 v37, v14;
	v34 =	vsub.f32 v34, v43;
	v25 =	vadd.f32 v47, v48;
	[tilespmem:s0+$0x14430] =	vst v28  }
0x1dd: {  	[tilespmem:s0+$0x14400] =	vst v27  }
0x1de: {  	[tilespmem:s0+$0x10420] =	vst v24  }
0x1df: {  	v1 =	vadd.f32 v19, v36;
	[tilespmem:s0+$0x14410] =	vst v26  }
0x1e0: {  	v3 =	vadd.f32 v18, v30;
	[tilespmem:s0+$0x10450] =	vst v25  }
0x1e1: {  	v5 =	vadd.f32 v22, v33;
	[tilespmem:s0+$0x14460] =	vst v1  }
0x1e2: {  	v2 =	vadd.f32 v37, v35;
	[tilespmem:s0+$0x10410] =	vst v3  }
0x1e3: {  	v4 =	vadd.f32 v23, v34;
	[tilespmem:s0+$0x10460] =	vst v5  }
0x1e4: {  	[tilespmem:s0+$0x14450] =	vst v2  }
0x1e5: {  	[tilespmem:s0+$0x10430] =	vst v4  }
0x1e6: {  	[tilespmem:$0x18300] =	vst v32  }
0x1e7: {  	[tilespmem:$0x18380] =	vst v27  }
0x1e8: {  	[tilespmem:$0x18310] =	vst v3  }
0x1e9: {  	[tilespmem:$0x18390] =	vst v26  }
0x1ea: {  	[tilespmem:$0x18320] =	vst v24  }
0x1eb: {  	[tilespmem:$0x183A0] =	vst v31  }
0x1ec: {  	[tilespmem:$0x18330] =	vst v4  }
0x1ed: {  	[tilespmem:$0x183B0] =	vst v28  }
0x1ee: {  	[tilespmem:$0x18340] =	vst v21  }
0x1ef: {  	[tilespmem:$0x183C0] =	vst v20  }
0x1f0: {  	[tilespmem:$0x18350] =	vst v25  }
0x1f1: {  	[tilespmem:$0x183D0] =	vst v2  }
0x1f2: {  	[tilespmem:$0x18360] =	vst v5  }
0x1f3: {  	[tilespmem:$0x183E0] =	vst v1  }
0x1f4: {  	s0 =	sor.u32 $0x2000, s31;
	[tilespmem:$0x18370] =	vst v29  }
0x1f5: {  	s7 =	simm.s32 $0x10000;
	[tilespmem:$0x183F0] =	vst v17;
	s3 =	sadd.s32 s2, s0  }
0x1f6: {  	[hbm4b:s3+s21] =	stream.strided.scatter [tilespmem:s7], [sflag:$0x4], $0x400, s22, s21, $0x38;
	[tilespmem:$0x18400] =	vst v63  }
0x1f7: {  	s8 =	simm.s32 $0x10400;
	s13 =	sadd.s32 $0x20, s3  }
0x1f8: {  	[hbm4b:s13+s21] =	stream.strided.scatter [tilespmem:s8], [sflag:$0x4], $0x400, s22, s21, $0x38;
	[tilespmem:$0x18400] =	vst v63  }
0x1f9: {  	s31 =	simm.s32 $0x10800;
	s14 =	sadd.s32 $0x400, s3  }
0x1fa: {  	[hbm4b:s14+s21] =	stream.strided.scatter [tilespmem:s31], [sflag:$0x4], $0x400, s22, s21, $0x38;
	[tilespmem:$0x18400] =	vst v63  }
0x1fb: {  	s8 =	sadd.s32 $0x420, s3;
	s13 =	simm.s32 $0x10C00  }
0x1fc: {  	[hbm4b:s8+s21] =	stream.strided.scatter [tilespmem:s13], [sflag:$0x4], $0x400, s22, s21, $0x38;
	[tilespmem:$0x18400] =	vst v63  }
0x1fd: {  	s14 =	sadd.s32 $0x800, s3;
	s31 =	simm.s32 $0x11000  }
0x1fe: {  	[hbm4b:s14+s21] =	stream.strided.scatter [tilespmem:s31], [sflag:$0x4], $0x400, s22, s21, $0x38;
	[tilespmem:$0x18400] =	vst v63  }
0x1ff: {  	s8 =	sadd.s32 $0x820, s3;
	s13 =	simm.s32 $0x11400  }
0x200: {  	[hbm4b:s8+s21] =	stream.strided.scatter [tilespmem:s13], [sflag:$0x4], $0x400, s22, s21, $0x38;
	[tilespmem:$0x18400] =	vst v63  }
0x201: {  	s14 =	sadd.s32 $0xC00, s3;
	s31 =	simm.s32 $0x11800  }
0x202: {  	[hbm4b:s14+s21] =	stream.strided.scatter [tilespmem:s31], [sflag:$0x4], $0x400, s22, s21, $0x38;
	[tilespmem:$0x18400] =	vst v63  }
0x203: {  	s8 =	sadd.s32 $0xC20, s3;
	s13 =	simm.s32 $0x11C00  }
0x204: {  	[hbm4b:s8+s21] =	stream.strided.scatter [tilespmem:s13], [sflag:$0x4], $0x400, s22, s21, $0x38;
	[tilespmem:$0x18400] =	vst v63  }
0x205: {  	s14 =	sadd.s32 $0x1000, s3;
	s31 =	simm.s32 $0x12000  }
0x206: {  	[hbm4b:s14+s21] =	stream.strided.scatter [tilespmem:s31], [sflag:$0x4], $0x400, s22, s21, $0x38;
	[tilespmem:$0x18400] =	vst v63  }
0x207: {  	s8 =	sadd.s32 $0x1020, s3;
	s13 =	simm.s32 $0x12400  }
0x208: {  	[hbm4b:s8+s21] =	stream.strided.scatter [tilespmem:s13], [sflag:$0x4], $0x400, s22, s21, $0x38;
	[tilespmem:$0x18400] =	vst v63  }
0x209: {  	s14 =	sadd.s32 $0x1400, s3;
	s31 =	simm.s32 $0x12800  }
0x20a: {  	[hbm4b:s14+s21] =	stream.strided.scatter [tilespmem:s31], [sflag:$0x4], $0x400, s22, s21, $0x38;
	[tilespmem:$0x18400] =	vst v63  }
0x20b: {  	s8 =	sadd.s32 $0x1420, s3;
	s13 =	simm.s32 $0x12C00  }
0x20c: {  	[hbm4b:s8+s21] =	stream.strided.scatter [tilespmem:s13], [sflag:$0x4], $0x400, s22, s21, $0x38;
	[tilespmem:$0x18400] =	vst v63  }
0x20d: {  	s14 =	sadd.s32 $0x1800, s3;
	s31 =	simm.s32 $0x13000  }
0x20e: {  	[hbm4b:s14+s21] =	stream.strided.scatter [tilespmem:s31], [sflag:$0x4], $0x400, s22, s21, $0x38;
	[tilespmem:$0x18400] =	vst v63  }
0x20f: {  	s8 =	sadd.s32 $0x1820, s3;
	s13 =	simm.s32 $0x13400  }
0x210: {  	[hbm4b:s8+s21] =	stream.strided.scatter [tilespmem:s13], [sflag:$0x4], $0x400, s22, s21, $0x38;
	[tilespmem:$0x18400] =	vst v63  }
0x211: {  	s14 =	sadd.s32 $0x1C00, s3;
	s31 =	simm.s32 $0x13800  }
0x212: {  	[hbm4b:s14+s21] =	stream.strided.scatter [tilespmem:s31], [sflag:$0x4], $0x400, s22, s21, $0x38;
	[tilespmem:$0x18400] =	vst v63  }
0x213: {  	s3 =	sadd.s32 $0x1C20, s3;
	s8 =	simm.s32 $0x13C00  }
0x214: {  	[hbm4b:s3+s21] =	stream.strided.scatter [tilespmem:s8], [sflag:$0x4], $0x400, s22, s21, $0x38;
	[tilespmem:$0x18400] =	vst v63  }
0x215: {  	s0 =	sadd.s32 s0, s10;
	s13 =	simm.s32 $0x14000  }
0x216: {  	[hbm4b:s0+s21] =	stream.strided.scatter [tilespmem:s13], [sflag:$0x4], $0x400, s22, s21, $0x38;
	[tilespmem:$0x18400] =	vst v63  }
0x217: {  	s14 =	sadd.s32 $0x20, s0;
	s31 =	simm.s32 $0x14400  }
0x218: {  	[hbm4b:s14+s21] =	stream.strided.scatter [tilespmem:s31], [sflag:$0x4], $0x400, s22, s21, $0x38;
	[tilespmem:$0x18400] =	vst v63  }
0x219: {  	s8 =	sadd.s32 $0x400, s0;
	s13 =	simm.s32 $0x14800  }
0x21a: {  	[hbm4b:s8+s21] =	stream.strided.scatter [tilespmem:s13], [sflag:$0x4], $0x400, s22, s21, $0x38;
	[tilespmem:$0x18400] =	vst v63  }
0x21b: {  	s14 =	sadd.s32 $0x420, s0;
	s31 =	simm.s32 $0x14C00  }
0x21c: {  	[hbm4b:s14+s21] =	stream.strided.scatter [tilespmem:s31], [sflag:$0x4], $0x400, s22, s21, $0x38;
	[tilespmem:$0x18400] =	vst v63  }
0x21d: {  	s8 =	sadd.s32 $0x800, s0;
	s13 =	simm.s32 $0x15000  }
0x21e: {  	[hbm4b:s8+s21] =	stream.strided.scatter [tilespmem:s13], [sflag:$0x4], $0x400, s22, s21, $0x38;
	[tilespmem:$0x18400] =	vst v63  }
0x21f: {  	s14 =	sadd.s32 $0x820, s0;
	s31 =	simm.s32 $0x15400  }
0x220: {  	[hbm4b:s14+s21] =	stream.strided.scatter [tilespmem:s31], [sflag:$0x4], $0x400, s22, s21, $0x38;
	[tilespmem:$0x18400] =	vst v63  }
0x221: {  	s8 =	sadd.s32 $0xC00, s0  }
0x222: {  	[hbm4b:s8+s21] =	stream.strided.scatter [tilespmem:s6], [sflag:$0x4], $0x400, s22, s21, $0x38;
	[tilespmem:$0x18400] =	vst v63  }
0x223: {  	s13 =	sadd.s32 $0xC20, s0  }
0x224: {  	[hbm4b:s13+s21] =	stream.strided.scatter [tilespmem:s15], [sflag:$0x4], $0x400, s22, s21, $0x38;
	[tilespmem:$0x18400] =	vst v63  }
0x225: {  	s14 =	sadd.s32 $0x1000, s0  }
0x226: {  	[hbm4b:s14+s21] =	stream.strided.scatter [tilespmem:s4], [sflag:$0x4], $0x400, s22, s21, $0x38;
	[tilespmem:$0x18400] =	vst v63  }
0x227: {  	s31 =	sadd.s32 $0x1020, s0  }
0x228: {  	[hbm4b:s31+s21] =	stream.strided.scatter [tilespmem:s11], [sflag:$0x4], $0x400, s22, s21, $0x38;
	[tilespmem:$0x18400] =	vst v63  }
0x229: {  	s7 =	sadd.s32 $0x1400, s0  }
0x22a: {  	[hbm4b:s7+s21] =	stream.strided.scatter [tilespmem:s19], [sflag:$0x4], $0x400, s22, s21, $0x38;
	[tilespmem:$0x18400] =	vst v63  }
0x22b: {  	s8 =	sadd.s32 $0x1420, s0  }
0x22c: {  	[hbm4b:s8+s21] =	stream.strided.scatter [tilespmem:s23], [sflag:$0x4], $0x400, s22, s21, $0x38;
	[tilespmem:$0x18400] =	vst v63  }
0x22d: {  	s13 =	sadd.s32 $0x1800, s0  }
0x22e: {  	[hbm4b:s13+s21] =	stream.strided.scatter [tilespmem:s24], [sflag:$0x4], $0x400, s22, s21, $0x38;
	[tilespmem:$0x18400] =	vst v63  }
0x22f: {  	p0 =	seq.s32 s29, $0xF;
	s14 =	sadd.s32 $0x1820, s0  }
0x230: {  	[hbm4b:s14+s21] =	stream.strided.scatter [tilespmem:s25], [sflag:$0x4], $0x400, s22, s21, $0x38;
	[tilespmem:$0x18400] =	vst v63  }
.Ltmp9:
0x231: {  	_ = 	snop;
	(pc) =	sbr.rel @p0 .LBB2_16-.Ltmp9, $4  }
0x232: {  	s31 =	sadd.s32 $0x1C00, s0  }
0x233: {  	[hbm4b:s31+s21] =	stream.strided.scatter [tilespmem:s26], [sflag:$0x4], $0x400, s22, s21, $0x38;
	[tilespmem:$0x18400] =	vst v63  }
0x234: {  	s0 =	sadd.s32 $0x1C20, s0  }
0x235: {  	[hbm4b:s0+s21] =	stream.strided.scatter [tilespmem:s28], [sflag:$0x4], $0x400, s22, s21, $0x38;
	[tilespmem:$0x18400] =	vst v63  }
.Ltmp10:
0x236: {  	(pc) =	sbr.rel .LBB2_2-.Ltmp10, $4  }
0x237: {  	s0 =	sadd.s32 s30, s12  }
0x238: {  	s0 =	sshrl.u32 s0, $0x3  }
0x239: {  	s3 =	simm.s32 $0x4000;
	s29 =	sadd.s32 $0x1, s29;
	s0 =	sadd.s32 s1, s0  }
0x23a: {  	[tilespmem:s3], [sflag:$0x2] =	stream.strided.gather [hbm4b:s0+s17], $0x4000, s18, s17, $0x38;
	[tilespmem:$0x18400] =	vst v63  }
.LBB2_17:
0x23b: {  	_ =	sfence.sel $0x180000  }
0x23c: {  	[bflag:$0x0] =	sbarrier.arrive $0xFFFF  }
0x23d: {  	_ =	strace $0x90000047  }
0x23e: {  	s0 =	stileid.u32;
	[bflag:$0x2] =	sbarrier.arrive $0xFFFF  }
0x23f: {  	p0 =	sne.s32 s0, $0x0;
	s0 =	rddreg [dreg:$0x4]  }
0x240: {  	s0 =	sadd.s32 @!p0 $0x100000, s0  }
0x241: {  	[sflag:s0] =	ssyncadd.tile.s32 @!p0 $0x1;
	_ =	shalt  }
.Lfunc_end2:
_tile_overlayer_lowered:
.L_overlay_start_2:
0x242: {  	(tag) =	ssettag $0x2  }
0x243: {  	s0 =	rddreg [dreg:$0x0];
	s2 =	stileid.u32  }
0x244: {  	s1 =	rddreg [dreg:$0x1];
	p0 =	sne.s32 s2, $0x0  }
0x245: {  	s3 =	rddreg [dreg:$0x2];
	[bflag:$0x3] =	sbarrier.arrive $0xFFFF;
	s2 =	simm.s32 @!p0 $0x1C05  }
0x246: {  	[timem:s3], [sflag:s2] =	dma.local @!p0 [hbm:s0], s1  }
0x247: {  	s0 =	simm.s32 @!p0 $0x5  }
0x248: {  	_ =	swait.ge @!p0 [sflag:s0], s1  }
0x249: {  	s1 =	ssub.s32 @!p0 $0x0, s1;
	[sflag:s0] =	ssyncset.done @!p0 $0x0  }
0x24a: {  	[sflag:s0] =	ssyncadd.s32 @!p0 s1  }
0x24b: {  	[bflag:$0x3] =	sbarrier.arrive $0xFFFF  }
0x24c: {  	_ =	shalt  }

</sc_bundles>
